<compile_context>
chip_gen: v7x
topology: tpu7x:2x2x1
jax: 0.10.2.dev20260603
libtpu: 0.0.44.dev20260713+nightly
codegen_flags: <defaults>
</compile_context>

<pallas_src>
import functools

import jax
import jax.numpy as jnp
from jax import lax
from jax.experimental import pallas as pl
from jax.experimental.pallas import tpu as pltpu
from jax.experimental.pallas import tpu_sc as plsc

NUM_LABELS = 1000
LATENT_DIM = 512
TOPK = 10
BLOCK_B = 1024
BATCH = 16384

_NEG_INF = float("-inf")

NW = 32
RPW = BATCH // NW
CH = 8
NCH = RPW // CH
ROW_PAD = 1024


def _tc_logits_block(z_ref, e_ref, esq_ref, logits_ref, pad_ref):
    z = z_ref[...]
    e = e_ref[...]
    z_sq = jnp.sum(z * z, axis=1, keepdims=True)
    e_sq = esq_ref[...]
    dots = jax.lax.dot_general(
        z, e, (((1,), (1,)), ((), ())), preferred_element_type=jnp.float32)
    logits = 2.0 * dots - z_sq - e_sq
    logits_ref[...] = logits
    pad_ref[:, : NUM_LABELS] = logits
    pad_ref[:, NUM_LABELS:] = jnp.full(
        (logits.shape[0], ROW_PAD - NUM_LABELS), _NEG_INF, jnp.float32)


def _tc_logits(z, label_emb, e_sq):
    n_blocks = BATCH // BLOCK_B
    return pl.pallas_call(
        _tc_logits_block,
        grid=(n_blocks,),
        in_specs=[
            pl.BlockSpec((BLOCK_B, LATENT_DIM), lambda i: (i, 0)),
            pl.BlockSpec((NUM_LABELS, LATENT_DIM), lambda i: (0, 0)),
            pl.BlockSpec((1, NUM_LABELS), lambda i: (0, 0)),
        ],
        out_specs=(
            pl.BlockSpec((BLOCK_B, NUM_LABELS), lambda i: (i, 0)),
            pl.BlockSpec((BLOCK_B, ROW_PAD), lambda i: (i, 0)),
        ),
        out_shape=(
            jax.ShapeDtypeStruct((BATCH, NUM_LABELS), jnp.float32),
            jax.ShapeDtypeStruct((BATCH, ROW_PAD), jnp.float32),
        ),
    )(z, label_emb, e_sq)


@functools.partial(
    pl.kernel,
    mesh=plsc.VectorSubcoreMesh(core_axis_name="c", subcore_axis_name="s"),
    out_type=(
        jax.ShapeDtypeStruct((BATCH, 16), jnp.float32),
        jax.ShapeDtypeStruct((BATCH, 16), jnp.int32),
    ),
    scratch_types=[
        pltpu.VMEM((CH, ROW_PAD), jnp.float32),
        pltpu.VMEM((CH, 16), jnp.float32),
        pltpu.VMEM((CH, 16), jnp.int32),
    ],
)
def _sc_topk(pad_hbm, vals_hbm, idx_hbm, buf, vbuf, ibuf):
    wid = lax.axis_index("s") * 2 + lax.axis_index("c")
    base = wid * RPW
    iota = lax.iota(jnp.int32, 16)
    neg = jnp.full((16,), _NEG_INF, jnp.float32)
    bigl = jnp.full((16,), 1.0e9, jnp.float32)

    def _shuffle(x, idx):
        dnums = lax.GatherDimensionNumbers(
            offset_dims=(), collapsed_slice_dims=(0,), start_index_map=(0,))
        return lax.gather(
            x, idx[:, None], dnums, (1,),
            mode=lax.GatherScatterMode.PROMISE_IN_BOUNDS)

    def _xlane_max(x):
        for sh in (8, 4, 2, 1):
            x = jnp.maximum(x, _shuffle(x, iota ^ sh))
        return x

    def _xlane_min(x):
        for sh in (8, 4, 2, 1):
            x = jnp.minimum(x, _shuffle(x, iota ^ sh))
        return x

    def chunk_body(jc, _):
        r0 = base + jc * CH
        pltpu.sync_copy(pad_hbm.at[pl.ds(r0, CH)], buf)
        for r in range(CH):

            def sweep(c, carry):
                L, I = carry
                o = pl.multiple_of(c * 16, 16)
                v = buf[r, pl.ds(o, 16)]
                li = (o + iota).astype(jnp.float32)
                for j in range(TOPK):
                    swap = v > L[j]
                    nv = jnp.where(swap, L[j], v)
                    ni = jnp.where(swap, I[j], li)
                    L[j] = jnp.where(swap, v, L[j])
                    I[j] = jnp.where(swap, li, I[j])
                    v, li = nv, ni
                return (L, I)

            L0 = [neg] * TOPK
            I0 = [bigl] * TOPK
            L, I = lax.fori_loop(0, ROW_PAD // 16, sweep, (L0, I0))

            def extract(k, carry):
                L, I, vvec, ivec = carry
                gm = _xlane_max(L[0])
                hit = L[0] == gm
                gi = _xlane_min(jnp.where(hit, I[0], bigl))
                kk = iota == k
                vvec = jnp.where(kk, gm, vvec)
                ivec = jnp.where(kk, gi, ivec)
                lm = hit & (I[0] == gi)
                for j in range(TOPK - 1):
                    L[j] = jnp.where(lm, L[j + 1], L[j])
                    I[j] = jnp.where(lm, I[j + 1], I[j])
                L[TOPK - 1] = jnp.where(lm, neg, L[TOPK - 1])
                I[TOPK - 1] = jnp.where(lm, bigl, I[TOPK - 1])
                return (L, I, vvec, ivec)

            _, _, vvec, ivec = lax.fori_loop(
                0, TOPK, extract, (L, I, neg, bigl))
            vbuf[r, :] = vvec
            ibuf[r, :] = ivec.astype(jnp.int32)
        pltpu.sync_copy(vbuf, vals_hbm.at[pl.ds(r0, CH)])
        pltpu.sync_copy(ibuf, idx_hbm.at[pl.ds(r0, CH)])
        return 0

    lax.fori_loop(0, NCH, chunk_body, 0)


@jax.jit
def kernel(z, label_emb):
    e_sq = jnp.sum(label_emb * label_emb, axis=1)[None, :]
    logits, logits_pad = _tc_logits(z, label_emb, e_sq)
    vals16, idx16 = _sc_topk(logits_pad)
    return logits, vals16[:, :TOPK], idx16[:, :TOPK]

# --- scband reference (transcript-rebuilt; emitter-appended) ---
"""Pipeline reference for scband-learning-with-adaptive-labels-25864293057239 (READ-ONLY COPY).

The authoritative reference and input builder live on the scoring server;
editing this copy changes nothing except your own understanding.
"""

import jax, jax.numpy as jnp
import numpy as np

NUM_LABELS = 1000
LATENT_DIM = 512
BATCH = 16384
TOPK = 10


def setup_inputs(seed: int = 0) -> dict:
    key = jax.random.key(seed)
    k1, k2 = jax.random.split(key, 2)
    # encoder outputs / queries
    z = jax.random.normal(k1, (BATCH, LATENT_DIM), dtype=jnp.float32)
    # learned adaptive label embeddings (the 'last_z_of_label' buffer in the
    # original module, i.e. per-class centroids in latent space)
    label_emb = jax.random.normal(k2, (NUM_LABELS, LATENT_DIM), dtype=jnp.float32)
    return {"z": z, "label_emb": label_emb}


def reference(z, label_emb):
    # Learning-with-Adaptive-Labels inference: classify each latent vector by
    # (negative squared) euclidean distance to every adaptive label embedding,
    # i.e. a dense 1-NN / k-NN retrieval over the label centroid table.
    #   -||z - e||^2 = 2 z.e - ||z||^2 - ||e||^2
    z_sq = jnp.sum(z * z, axis=1, keepdims=True)            # [B, 1]
    e_sq = jnp.sum(label_emb * label_emb, axis=1)[None, :]  # [1, C]
    logits = 2.0 * (z @ label_emb.T) - z_sq - e_sq           # [B, C]
    # k nearest label embeddings per query (retrieval output)
    topk_vals, topk_idx = jax.lax.top_k(logits, TOPK)
    return logits, topk_vals, topk_idx

if __name__ == "__main__":
    import jax
    _d = setup_inputs()
    print(jax.jit(kernel)(*tuple(_d.values())))

</pallas_src>

<mosaic_0001>
#map = affine_map<(d0, d1) -> (0, 0)>
module attributes {stable_mosaic.version = 14 : i64} {
  func.func @_sc_topk(%arg0: i32, %arg1: i32, %arg2: memref<16384x1024xf32, #tpu.memory_space<hbm>>, %arg3: memref<16384x16xf32, #tpu.memory_space<hbm>>, %arg4: memref<16384x16xi32, #tpu.memory_space<hbm>>, %arg5: memref<8x1024xf32, #tpu.memory_space<vmem>>, %arg6: memref<8x16xf32, #tpu.memory_space<vmem>>, %arg7: memref<8x16xi32, #tpu.memory_space<vmem>>) attributes {dimension_semantics = [#tpu.dimension_semantics<core_parallel>, #tpu.dimension_semantics<subcore_parallel>], iteration_bounds = array<i64: 2, 16>, scalar_prefetch = 0 : i64, scratch_operands = 3 : i64, tpu.core_type = #tpu.core_type<sc_vector_subcore>, window_params = [{transform_indices = #map}, {transform_indices = #map}, {transform_indices = #map}]} {
    %mul3A = arith.constant 2 : i32
    %mul3A_0 = arith.muli %arg1, %mul3A : i32
    %add3A = arith.addi %mul3A_0, %arg0 : i32
    %mul3A_1 = arith.constant 512 : i32
    %mul3A_2 = arith.muli %add3A, %mul3A_1 : i32
    %iota3A = tpu.iota {dimensions = array<i32: 0>} : vector<16xi32>
    %broadcast_in_dim3A = arith.constant 0xFF800000 : f32
    %broadcast_in_dim3A_3 = vector.broadcast %broadcast_in_dim3A : f32 to vector<16xf32>
    %broadcast_in_dim3A_4 = arith.constant 1.000000e+09 : f32
    %broadcast_in_dim3A_5 = vector.broadcast %broadcast_in_dim3A_4 : f32 to vector<16xf32>
    %scan3A = arith.constant 0 : i32
    %scan3A_6 = arith.constant 0 : i32
    %scan3A_7 = arith.constant 64 : i32
    %scan3A_8 = arith.addi %scan3A_6, %scan3A_7 : i32
    %scan3A_9 = arith.constant 1 : i32
    %scan3A_10 = scf.for %scan3A_12 = %scan3A_6 to %scan3A_8 step %scan3A_9 iter_args(%scan3A_13 = %scan3A) -> (i32)  : i32 {
      %mul3A_14 = arith.constant 8 : i32
      %mul3A_15 = arith.muli %scan3A_12, %mul3A_14 : i32
      %add3A_16 = arith.addi %mul3A_2, %mul3A_15 : i32
      "tpu.region"() ({
        %run_scoped3A = tpu.sem_alloc : memref<!tpu.dma_semaphore, #tpu.memory_space<semaphore_mem>>
        %dma_start3A = arith.constant 0 : i32
        %dma_start3A_216 = tpu.memref_slice %arg2[%add3A_16, %dma_start3A] : memref<16384x1024xf32, #tpu.memory_space<hbm>> -> memref<8x1024xf32, #tpu.memory_space<hbm>>
        %dma_start3A_217 = arith.constant 0 : i32
        %dma_start3A_218 = tpu.memref_slice %arg2[%add3A_16, %dma_start3A_217] : memref<16384x1024xf32, #tpu.memory_space<hbm>> -> memref<8x1024xf32, #tpu.memory_space<hbm>>
        tpu.enqueue_dma source(%dma_start3A_218 : memref<8x1024xf32, #tpu.memory_space<hbm>>) target(%arg5 : memref<8x1024xf32, #tpu.memory_space<vmem>>) target_semaphore(%run_scoped3A : memref<!tpu.dma_semaphore, #tpu.memory_space<semaphore_mem>>)
        %dma_wait3A = arith.constant 0 : i32
        %dma_wait3A_219 = tpu.memref_slice %arg2[%add3A_16, %dma_wait3A] : memref<16384x1024xf32, #tpu.memory_space<hbm>> -> memref<8x1024xf32, #tpu.memory_space<hbm>>
        %dma_wait3A_220 = arith.constant 0 : i32
        %dma_wait3A_221 = tpu.memref_slice %arg2[%add3A_16, %dma_wait3A_220] : memref<16384x1024xf32, #tpu.memory_space<hbm>> -> memref<8x1024xf32, #tpu.memory_space<hbm>>
        tpu.wait_dma2 semaphore(%run_scoped3A : memref<!tpu.dma_semaphore, #tpu.memory_space<semaphore_mem>>) src(%dma_wait3A_221 : memref<8x1024xf32, #tpu.memory_space<hbm>>) dst(%arg5 : memref<8x1024xf32, #tpu.memory_space<vmem>>)
        tpu.yield
      }) : () -> ()
      %scan3A_17 = arith.constant 0 : i32
      %scan3A_18 = arith.constant 64 : i32
      %scan3A_19 = arith.addi %scan3A_17, %scan3A_18 : i32
      %scan3A_20 = arith.constant 1 : i32
      %scan3A_21:20 = scf.for %scan3A_216 = %scan3A_17 to %scan3A_19 step %scan3A_20 iter_args(%scan3A_217 = %broadcast_in_dim3A_3, %scan3A_218 = %broadcast_in_dim3A_3, %scan3A_219 = %broadcast_in_dim3A_3, %scan3A_220 = %broadcast_in_dim3A_3, %scan3A_221 = %broadcast_in_dim3A_3, %scan3A_222 = %broadcast_in_dim3A_3, %scan3A_223 = %broadcast_in_dim3A_3, %scan3A_224 = %broadcast_in_dim3A_3, %scan3A_225 = %broadcast_in_dim3A_3, %scan3A_226 = %broadcast_in_dim3A_3, %scan3A_227 = %broadcast_in_dim3A_5, %scan3A_228 = %broadcast_in_dim3A_5, %scan3A_229 = %broadcast_in_dim3A_5, %scan3A_230 = %broadcast_in_dim3A_5, %scan3A_231 = %broadcast_in_dim3A_5, %scan3A_232 = %broadcast_in_dim3A_5, %scan3A_233 = %broadcast_in_dim3A_5, %scan3A_234 = %broadcast_in_dim3A_5, %scan3A_235 = %broadcast_in_dim3A_5, %scan3A_236 = %broadcast_in_dim3A_5) -> (vector<16xf32>, vector<16xf32>, vector<16xf32>, vector<16xf32>, vector<16xf32>, vector<16xf32>, vector<16xf32>, vector<16xf32>, vector<16xf32>, vector<16xf32>, vector<16xf32>, vector<16xf32>, vector<16xf32>, vector<16xf32>, vector<16xf32>, vector<16xf32>, vector<16xf32>, vector<16xf32>, vector<16xf32>, vector<16xf32>)  : i32 {
        %mul3A_237 = arith.constant 16 : i32
        %mul3A_238 = arith.muli %scan3A_216, %mul3A_237 : i32
        %multiple_of3A = tpu.assume_multiple %mul3A_238, 16 : i32
        %get3A = arith.constant 0 : i32
        %get3A_239 = arith.index_cast %get3A : i32 to index
        %get3A_240 = arith.index_cast %multiple_of3A : i32 to index
        %get3A_241 = tpu.vector_load %arg5[%get3A_239, %get3A_240] {strides = array<i32>} : memref<8x1024xf32, #tpu.memory_space<vmem>>, vector<1x16xf32>,
        %get3A_242 = vector.shape_cast %get3A_241 : vector<1x16xf32> to vector<16xf32>
        %add3A_243 = vector.broadcast %multiple_of3A : i32 to vector<16xi32>
        %add3A_244 = arith.addi %add3A_243, %iota3A : vector<16xi32>
        %convert_element_type3A_245 = arith.sitofp %add3A_244 : vector<16xi32> to vector<16xf32>
        %gt3A = arith.cmpf ogt, %get3A_242, %scan3A_217 : vector<16xf32>
        %select_n3A = arith.select %gt3A, %scan3A_217, %get3A_242 : vector<16xi1>, vector<16xf32>
        %select_n3A_246 = arith.select %gt3A, %scan3A_227, %convert_element_type3A_245 : vector<16xi1>, vector<16xf32>
        %select_n3A_247 = arith.select %gt3A, %get3A_242, %scan3A_217 : vector<16xi1>, vector<16xf32>
        %select_n3A_248 = arith.select %gt3A, %convert_element_type3A_245, %scan3A_227 : vector<16xi1>, vector<16xf32>
        %gt3A_249 = arith.cmpf ogt, %select_n3A, %scan3A_218 : vector<16xf32>
        %select_n3A_250 = arith.select %gt3A_249, %scan3A_218, %select_n3A : vector<16xi1>, vector<16xf32>
        %select_n3A_251 = arith.select %gt3A_249, %scan3A_228, %select_n3A_246 : vector<16xi1>, vector<16xf32>
        %select_n3A_252 = arith.select %gt3A_249, %select_n3A, %scan3A_218 : vector<16xi1>, vector<16xf32>
        %select_n3A_253 = arith.select %gt3A_249, %select_n3A_246, %scan3A_228 : vector<16xi1>, vector<16xf32>
        %gt3A_254 = arith.cmpf ogt, %select_n3A_250, %scan3A_219 : vector<16xf32>
        %select_n3A_255 = arith.select %gt3A_254, %scan3A_219, %select_n3A_250 : vector<16xi1>, vector<16xf32>
        %select_n3A_256 = arith.select %gt3A_254, %scan3A_229, %select_n3A_251 : vector<16xi1>, vector<16xf32>
        %select_n3A_257 = arith.select %gt3A_254, %select_n3A_250, %scan3A_219 : vector<16xi1>, vector<16xf32>
        %select_n3A_258 = arith.select %gt3A_254, %select_n3A_251, %scan3A_229 : vector<16xi1>, vector<16xf32>
        %gt3A_259 = arith.cmpf ogt, %select_n3A_255, %scan3A_220 : vector<16xf32>
        %select_n3A_260 = arith.select %gt3A_259, %scan3A_220, %select_n3A_255 : vector<16xi1>, vector<16xf32>
        %select_n3A_261 = arith.select %gt3A_259, %scan3A_230, %select_n3A_256 : vector<16xi1>, vector<16xf32>
        %select_n3A_262 = arith.select %gt3A_259, %select_n3A_255, %scan3A_220 : vector<16xi1>, vector<16xf32>
        %select_n3A_263 = arith.select %gt3A_259, %select_n3A_256, %scan3A_230 : vector<16xi1>, vector<16xf32>
        %gt3A_264 = arith.cmpf ogt, %select_n3A_260, %scan3A_221 : vector<16xf32>
        %select_n3A_265 = arith.select %gt3A_264, %scan3A_221, %select_n3A_260 : vector<16xi1>, vector<16xf32>
        %select_n3A_266 = arith.select %gt3A_264, %scan3A_231, %select_n3A_261 : vector<16xi1>, vector<16xf32>
        %select_n3A_267 = arith.select %gt3A_264, %select_n3A_260, %scan3A_221 : vector<16xi1>, vector<16xf32>
        %select_n3A_268 = arith.select %gt3A_264, %select_n3A_261, %scan3A_231 : vector<16xi1>, vector<16xf32>
        %gt3A_269 = arith.cmpf ogt, %select_n3A_265, %scan3A_222 : vector<16xf32>
        %select_n3A_270 = arith.select %gt3A_269, %scan3A_222, %select_n3A_265 : vector<16xi1>, vector<16xf32>
        %select_n3A_271 = arith.select %gt3A_269, %scan3A_232, %select_n3A_266 : vector<16xi1>, vector<16xf32>
        %select_n3A_272 = arith.select %gt3A_269, %select_n3A_265, %scan3A_222 : vector<16xi1>, vector<16xf32>
        %select_n3A_273 = arith.select %gt3A_269, %select_n3A_266, %scan3A_232 : vector<16xi1>, vector<16xf32>
        %gt3A_274 = arith.cmpf ogt, %select_n3A_270, %scan3A_223 : vector<16xf32>
        %select_n3A_275 = arith.select %gt3A_274, %scan3A_223, %select_n3A_270 : vector<16xi1>, vector<16xf32>
        %select_n3A_276 = arith.select %gt3A_274, %scan3A_233, %select_n3A_271 : vector<16xi1>, vector<16xf32>
        %select_n3A_277 = arith.select %gt3A_274, %select_n3A_270, %scan3A_223 : vector<16xi1>, vector<16xf32>
        %select_n3A_278 = arith.select %gt3A_274, %select_n3A_271, %scan3A_233 : vector<16xi1>, vector<16xf32>
        %gt3A_279 = arith.cmpf ogt, %select_n3A_275, %scan3A_224 : vector<16xf32>
        %select_n3A_280 = arith.select %gt3A_279, %scan3A_224, %select_n3A_275 : vector<16xi1>, vector<16xf32>
        %select_n3A_281 = arith.select %gt3A_279, %scan3A_234, %select_n3A_276 : vector<16xi1>, vector<16xf32>
        %select_n3A_282 = arith.select %gt3A_279, %select_n3A_275, %scan3A_224 : vector<16xi1>, vector<16xf32>
        %select_n3A_283 = arith.select %gt3A_279, %select_n3A_276, %scan3A_234 : vector<16xi1>, vector<16xf32>
        %gt3A_284 = arith.cmpf ogt, %select_n3A_280, %scan3A_225 : vector<16xf32>
        %select_n3A_285 = arith.select %gt3A_284, %scan3A_225, %select_n3A_280 : vector<16xi1>, vector<16xf32>
        %select_n3A_286 = arith.select %gt3A_284, %scan3A_235, %select_n3A_281 : vector<16xi1>, vector<16xf32>
        %select_n3A_287 = arith.select %gt3A_284, %select_n3A_280, %scan3A_225 : vector<16xi1>, vector<16xf32>
        %select_n3A_288 = arith.select %gt3A_284, %select_n3A_281, %scan3A_235 : vector<16xi1>, vector<16xf32>
        %gt3A_289 = arith.cmpf ogt, %select_n3A_285, %scan3A_226 : vector<16xf32>
        %select_n3A_290 = arith.select %gt3A_289, %scan3A_226, %select_n3A_285 : vector<16xi1>, vector<16xf32>
        %select_n3A_291 = arith.select %gt3A_289, %scan3A_236, %select_n3A_286 : vector<16xi1>, vector<16xf32>
        %select_n3A_292 = arith.select %gt3A_289, %select_n3A_285, %scan3A_226 : vector<16xi1>, vector<16xf32>
        %select_n3A_293 = arith.select %gt3A_289, %select_n3A_286, %scan3A_236 : vector<16xi1>, vector<16xf32>
        scf.yield %select_n3A_247, %select_n3A_252, %select_n3A_257, %select_n3A_262, %select_n3A_267, %select_n3A_272, %select_n3A_277, %select_n3A_282, %select_n3A_287, %select_n3A_292, %select_n3A_248, %select_n3A_253, %select_n3A_258, %select_n3A_263, %select_n3A_268, %select_n3A_273, %select_n3A_278, %select_n3A_283, %select_n3A_288, %select_n3A_293 : vector<16xf32>, vector<16xf32>, vector<16xf32>, vector<16xf32>, vector<16xf32>, vector<16xf32>, vector<16xf32>, vector<16xf32>, vector<16xf32>, vector<16xf32>, vector<16xf32>, vector<16xf32>, vector<16xf32>, vector<16xf32>, vector<16xf32>, vector<16xf32>, vector<16xf32>, vector<16xf32>, vector<16xf32>, vector<16xf32>
      }
      %scan3A_22 = arith.constant 64 : i32
      %scan3A_23 = arith.constant 0 : i32
      %scan3A_24 = arith.constant 10 : i32
      %scan3A_25 = arith.addi %scan3A_23, %scan3A_24 : i32
      %scan3A_26 = arith.constant 1 : i32
      %scan3A_27:22 = scf.for %scan3A_216 = %scan3A_23 to %scan3A_25 step %scan3A_26 iter_args(%scan3A_217 = %scan3A_21#0, %scan3A_218 = %scan3A_21#1, %scan3A_219 = %scan3A_21#2, %scan3A_220 = %scan3A_21#3, %scan3A_221 = %scan3A_21#4, %scan3A_222 = %scan3A_21#5, %scan3A_223 = %scan3A_21#6, %scan3A_224 = %scan3A_21#7, %scan3A_225 = %scan3A_21#8, %scan3A_226 = %scan3A_21#9, %scan3A_227 = %scan3A_21#10, %scan3A_228 = %scan3A_21#11, %scan3A_229 = %scan3A_21#12, %scan3A_230 = %scan3A_21#13, %scan3A_231 = %scan3A_21#14, %scan3A_232 = %scan3A_21#15, %scan3A_233 = %scan3A_21#16, %scan3A_234 = %scan3A_21#17, %scan3A_235 = %scan3A_21#18, %scan3A_236 = %scan3A_21#19, %scan3A_237 = %broadcast_in_dim3A_3, %scan3A_238 = %broadcast_in_dim3A_5) -> (vector<16xf32>, vector<16xf32>, vector<16xf32>, vector<16xf32>, vector<16xf32>, vector<16xf32>, vector<16xf32>, vector<16xf32>, vector<16xf32>, vector<16xf32>, vector<16xf32>, vector<16xf32>, vector<16xf32>, vector<16xf32>, vector<16xf32>, vector<16xf32>, vector<16xf32>, vector<16xf32>, vector<16xf32>, vector<16xf32>, vector<16xf32>, vector<16xf32>)  : i32 {
        %xor3A = arith.constant 8 : i32
        %xor3A_239 = vector.broadcast %xor3A : i32 to vector<16xi32>
        %xor3A_240 = arith.xori %iota3A, %xor3A_239 : vector<16xi32>
        %broadcast_in_dim3A_241 = vector.shape_cast %xor3A_240 : vector<16xi32> to vector<16x1xi32>
        %gather3A = vector.shape_cast %broadcast_in_dim3A_241 : vector<16x1xi32> to vector<16xi32>
        %gather3A_242 = tpu.dynamic_gather %scan3A_217[%gather3A] in [0] : vector<16xf32>, vector<16xi32> -> vector<16xf32>
        %max3A = arith.maximumf %scan3A_217, %gather3A_242 : vector<16xf32>
        %xor3A_243 = arith.constant 4 : i32
        %xor3A_244 = vector.broadcast %xor3A_243 : i32 to vector<16xi32>
        %xor3A_245 = arith.xori %iota3A, %xor3A_244 : vector<16xi32>
        %broadcast_in_dim3A_246 = vector.shape_cast %xor3A_245 : vector<16xi32> to vector<16x1xi32>
        %gather3A_247 = vector.shape_cast %broadcast_in_dim3A_246 : vector<16x1xi32> to vector<16xi32>
        %gather3A_248 = tpu.dynamic_gather %max3A[%gather3A_247] in [0] : vector<16xf32>, vector<16xi32> -> vector<16xf32>
        %max3A_249 = arith.maximumf %max3A, %gather3A_248 : vector<16xf32>
        %xor3A_250 = arith.constant 2 : i32
        %xor3A_251 = vector.broadcast %xor3A_250 : i32 to vector<16xi32>
        %xor3A_252 = arith.xori %iota3A, %xor3A_251 : vector<16xi32>
        %broadcast_in_dim3A_253 = vector.shape_cast %xor3A_252 : vector<16xi32> to vector<16x1xi32>
        %gather3A_254 = vector.shape_cast %broadcast_in_dim3A_253 : vector<16x1xi32> to vector<16xi32>
        %gather3A_255 = tpu.dynamic_gather %max3A_249[%gather3A_254] in [0] : vector<16xf32>, vector<16xi32> -> vector<16xf32>
        %max3A_256 = arith.maximumf %max3A_249, %gather3A_255 : vector<16xf32>
        %xor3A_257 = arith.constant 1 : i32
        %xor3A_258 = vector.broadcast %xor3A_257 : i32 to vector<16xi32>
        %xor3A_259 = arith.xori %iota3A, %xor3A_258 : vector<16xi32>
        %broadcast_in_dim3A_260 = vector.shape_cast %xor3A_259 : vector<16xi32> to vector<16x1xi32>
        %gather3A_261 = vector.shape_cast %broadcast_in_dim3A_260 : vector<16x1xi32> to vector<16xi32>
        %gather3A_262 = tpu.dynamic_gather %max3A_256[%gather3A_261] in [0] : vector<16xf32>, vector<16xi32> -> vector<16xf32>
        %max3A_263 = arith.maximumf %max3A_256, %gather3A_262 : vector<16xf32>
        %eq3A = arith.cmpf oeq, %scan3A_217, %max3A_263 : vector<16xf32>
        %select_n3A = arith.select %eq3A, %scan3A_227, %broadcast_in_dim3A_5 : vector<16xi1>, vector<16xf32>
        %xor3A_264 = arith.constant 8 : i32
        %xor3A_265 = vector.broadcast %xor3A_264 : i32 to vector<16xi32>
        %xor3A_266 = arith.xori %iota3A, %xor3A_265 : vector<16xi32>
        %broadcast_in_dim3A_267 = vector.shape_cast %xor3A_266 : vector<16xi32> to vector<16x1xi32>
        %gather3A_268 = vector.shape_cast %broadcast_in_dim3A_267 : vector<16x1xi32> to vector<16xi32>
        %gather3A_269 = tpu.dynamic_gather %select_n3A[%gather3A_268] in [0] : vector<16xf32>, vector<16xi32> -> vector<16xf32>
        %min3A = arith.minimumf %select_n3A, %gather3A_269 : vector<16xf32>
        %xor3A_270 = arith.constant 4 : i32
        %xor3A_271 = vector.broadcast %xor3A_270 : i32 to vector<16xi32>
        %xor3A_272 = arith.xori %iota3A, %xor3A_271 : vector<16xi32>
        %broadcast_in_dim3A_273 = vector.shape_cast %xor3A_272 : vector<16xi32> to vector<16x1xi32>
        %gather3A_274 = vector.shape_cast %broadcast_in_dim3A_273 : vector<16x1xi32> to vector<16xi32>
        %gather3A_275 = tpu.dynamic_gather %min3A[%gather3A_274] in [0] : vector<16xf32>, vector<16xi32> -> vector<16xf32>
        %min3A_276 = arith.minimumf %min3A, %gather3A_275 : vector<16xf32>
        %xor3A_277 = arith.constant 2 : i32
        %xor3A_278 = vector.broadcast %xor3A_277 : i32 to vector<16xi32>
        %xor3A_279 = arith.xori %iota3A, %xor3A_278 : vector<16xi32>
        %broadcast_in_dim3A_280 = vector.shape_cast %xor3A_279 : vector<16xi32> to vector<16x1xi32>
        %gather3A_281 = vector.shape_cast %broadcast_in_dim3A_280 : vector<16x1xi32> to vector<16xi32>
        %gather3A_282 = tpu.dynamic_gather %min3A_276[%gather3A_281] in [0] : vector<16xf32>, vector<16xi32> -> vector<16xf32>
        %min3A_283 = arith.minimumf %min3A_276, %gather3A_282 : vector<16xf32>
        %xor3A_284 = arith.constant 1 : i32
        %xor3A_285 = vector.broadcast %xor3A_284 : i32 to vector<16xi32>
        %xor3A_286 = arith.xori %iota3A, %xor3A_285 : vector<16xi32>
        %broadcast_in_dim3A_287 = vector.shape_cast %xor3A_286 : vector<16xi32> to vector<16x1xi32>
        %gather3A_288 = vector.shape_cast %broadcast_in_dim3A_287 : vector<16x1xi32> to vector<16xi32>
        %gather3A_289 = tpu.dynamic_gather %min3A_283[%gather3A_288] in [0] : vector<16xf32>, vector<16xi32> -> vector<16xf32>
        %min3A_290 = arith.minimumf %min3A_283, %gather3A_289 : vector<16xf32>
        %eq3A_291 = vector.broadcast %scan3A_216 : i32 to vector<16xi32>
        %eq3A_292 = arith.cmpi eq, %iota3A, %eq3A_291 : vector<16xi32>
        %select_n3A_293 = arith.select %eq3A_292, %max3A_263, %scan3A_237 : vector<16xi1>, vector<16xf32>
        %select_n3A_294 = arith.select %eq3A_292, %min3A_290, %scan3A_238 : vector<16xi1>, vector<16xf32>
        %eq3A_295 = arith.cmpf oeq, %scan3A_227, %min3A_290 : vector<16xf32>
        %and3A = arith.andi %eq3A, %eq3A_295 : vector<16xi1>
        %select_n3A_296 = arith.select %and3A, %scan3A_218, %scan3A_217 : vector<16xi1>, vector<16xf32>
        %select_n3A_297 = arith.select %and3A, %scan3A_228, %scan3A_227 : vector<16xi1>, vector<16xf32>
        %select_n3A_298 = arith.select %and3A, %scan3A_219, %scan3A_218 : vector<16xi1>, vector<16xf32>
        %select_n3A_299 = arith.select %and3A, %scan3A_229, %scan3A_228 : vector<16xi1>, vector<16xf32>
        %select_n3A_300 = arith.select %and3A, %scan3A_220, %scan3A_219 : vector<16xi1>, vector<16xf32>
        %select_n3A_301 = arith.select %and3A, %scan3A_230, %scan3A_229 : vector<16xi1>, vector<16xf32>
        %select_n3A_302 = arith.select %and3A, %scan3A_221, %scan3A_220 : vector<16xi1>, vector<16xf32>
        %select_n3A_303 = arith.select %and3A, %scan3A_231, %scan3A_230 : vector<16xi1>, vector<16xf32>
        %select_n3A_304 = arith.select %and3A, %scan3A_222, %scan3A_221 : vector<16xi1>, vector<16xf32>
        %select_n3A_305 = arith.select %and3A, %scan3A_232, %scan3A_231 : vector<16xi1>, vector<16xf32>
        %select_n3A_306 = arith.select %and3A, %scan3A_223, %scan3A_222 : vector<16xi1>, vector<16xf32>
        %select_n3A_307 = arith.select %and3A, %scan3A_233, %scan3A_232 : vector<16xi1>, vector<16xf32>
        %select_n3A_308 = arith.select %and3A, %scan3A_224, %scan3A_223 : vector<16xi1>, vector<16xf32>
        %select_n3A_309 = arith.select %and3A, %scan3A_234, %scan3A_233 : vector<16xi1>, vector<16xf32>
        %select_n3A_310 = arith.select %and3A, %scan3A_225, %scan3A_224 : vector<16xi1>, vector<16xf32>
        %select_n3A_311 = arith.select %and3A, %scan3A_235, %scan3A_234 : vector<16xi1>, vector<16xf32>
        %select_n3A_312 = arith.select %and3A, %scan3A_226, %scan3A_225 : vector<16xi1>, vector<16xf32>
        %select_n3A_313 = arith.select %and3A, %scan3A_236, %scan3A_235 : vector<16xi1>, vector<16xf32>
        %select_n3A_314 = arith.select %and3A, %broadcast_in_dim3A_3, %scan3A_226 : vector<16xi1>, vector<16xf32>
        %select_n3A_315 = arith.select %and3A, %broadcast_in_dim3A_5, %scan3A_236 : vector<16xi1>, vector<16xf32>
        scf.yield %select_n3A_296, %select_n3A_298, %select_n3A_300, %select_n3A_302, %select_n3A_304, %select_n3A_306, %select_n3A_308, %select_n3A_310, %select_n3A_312, %select_n3A_314, %select_n3A_297, %select_n3A_299, %select_n3A_301, %select_n3A_303, %select_n3A_305, %select_n3A_307, %select_n3A_309, %select_n3A_311, %select_n3A_313, %select_n3A_315, %select_n3A_293, %select_n3A_294 : vector<16xf32>, vector<16xf32>, vector<16xf32>, vector<16xf32>, vector<16xf32>, vector<16xf32>, vector<16xf32>, vector<16xf32>, vector<16xf32>, vector<16xf32>, vector<16xf32>, vector<16xf32>, vector<16xf32>, vector<16xf32>, vector<16xf32>, vector<16xf32>, vector<16xf32>, vector<16xf32>, vector<16xf32>, vector<16xf32>, vector<16xf32>, vector<16xf32>
      }
      %scan3A_28 = arith.constant 10 : i32
      %swap3A = arith.constant 0 : i32
      %swap3A_29 = arith.index_cast %swap3A : i32 to index
      %swap3A_30 = arith.constant 0 : index
      %swap3A_31 = tpu.vector_load %arg6[%swap3A_29, %swap3A_30] {strides = array<i32>} : memref<8x16xf32, #tpu.memory_space<vmem>>, vector<1x16xf32>,
      %swap3A_32 = vector.shape_cast %swap3A_31 : vector<1x16xf32> to vector<16xf32>
      %swap3A_33 = vector.shape_cast %scan3A_27#20 : vector<16xf32> to vector<1x16xf32>
      tpu.vector_store %arg6[%swap3A_29, %swap3A_30], %swap3A_33 {strides = array<i32>} : memref<8x16xf32, #tpu.memory_space<vmem>>, vector<1x16xf32>,
      %convert_element_type3A = arith.fptosi %scan3A_27#21 : vector<16xf32> to vector<16xi32>
      %swap3A_34 = arith.constant 0 : i32
      %swap3A_35 = arith.index_cast %swap3A_34 : i32 to index
      %swap3A_36 = arith.constant 0 : index
      %swap3A_37 = tpu.vector_load %arg7[%swap3A_35, %swap3A_36] {strides = array<i32>} : memref<8x16xi32, #tpu.memory_space<vmem>>, vector<1x16xi32>,
      %swap3A_38 = vector.shape_cast %swap3A_37 : vector<1x16xi32> to vector<16xi32>
      %swap3A_39 = vector.shape_cast %convert_element_type3A : vector<16xi32> to vector<1x16xi32>
      tpu.vector_store %arg7[%swap3A_35, %swap3A_36], %swap3A_39 {strides = array<i32>} : memref<8x16xi32, #tpu.memory_space<vmem>>, vector<1x16xi32>,
      %scan3A_40 = arith.constant 0 : i32
      %scan3A_41 = arith.constant 64 : i32
      %scan3A_42 = arith.addi %scan3A_40, %scan3A_41 : i32
      %scan3A_43 = arith.constant 1 : i32
      %scan3A_44:20 = scf.for %scan3A_216 = %scan3A_40 to %scan3A_42 step %scan3A_43 iter_args(%scan3A_217 = %broadcast_in_dim3A_3, %scan3A_218 = %broadcast_in_dim3A_3, %scan3A_219 = %broadcast_in_dim3A_3, %scan3A_220 = %broadcast_in_dim3A_3, %scan3A_221 = %broadcast_in_dim3A_3, %scan3A_222 = %broadcast_in_dim3A_3, %scan3A_223 = %broadcast_in_dim3A_3, %scan3A_224 = %broadcast_in_dim3A_3, %scan3A_225 = %broadcast_in_dim3A_3, %scan3A_226 = %broadcast_in_dim3A_3, %scan3A_227 = %broadcast_in_dim3A_5, %scan3A_228 = %broadcast_in_dim3A_5, %scan3A_229 = %broadcast_in_dim3A_5, %scan3A_230 = %broadcast_in_dim3A_5, %scan3A_231 = %broadcast_in_dim3A_5, %scan3A_232 = %broadcast_in_dim3A_5, %scan3A_233 = %broadcast_in_dim3A_5, %scan3A_234 = %broadcast_in_dim3A_5, %scan3A_235 = %broadcast_in_dim3A_5, %scan3A_236 = %broadcast_in_dim3A_5) -> (vector<16xf32>, vector<16xf32>, vector<16xf32>, vector<16xf32>, vector<16xf32>, vector<16xf32>, vector<16xf32>, vector<16xf32>, vector<16xf32>, vector<16xf32>, vector<16xf32>, vector<16xf32>, vector<16xf32>, vector<16xf32>, vector<16xf32>, vector<16xf32>, vector<16xf32>, vector<16xf32>, vector<16xf32>, vector<16xf32>)  : i32 {
        %mul3A_237 = arith.constant 16 : i32
        %mul3A_238 = arith.muli %scan3A_216, %mul3A_237 : i32
        %multiple_of3A = tpu.assume_multiple %mul3A_238, 16 : i32
        %get3A = arith.constant 1 : i32
        %get3A_239 = arith.index_cast %get3A : i32 to index
        %get3A_240 = arith.index_cast %multiple_of3A : i32 to index
        %get3A_241 = tpu.vector_load %arg5[%get3A_239, %get3A_240] {strides = array<i32>} : memref<8x1024xf32, #tpu.memory_space<vmem>>, vector<1x16xf32>,
        %get3A_242 = vector.shape_cast %get3A_241 : vector<1x16xf32> to vector<16xf32>
        %add3A_243 = vector.broadcast %multiple_of3A : i32 to vector<16xi32>
        %add3A_244 = arith.addi %add3A_243, %iota3A : vector<16xi32>
        %convert_element_type3A_245 = arith.sitofp %add3A_244 : vector<16xi32> to vector<16xf32>
        %gt3A = arith.cmpf ogt, %get3A_242, %scan3A_217 : vector<16xf32>
        %select_n3A = arith.select %gt3A, %scan3A_217, %get3A_242 : vector<16xi1>, vector<16xf32>
        %select_n3A_246 = arith.select %gt3A, %scan3A_227, %convert_element_type3A_245 : vector<16xi1>, vector<16xf32>
        %select_n3A_247 = arith.select %gt3A, %get3A_242, %scan3A_217 : vector<16xi1>, vector<16xf32>
        %select_n3A_248 = arith.select %gt3A, %convert_element_type3A_245, %scan3A_227 : vector<16xi1>, vector<16xf32>
        %gt3A_249 = arith.cmpf ogt, %select_n3A, %scan3A_218 : vector<16xf32>
        %select_n3A_250 = arith.select %gt3A_249, %scan3A_218, %select_n3A : vector<16xi1>, vector<16xf32>
        %select_n3A_251 = arith.select %gt3A_249, %scan3A_228, %select_n3A_246 : vector<16xi1>, vector<16xf32>
        %select_n3A_252 = arith.select %gt3A_249, %select_n3A, %scan3A_218 : vector<16xi1>, vector<16xf32>
        %select_n3A_253 = arith.select %gt3A_249, %select_n3A_246, %scan3A_228 : vector<16xi1>, vector<16xf32>
        %gt3A_254 = arith.cmpf ogt, %select_n3A_250, %scan3A_219 : vector<16xf32>
        %select_n3A_255 = arith.select %gt3A_254, %scan3A_219, %select_n3A_250 : vector<16xi1>, vector<16xf32>
        %select_n3A_256 = arith.select %gt3A_254, %scan3A_229, %select_n3A_251 : vector<16xi1>, vector<16xf32>
        %select_n3A_257 = arith.select %gt3A_254, %select_n3A_250, %scan3A_219 : vector<16xi1>, vector<16xf32>
        %select_n3A_258 = arith.select %gt3A_254, %select_n3A_251, %scan3A_229 : vector<16xi1>, vector<16xf32>
        %gt3A_259 = arith.cmpf ogt, %select_n3A_255, %scan3A_220 : vector<16xf32>
        %select_n3A_260 = arith.select %gt3A_259, %scan3A_220, %select_n3A_255 : vector<16xi1>, vector<16xf32>
        %select_n3A_261 = arith.select %gt3A_259, %scan3A_230, %select_n3A_256 : vector<16xi1>, vector<16xf32>
        %select_n3A_262 = arith.select %gt3A_259, %select_n3A_255, %scan3A_220 : vector<16xi1>, vector<16xf32>
        %select_n3A_263 = arith.select %gt3A_259, %select_n3A_256, %scan3A_230 : vector<16xi1>, vector<16xf32>
        %gt3A_264 = arith.cmpf ogt, %select_n3A_260, %scan3A_221 : vector<16xf32>
        %select_n3A_265 = arith.select %gt3A_264, %scan3A_221, %select_n3A_260 : vector<16xi1>, vector<16xf32>
        %select_n3A_266 = arith.select %gt3A_264, %scan3A_231, %select_n3A_261 : vector<16xi1>, vector<16xf32>
        %select_n3A_267 = arith.select %gt3A_264, %select_n3A_260, %scan3A_221 : vector<16xi1>, vector<16xf32>
        %select_n3A_268 = arith.select %gt3A_264, %select_n3A_261, %scan3A_231 : vector<16xi1>, vector<16xf32>
        %gt3A_269 = arith.cmpf ogt, %select_n3A_265, %scan3A_222 : vector<16xf32>
        %select_n3A_270 = arith.select %gt3A_269, %scan3A_222, %select_n3A_265 : vector<16xi1>, vector<16xf32>
        %select_n3A_271 = arith.select %gt3A_269, %scan3A_232, %select_n3A_266 : vector<16xi1>, vector<16xf32>
        %select_n3A_272 = arith.select %gt3A_269, %select_n3A_265, %scan3A_222 : vector<16xi1>, vector<16xf32>
        %select_n3A_273 = arith.select %gt3A_269, %select_n3A_266, %scan3A_232 : vector<16xi1>, vector<16xf32>
        %gt3A_274 = arith.cmpf ogt, %select_n3A_270, %scan3A_223 : vector<16xf32>
        %select_n3A_275 = arith.select %gt3A_274, %scan3A_223, %select_n3A_270 : vector<16xi1>, vector<16xf32>
        %select_n3A_276 = arith.select %gt3A_274, %scan3A_233, %select_n3A_271 : vector<16xi1>, vector<16xf32>
        %select_n3A_277 = arith.select %gt3A_274, %select_n3A_270, %scan3A_223 : vector<16xi1>, vector<16xf32>
        %select_n3A_278 = arith.select %gt3A_274, %select_n3A_271, %scan3A_233 : vector<16xi1>, vector<16xf32>
        %gt3A_279 = arith.cmpf ogt, %select_n3A_275, %scan3A_224 : vector<16xf32>
        %select_n3A_280 = arith.select %gt3A_279, %scan3A_224, %select_n3A_275 : vector<16xi1>, vector<16xf32>
        %select_n3A_281 = arith.select %gt3A_279, %scan3A_234, %select_n3A_276 : vector<16xi1>, vector<16xf32>
        %select_n3A_282 = arith.select %gt3A_279, %select_n3A_275, %scan3A_224 : vector<16xi1>, vector<16xf32>
        %select_n3A_283 = arith.select %gt3A_279, %select_n3A_276, %scan3A_234 : vector<16xi1>, vector<16xf32>
        %gt3A_284 = arith.cmpf ogt, %select_n3A_280, %scan3A_225 : vector<16xf32>
        %select_n3A_285 = arith.select %gt3A_284, %scan3A_225, %select_n3A_280 : vector<16xi1>, vector<16xf32>
        %select_n3A_286 = arith.select %gt3A_284, %scan3A_235, %select_n3A_281 : vector<16xi1>, vector<16xf32>
        %select_n3A_287 = arith.select %gt3A_284, %select_n3A_280, %scan3A_225 : vector<16xi1>, vector<16xf32>
        %select_n3A_288 = arith.select %gt3A_284, %select_n3A_281, %scan3A_235 : vector<16xi1>, vector<16xf32>
        %gt3A_289 = arith.cmpf ogt, %select_n3A_285, %scan3A_226 : vector<16xf32>
        %select_n3A_290 = arith.select %gt3A_289, %scan3A_226, %select_n3A_285 : vector<16xi1>, vector<16xf32>
        %select_n3A_291 = arith.select %gt3A_289, %scan3A_236, %select_n3A_286 : vector<16xi1>, vector<16xf32>
        %select_n3A_292 = arith.select %gt3A_289, %select_n3A_285, %scan3A_226 : vector<16xi1>, vector<16xf32>
        %select_n3A_293 = arith.select %gt3A_289, %select_n3A_286, %scan3A_236 : vector<16xi1>, vector<16xf32>
        scf.yield %select_n3A_247, %select_n3A_252, %select_n3A_257, %select_n3A_262, %select_n3A_267, %select_n3A_272, %select_n3A_277, %select_n3A_282, %select_n3A_287, %select_n3A_292, %select_n3A_248, %select_n3A_253, %select_n3A_258, %select_n3A_263, %select_n3A_268, %select_n3A_273, %select_n3A_278, %select_n3A_283, %select_n3A_288, %select_n3A_293 : vector<16xf32>, vector<16xf32>, vector<16xf32>, vector<16xf32>, vector<16xf32>, vector<16xf32>, vector<16xf32>, vector<16xf32>, vector<16xf32>, vector<16xf32>, vector<16xf32>, vector<16xf32>, vector<16xf32>, vector<16xf32>, vector<16xf32>, vector<16xf32>, vector<16xf32>, vector<16xf32>, vector<16xf32>, vector<16xf32>
      }
      %scan3A_45 = arith.constant 64 : i32
      %scan3A_46 = arith.constant 0 : i32
      %scan3A_47 = arith.constant 10 : i32
      %scan3A_48 = arith.addi %scan3A_46, %scan3A_47 : i32
      %scan3A_49 = arith.constant 1 : i32
      %scan3A_50:22 = scf.for %scan3A_216 = %scan3A_46 to %scan3A_48 step %scan3A_49 iter_args(%scan3A_217 = %scan3A_44#0, %scan3A_218 = %scan3A_44#1, %scan3A_219 = %scan3A_44#2, %scan3A_220 = %scan3A_44#3, %scan3A_221 = %scan3A_44#4, %scan3A_222 = %scan3A_44#5, %scan3A_223 = %scan3A_44#6, %scan3A_224 = %scan3A_44#7, %scan3A_225 = %scan3A_44#8, %scan3A_226 = %scan3A_44#9, %scan3A_227 = %scan3A_44#10, %scan3A_228 = %scan3A_44#11, %scan3A_229 = %scan3A_44#12, %scan3A_230 = %scan3A_44#13, %scan3A_231 = %scan3A_44#14, %scan3A_232 = %scan3A_44#15, %scan3A_233 = %scan3A_44#16, %scan3A_234 = %scan3A_44#17, %scan3A_235 = %scan3A_44#18, %scan3A_236 = %scan3A_44#19, %scan3A_237 = %broadcast_in_dim3A_3, %scan3A_238 = %broadcast_in_dim3A_5) -> (vector<16xf32>, vector<16xf32>, vector<16xf32>, vector<16xf32>, vector<16xf32>, vector<16xf32>, vector<16xf32>, vector<16xf32>, vector<16xf32>, vector<16xf32>, vector<16xf32>, vector<16xf32>, vector<16xf32>, vector<16xf32>, vector<16xf32>, vector<16xf32>, vector<16xf32>, vector<16xf32>, vector<16xf32>, vector<16xf32>, vector<16xf32>, vector<16xf32>)  : i32 {
        %xor3A = arith.constant 8 : i32
        %xor3A_239 = vector.broadcast %xor3A : i32 to vector<16xi32>
        %xor3A_240 = arith.xori %iota3A, %xor3A_239 : vector<16xi32>
        %broadcast_in_dim3A_241 = vector.shape_cast %xor3A_240 : vector<16xi32> to vector<16x1xi32>
        %gather3A = vector.shape_cast %broadcast_in_dim3A_241 : vector<16x1xi32> to vector<16xi32>
        %gather3A_242 = tpu.dynamic_gather %scan3A_217[%gather3A] in [0] : vector<16xf32>, vector<16xi32> -> vector<16xf32>
        %max3A = arith.maximumf %scan3A_217, %gather3A_242 : vector<16xf32>
        %xor3A_243 = arith.constant 4 : i32
        %xor3A_244 = vector.broadcast %xor3A_243 : i32 to vector<16xi32>
        %xor3A_245 = arith.xori %iota3A, %xor3A_244 : vector<16xi32>
        %broadcast_in_dim3A_246 = vector.shape_cast %xor3A_245 : vector<16xi32> to vector<16x1xi32>
        %gather3A_247 = vector.shape_cast %broadcast_in_dim3A_246 : vector<16x1xi32> to vector<16xi32>
        %gather3A_248 = tpu.dynamic_gather %max3A[%gather3A_247] in [0] : vector<16xf32>, vector<16xi32> -> vector<16xf32>
        %max3A_249 = arith.maximumf %max3A, %gather3A_248 : vector<16xf32>
        %xor3A_250 = arith.constant 2 : i32
        %xor3A_251 = vector.broadcast %xor3A_250 : i32 to vector<16xi32>
        %xor3A_252 = arith.xori %iota3A, %xor3A_251 : vector<16xi32>
        %broadcast_in_dim3A_253 = vector.shape_cast %xor3A_252 : vector<16xi32> to vector<16x1xi32>
        %gather3A_254 = vector.shape_cast %broadcast_in_dim3A_253 : vector<16x1xi32> to vector<16xi32>
        %gather3A_255 = tpu.dynamic_gather %max3A_249[%gather3A_254] in [0] : vector<16xf32>, vector<16xi32> -> vector<16xf32>
        %max3A_256 = arith.maximumf %max3A_249, %gather3A_255 : vector<16xf32>
        %xor3A_257 = arith.constant 1 : i32
        %xor3A_258 = vector.broadcast %xor3A_257 : i32 to vector<16xi32>
        %xor3A_259 = arith.xori %iota3A, %xor3A_258 : vector<16xi32>
        %broadcast_in_dim3A_260 = vector.shape_cast %xor3A_259 : vector<16xi32> to vector<16x1xi32>
        %gather3A_261 = vector.shape_cast %broadcast_in_dim3A_260 : vector<16x1xi32> to vector<16xi32>
        %gather3A_262 = tpu.dynamic_gather %max3A_256[%gather3A_261] in [0] : vector<16xf32>, vector<16xi32> -> vector<16xf32>
        %max3A_263 = arith.maximumf %max3A_256, %gather3A_262 : vector<16xf32>
        %eq3A = arith.cmpf oeq, %scan3A_217, %max3A_263 : vector<16xf32>
        %select_n3A = arith.select %eq3A, %scan3A_227, %broadcast_in_dim3A_5 : vector<16xi1>, vector<16xf32>
        %xor3A_264 = arith.constant 8 : i32
        %xor3A_265 = vector.broadcast %xor3A_264 : i32 to vector<16xi32>
        %xor3A_266 = arith.xori %iota3A, %xor3A_265 : vector<16xi32>
        %broadcast_in_dim3A_267 = vector.shape_cast %xor3A_266 : vector<16xi32> to vector<16x1xi32>
        %gather3A_268 = vector.shape_cast %broadcast_in_dim3A_267 : vector<16x1xi32> to vector<16xi32>
        %gather3A_269 = tpu.dynamic_gather %select_n3A[%gather3A_268] in [0] : vector<16xf32>, vector<16xi32> -> vector<16xf32>
        %min3A = arith.minimumf %select_n3A, %gather3A_269 : vector<16xf32>
        %xor3A_270 = arith.constant 4 : i32
        %xor3A_271 = vector.broadcast %xor3A_270 : i32 to vector<16xi32>
        %xor3A_272 = arith.xori %iota3A, %xor3A_271 : vector<16xi32>
        %broadcast_in_dim3A_273 = vector.shape_cast %xor3A_272 : vector<16xi32> to vector<16x1xi32>
        %gather3A_274 = vector.shape_cast %broadcast_in_dim3A_273 : vector<16x1xi32> to vector<16xi32>
        %gather3A_275 = tpu.dynamic_gather %min3A[%gather3A_274] in [0] : vector<16xf32>, vector<16xi32> -> vector<16xf32>
        %min3A_276 = arith.minimumf %min3A, %gather3A_275 : vector<16xf32>
        %xor3A_277 = arith.constant 2 : i32
        %xor3A_278 = vector.broadcast %xor3A_277 : i32 to vector<16xi32>
        %xor3A_279 = arith.xori %iota3A, %xor3A_278 : vector<16xi32>
        %broadcast_in_dim3A_280 = vector.shape_cast %xor3A_279 : vector<16xi32> to vector<16x1xi32>
        %gather3A_281 = vector.shape_cast %broadcast_in_dim3A_280 : vector<16x1xi32> to vector<16xi32>
        %gather3A_282 = tpu.dynamic_gather %min3A_276[%gather3A_281] in [0] : vector<16xf32>, vector<16xi32> -> vector<16xf32>
        %min3A_283 = arith.minimumf %min3A_276, %gather3A_282 : vector<16xf32>
        %xor3A_284 = arith.constant 1 : i32
        %xor3A_285 = vector.broadcast %xor3A_284 : i32 to vector<16xi32>
        %xor3A_286 = arith.xori %iota3A, %xor3A_285 : vector<16xi32>
        %broadcast_in_dim3A_287 = vector.shape_cast %xor3A_286 : vector<16xi32> to vector<16x1xi32>
        %gather3A_288 = vector.shape_cast %broadcast_in_dim3A_287 : vector<16x1xi32> to vector<16xi32>
        %gather3A_289 = tpu.dynamic_gather %min3A_283[%gather3A_288] in [0] : vector<16xf32>, vector<16xi32> -> vector<16xf32>
        %min3A_290 = arith.minimumf %min3A_283, %gather3A_289 : vector<16xf32>
        %eq3A_291 = vector.broadcast %scan3A_216 : i32 to vector<16xi32>
        %eq3A_292 = arith.cmpi eq, %iota3A, %eq3A_291 : vector<16xi32>
        %select_n3A_293 = arith.select %eq3A_292, %max3A_263, %scan3A_237 : vector<16xi1>, vector<16xf32>
        %select_n3A_294 = arith.select %eq3A_292, %min3A_290, %scan3A_238 : vector<16xi1>, vector<16xf32>
        %eq3A_295 = arith.cmpf oeq, %scan3A_227, %min3A_290 : vector<16xf32>
        %and3A = arith.andi %eq3A, %eq3A_295 : vector<16xi1>
        %select_n3A_296 = arith.select %and3A, %scan3A_218, %scan3A_217 : vector<16xi1>, vector<16xf32>
        %select_n3A_297 = arith.select %and3A, %scan3A_228, %scan3A_227 : vector<16xi1>, vector<16xf32>
        %select_n3A_298 = arith.select %and3A, %scan3A_219, %scan3A_218 : vector<16xi1>, vector<16xf32>
        %select_n3A_299 = arith.select %and3A, %scan3A_229, %scan3A_228 : vector<16xi1>, vector<16xf32>
        %select_n3A_300 = arith.select %and3A, %scan3A_220, %scan3A_219 : vector<16xi1>, vector<16xf32>
        %select_n3A_301 = arith.select %and3A, %scan3A_230, %scan3A_229 : vector<16xi1>, vector<16xf32>
        %select_n3A_302 = arith.select %and3A, %scan3A_221, %scan3A_220 : vector<16xi1>, vector<16xf32>
        %select_n3A_303 = arith.select %and3A, %scan3A_231, %scan3A_230 : vector<16xi1>, vector<16xf32>
        %select_n3A_304 = arith.select %and3A, %scan3A_222, %scan3A_221 : vector<16xi1>, vector<16xf32>
        %select_n3A_305 = arith.select %and3A, %scan3A_232, %scan3A_231 : vector<16xi1>, vector<16xf32>
        %select_n3A_306 = arith.select %and3A, %scan3A_223, %scan3A_222 : vector<16xi1>, vector<16xf32>
        %select_n3A_307 = arith.select %and3A, %scan3A_233, %scan3A_232 : vector<16xi1>, vector<16xf32>
        %select_n3A_308 = arith.select %and3A, %scan3A_224, %scan3A_223 : vector<16xi1>, vector<16xf32>
        %select_n3A_309 = arith.select %and3A, %scan3A_234, %scan3A_233 : vector<16xi1>, vector<16xf32>
        %select_n3A_310 = arith.select %and3A, %scan3A_225, %scan3A_224 : vector<16xi1>, vector<16xf32>
        %select_n3A_311 = arith.select %and3A, %scan3A_235, %scan3A_234 : vector<16xi1>, vector<16xf32>
        %select_n3A_312 = arith.select %and3A, %scan3A_226, %scan3A_225 : vector<16xi1>, vector<16xf32>
        %select_n3A_313 = arith.select %and3A, %scan3A_236, %scan3A_235 : vector<16xi1>, vector<16xf32>
        %select_n3A_314 = arith.select %and3A, %broadcast_in_dim3A_3, %scan3A_226 : vector<16xi1>, vector<16xf32>
        %select_n3A_315 = arith.select %and3A, %broadcast_in_dim3A_5, %scan3A_236 : vector<16xi1>, vector<16xf32>
        scf.yield %select_n3A_296, %select_n3A_298, %select_n3A_300, %select_n3A_302, %select_n3A_304, %select_n3A_306, %select_n3A_308, %select_n3A_310, %select_n3A_312, %select_n3A_314, %select_n3A_297, %select_n3A_299, %select_n3A_301, %select_n3A_303, %select_n3A_305, %select_n3A_307, %select_n3A_309, %select_n3A_311, %select_n3A_313, %select_n3A_315, %select_n3A_293, %select_n3A_294 : vector<16xf32>, vector<16xf32>, vector<16xf32>, vector<16xf32>, vector<16xf32>, vector<16xf32>, vector<16xf32>, vector<16xf32>, vector<16xf32>, vector<16xf32>, vector<16xf32>, vector<16xf32>, vector<16xf32>, vector<16xf32>, vector<16xf32>, vector<16xf32>, vector<16xf32>, vector<16xf32>, vector<16xf32>, vector<16xf32>, vector<16xf32>, vector<16xf32>
      }
      %scan3A_51 = arith.constant 10 : i32
      %swap3A_52 = arith.constant 1 : i32
      %swap3A_53 = arith.index_cast %swap3A_52 : i32 to index
      %swap3A_54 = arith.constant 0 : index
      %swap3A_55 = tpu.vector_load %arg6[%swap3A_53, %swap3A_54] {strides = array<i32>} : memref<8x16xf32, #tpu.memory_space<vmem>>, vector<1x16xf32>,
      %swap3A_56 = vector.shape_cast %swap3A_55 : vector<1x16xf32> to vector<16xf32>
      %swap3A_57 = vector.shape_cast %scan3A_50#20 : vector<16xf32> to vector<1x16xf32>
      tpu.vector_store %arg6[%swap3A_53, %swap3A_54], %swap3A_57 {strides = array<i32>} : memref<8x16xf32, #tpu.memory_space<vmem>>, vector<1x16xf32>,
      %convert_element_type3A_58 = arith.fptosi %scan3A_50#21 : vector<16xf32> to vector<16xi32>
      %swap3A_59 = arith.constant 1 : i32
      %swap3A_60 = arith.index_cast %swap3A_59 : i32 to index
      %swap3A_61 = arith.constant 0 : index
      %swap3A_62 = tpu.vector_load %arg7[%swap3A_60, %swap3A_61] {strides = array<i32>} : memref<8x16xi32, #tpu.memory_space<vmem>>, vector<1x16xi32>,
      %swap3A_63 = vector.shape_cast %swap3A_62 : vector<1x16xi32> to vector<16xi32>
      %swap3A_64 = vector.shape_cast %convert_element_type3A_58 : vector<16xi32> to vector<1x16xi32>
      tpu.vector_store %arg7[%swap3A_60, %swap3A_61], %swap3A_64 {strides = array<i32>} : memref<8x16xi32, #tpu.memory_space<vmem>>, vector<1x16xi32>,
      %scan3A_65 = arith.constant 0 : i32
      %scan3A_66 = arith.constant 64 : i32
      %scan3A_67 = arith.addi %scan3A_65, %scan3A_66 : i32
      %scan3A_68 = arith.constant 1 : i32
      %scan3A_69:20 = scf.for %scan3A_216 = %scan3A_65 to %scan3A_67 step %scan3A_68 iter_args(%scan3A_217 = %broadcast_in_dim3A_3, %scan3A_218 = %broadcast_in_dim3A_3, %scan3A_219 = %broadcast_in_dim3A_3, %scan3A_220 = %broadcast_in_dim3A_3, %scan3A_221 = %broadcast_in_dim3A_3, %scan3A_222 = %broadcast_in_dim3A_3, %scan3A_223 = %broadcast_in_dim3A_3, %scan3A_224 = %broadcast_in_dim3A_3, %scan3A_225 = %broadcast_in_dim3A_3, %scan3A_226 = %broadcast_in_dim3A_3, %scan3A_227 = %broadcast_in_dim3A_5, %scan3A_228 = %broadcast_in_dim3A_5, %scan3A_229 = %broadcast_in_dim3A_5, %scan3A_230 = %broadcast_in_dim3A_5, %scan3A_231 = %broadcast_in_dim3A_5, %scan3A_232 = %broadcast_in_dim3A_5, %scan3A_233 = %broadcast_in_dim3A_5, %scan3A_234 = %broadcast_in_dim3A_5, %scan3A_235 = %broadcast_in_dim3A_5, %scan3A_236 = %broadcast_in_dim3A_5) -> (vector<16xf32>, vector<16xf32>, vector<16xf32>, vector<16xf32>, vector<16xf32>, vector<16xf32>, vector<16xf32>, vector<16xf32>, vector<16xf32>, vector<16xf32>, vector<16xf32>, vector<16xf32>, vector<16xf32>, vector<16xf32>, vector<16xf32>, vector<16xf32>, vector<16xf32>, vector<16xf32>, vector<16xf32>, vector<16xf32>)  : i32 {
        %mul3A_237 = arith.constant 16 : i32
        %mul3A_238 = arith.muli %scan3A_216, %mul3A_237 : i32
        %multiple_of3A = tpu.assume_multiple %mul3A_238, 16 : i32
        %get3A = arith.constant 2 : i32
        %get3A_239 = arith.index_cast %get3A : i32 to index
        %get3A_240 = arith.index_cast %multiple_of3A : i32 to index
        %get3A_241 = tpu.vector_load %arg5[%get3A_239, %get3A_240] {strides = array<i32>} : memref<8x1024xf32, #tpu.memory_space<vmem>>, vector<1x16xf32>,
        %get3A_242 = vector.shape_cast %get3A_241 : vector<1x16xf32> to vector<16xf32>
        %add3A_243 = vector.broadcast %multiple_of3A : i32 to vector<16xi32>
        %add3A_244 = arith.addi %add3A_243, %iota3A : vector<16xi32>
        %convert_element_type3A_245 = arith.sitofp %add3A_244 : vector<16xi32> to vector<16xf32>
        %gt3A = arith.cmpf ogt, %get3A_242, %scan3A_217 : vector<16xf32>
        %select_n3A = arith.select %gt3A, %scan3A_217, %get3A_242 : vector<16xi1>, vector<16xf32>
        %select_n3A_246 = arith.select %gt3A, %scan3A_227, %convert_element_type3A_245 : vector<16xi1>, vector<16xf32>
        %select_n3A_247 = arith.select %gt3A, %get3A_242, %scan3A_217 : vector<16xi1>, vector<16xf32>
        %select_n3A_248 = arith.select %gt3A, %convert_element_type3A_245, %scan3A_227 : vector<16xi1>, vector<16xf32>
        %gt3A_249 = arith.cmpf ogt, %select_n3A, %scan3A_218 : vector<16xf32>
        %select_n3A_250 = arith.select %gt3A_249, %scan3A_218, %select_n3A : vector<16xi1>, vector<16xf32>
        %select_n3A_251 = arith.select %gt3A_249, %scan3A_228, %select_n3A_246 : vector<16xi1>, vector<16xf32>
        %select_n3A_252 = arith.select %gt3A_249, %select_n3A, %scan3A_218 : vector<16xi1>, vector<16xf32>
        %select_n3A_253 = arith.select %gt3A_249, %select_n3A_246, %scan3A_228 : vector<16xi1>, vector<16xf32>
        %gt3A_254 = arith.cmpf ogt, %select_n3A_250, %scan3A_219 : vector<16xf32>
        %select_n3A_255 = arith.select %gt3A_254, %scan3A_219, %select_n3A_250 : vector<16xi1>, vector<16xf32>
        %select_n3A_256 = arith.select %gt3A_254, %scan3A_229, %select_n3A_251 : vector<16xi1>, vector<16xf32>
        %select_n3A_257 = arith.select %gt3A_254, %select_n3A_250, %scan3A_219 : vector<16xi1>, vector<16xf32>
        %select_n3A_258 = arith.select %gt3A_254, %select_n3A_251, %scan3A_229 : vector<16xi1>, vector<16xf32>
        %gt3A_259 = arith.cmpf ogt, %select_n3A_255, %scan3A_220 : vector<16xf32>
        %select_n3A_260 = arith.select %gt3A_259, %scan3A_220, %select_n3A_255 : vector<16xi1>, vector<16xf32>
        %select_n3A_261 = arith.select %gt3A_259, %scan3A_230, %select_n3A_256 : vector<16xi1>, vector<16xf32>
        %select_n3A_262 = arith.select %gt3A_259, %select_n3A_255, %scan3A_220 : vector<16xi1>, vector<16xf32>
        %select_n3A_263 = arith.select %gt3A_259, %select_n3A_256, %scan3A_230 : vector<16xi1>, vector<16xf32>
        %gt3A_264 = arith.cmpf ogt, %select_n3A_260, %scan3A_221 : vector<16xf32>
        %select_n3A_265 = arith.select %gt3A_264, %scan3A_221, %select_n3A_260 : vector<16xi1>, vector<16xf32>
        %select_n3A_266 = arith.select %gt3A_264, %scan3A_231, %select_n3A_261 : vector<16xi1>, vector<16xf32>
        %select_n3A_267 = arith.select %gt3A_264, %select_n3A_260, %scan3A_221 : vector<16xi1>, vector<16xf32>
        %select_n3A_268 = arith.select %gt3A_264, %select_n3A_261, %scan3A_231 : vector<16xi1>, vector<16xf32>
        %gt3A_269 = arith.cmpf ogt, %select_n3A_265, %scan3A_222 : vector<16xf32>
        %select_n3A_270 = arith.select %gt3A_269, %scan3A_222, %select_n3A_265 : vector<16xi1>, vector<16xf32>
        %select_n3A_271 = arith.select %gt3A_269, %scan3A_232, %select_n3A_266 : vector<16xi1>, vector<16xf32>
        %select_n3A_272 = arith.select %gt3A_269, %select_n3A_265, %scan3A_222 : vector<16xi1>, vector<16xf32>
        %select_n3A_273 = arith.select %gt3A_269, %select_n3A_266, %scan3A_232 : vector<16xi1>, vector<16xf32>
        %gt3A_274 = arith.cmpf ogt, %select_n3A_270, %scan3A_223 : vector<16xf32>
        %select_n3A_275 = arith.select %gt3A_274, %scan3A_223, %select_n3A_270 : vector<16xi1>, vector<16xf32>
        %select_n3A_276 = arith.select %gt3A_274, %scan3A_233, %select_n3A_271 : vector<16xi1>, vector<16xf32>
        %select_n3A_277 = arith.select %gt3A_274, %select_n3A_270, %scan3A_223 : vector<16xi1>, vector<16xf32>
        %select_n3A_278 = arith.select %gt3A_274, %select_n3A_271, %scan3A_233 : vector<16xi1>, vector<16xf32>
        %gt3A_279 = arith.cmpf ogt, %select_n3A_275, %scan3A_224 : vector<16xf32>
        %select_n3A_280 = arith.select %gt3A_279, %scan3A_224, %select_n3A_275 : vector<16xi1>, vector<16xf32>
        %select_n3A_281 = arith.select %gt3A_279, %scan3A_234, %select_n3A_276 : vector<16xi1>, vector<16xf32>
        %select_n3A_282 = arith.select %gt3A_279, %select_n3A_275, %scan3A_224 : vector<16xi1>, vector<16xf32>
        %select_n3A_283 = arith.select %gt3A_279, %select_n3A_276, %scan3A_234 : vector<16xi1>, vector<16xf32>
        %gt3A_284 = arith.cmpf ogt, %select_n3A_280, %scan3A_225 : vector<16xf32>
        %select_n3A_285 = arith.select %gt3A_284, %scan3A_225, %select_n3A_280 : vector<16xi1>, vector<16xf32>
        %select_n3A_286 = arith.select %gt3A_284, %scan3A_235, %select_n3A_281 : vector<16xi1>, vector<16xf32>
        %select_n3A_287 = arith.select %gt3A_284, %select_n3A_280, %scan3A_225 : vector<16xi1>, vector<16xf32>
        %select_n3A_288 = arith.select %gt3A_284, %select_n3A_281, %scan3A_235 : vector<16xi1>, vector<16xf32>
        %gt3A_289 = arith.cmpf ogt, %select_n3A_285, %scan3A_226 : vector<16xf32>
        %select_n3A_290 = arith.select %gt3A_289, %scan3A_226, %select_n3A_285 : vector<16xi1>, vector<16xf32>
        %select_n3A_291 = arith.select %gt3A_289, %scan3A_236, %select_n3A_286 : vector<16xi1>, vector<16xf32>
        %select_n3A_292 = arith.select %gt3A_289, %select_n3A_285, %scan3A_226 : vector<16xi1>, vector<16xf32>
        %select_n3A_293 = arith.select %gt3A_289, %select_n3A_286, %scan3A_236 : vector<16xi1>, vector<16xf32>
        scf.yield %select_n3A_247, %select_n3A_252, %select_n3A_257, %select_n3A_262, %select_n3A_267, %select_n3A_272, %select_n3A_277, %select_n3A_282, %select_n3A_287, %select_n3A_292, %select_n3A_248, %select_n3A_253, %select_n3A_258, %select_n3A_263, %select_n3A_268, %select_n3A_273, %select_n3A_278, %select_n3A_283, %select_n3A_288, %select_n3A_293 : vector<16xf32>, vector<16xf32>, vector<16xf32>, vector<16xf32>, vector<16xf32>, vector<16xf32>, vector<16xf32>, vector<16xf32>, vector<16xf32>, vector<16xf32>, vector<16xf32>, vector<16xf32>, vector<16xf32>, vector<16xf32>, vector<16xf32>, vector<16xf32>, vector<16xf32>, vector<16xf32>, vector<16xf32>, vector<16xf32>
      }
      %scan3A_70 = arith.constant 64 : i32
      %scan3A_71 = arith.constant 0 : i32
      %scan3A_72 = arith.constant 10 : i32
      %scan3A_73 = arith.addi %scan3A_71, %scan3A_72 : i32
      %scan3A_74 = arith.constant 1 : i32
      %scan3A_75:22 = scf.for %scan3A_216 = %scan3A_71 to %scan3A_73 step %scan3A_74 iter_args(%scan3A_217 = %scan3A_69#0, %scan3A_218 = %scan3A_69#1, %scan3A_219 = %scan3A_69#2, %scan3A_220 = %scan3A_69#3, %scan3A_221 = %scan3A_69#4, %scan3A_222 = %scan3A_69#5, %scan3A_223 = %scan3A_69#6, %scan3A_224 = %scan3A_69#7, %scan3A_225 = %scan3A_69#8, %scan3A_226 = %scan3A_69#9, %scan3A_227 = %scan3A_69#10, %scan3A_228 = %scan3A_69#11, %scan3A_229 = %scan3A_69#12, %scan3A_230 = %scan3A_69#13, %scan3A_231 = %scan3A_69#14, %scan3A_232 = %scan3A_69#15, %scan3A_233 = %scan3A_69#16, %scan3A_234 = %scan3A_69#17, %scan3A_235 = %scan3A_69#18, %scan3A_236 = %scan3A_69#19, %scan3A_237 = %broadcast_in_dim3A_3, %scan3A_238 = %broadcast_in_dim3A_5) -> (vector<16xf32>, vector<16xf32>, vector<16xf32>, vector<16xf32>, vector<16xf32>, vector<16xf32>, vector<16xf32>, vector<16xf32>, vector<16xf32>, vector<16xf32>, vector<16xf32>, vector<16xf32>, vector<16xf32>, vector<16xf32>, vector<16xf32>, vector<16xf32>, vector<16xf32>, vector<16xf32>, vector<16xf32>, vector<16xf32>, vector<16xf32>, vector<16xf32>)  : i32 {
        %xor3A = arith.constant 8 : i32
        %xor3A_239 = vector.broadcast %xor3A : i32 to vector<16xi32>
        %xor3A_240 = arith.xori %iota3A, %xor3A_239 : vector<16xi32>
        %broadcast_in_dim3A_241 = vector.shape_cast %xor3A_240 : vector<16xi32> to vector<16x1xi32>
        %gather3A = vector.shape_cast %broadcast_in_dim3A_241 : vector<16x1xi32> to vector<16xi32>
        %gather3A_242 = tpu.dynamic_gather %scan3A_217[%gather3A] in [0] : vector<16xf32>, vector<16xi32> -> vector<16xf32>
        %max3A = arith.maximumf %scan3A_217, %gather3A_242 : vector<16xf32>
        %xor3A_243 = arith.constant 4 : i32
        %xor3A_244 = vector.broadcast %xor3A_243 : i32 to vector<16xi32>
        %xor3A_245 = arith.xori %iota3A, %xor3A_244 : vector<16xi32>
        %broadcast_in_dim3A_246 = vector.shape_cast %xor3A_245 : vector<16xi32> to vector<16x1xi32>
        %gather3A_247 = vector.shape_cast %broadcast_in_dim3A_246 : vector<16x1xi32> to vector<16xi32>
        %gather3A_248 = tpu.dynamic_gather %max3A[%gather3A_247] in [0] : vector<16xf32>, vector<16xi32> -> vector<16xf32>
        %max3A_249 = arith.maximumf %max3A, %gather3A_248 : vector<16xf32>
        %xor3A_250 = arith.constant 2 : i32
        %xor3A_251 = vector.broadcast %xor3A_250 : i32 to vector<16xi32>
        %xor3A_252 = arith.xori %iota3A, %xor3A_251 : vector<16xi32>
        %broadcast_in_dim3A_253 = vector.shape_cast %xor3A_252 : vector<16xi32> to vector<16x1xi32>
        %gather3A_254 = vector.shape_cast %broadcast_in_dim3A_253 : vector<16x1xi32> to vector<16xi32>
        %gather3A_255 = tpu.dynamic_gather %max3A_249[%gather3A_254] in [0] : vector<16xf32>, vector<16xi32> -> vector<16xf32>
        %max3A_256 = arith.maximumf %max3A_249, %gather3A_255 : vector<16xf32>
        %xor3A_257 = arith.constant 1 : i32
        %xor3A_258 = vector.broadcast %xor3A_257 : i32 to vector<16xi32>
        %xor3A_259 = arith.xori %iota3A, %xor3A_258 : vector<16xi32>
        %broadcast_in_dim3A_260 = vector.shape_cast %xor3A_259 : vector<16xi32> to vector<16x1xi32>
        %gather3A_261 = vector.shape_cast %broadcast_in_dim3A_260 : vector<16x1xi32> to vector<16xi32>
        %gather3A_262 = tpu.dynamic_gather %max3A_256[%gather3A_261] in [0] : vector<16xf32>, vector<16xi32> -> vector<16xf32>
        %max3A_263 = arith.maximumf %max3A_256, %gather3A_262 : vector<16xf32>
        %eq3A = arith.cmpf oeq, %scan3A_217, %max3A_263 : vector<16xf32>
        %select_n3A = arith.select %eq3A, %scan3A_227, %broadcast_in_dim3A_5 : vector<16xi1>, vector<16xf32>
        %xor3A_264 = arith.constant 8 : i32
        %xor3A_265 = vector.broadcast %xor3A_264 : i32 to vector<16xi32>
        %xor3A_266 = arith.xori %iota3A, %xor3A_265 : vector<16xi32>
        %broadcast_in_dim3A_267 = vector.shape_cast %xor3A_266 : vector<16xi32> to vector<16x1xi32>
        %gather3A_268 = vector.shape_cast %broadcast_in_dim3A_267 : vector<16x1xi32> to vector<16xi32>
        %gather3A_269 = tpu.dynamic_gather %select_n3A[%gather3A_268] in [0] : vector<16xf32>, vector<16xi32> -> vector<16xf32>
        %min3A = arith.minimumf %select_n3A, %gather3A_269 : vector<16xf32>
        %xor3A_270 = arith.constant 4 : i32
        %xor3A_271 = vector.broadcast %xor3A_270 : i32 to vector<16xi32>
        %xor3A_272 = arith.xori %iota3A, %xor3A_271 : vector<16xi32>
        %broadcast_in_dim3A_273 = vector.shape_cast %xor3A_272 : vector<16xi32> to vector<16x1xi32>
        %gather3A_274 = vector.shape_cast %broadcast_in_dim3A_273 : vector<16x1xi32> to vector<16xi32>
        %gather3A_275 = tpu.dynamic_gather %min3A[%gather3A_274] in [0] : vector<16xf32>, vector<16xi32> -> vector<16xf32>
        %min3A_276 = arith.minimumf %min3A, %gather3A_275 : vector<16xf32>
        %xor3A_277 = arith.constant 2 : i32
        %xor3A_278 = vector.broadcast %xor3A_277 : i32 to vector<16xi32>
        %xor3A_279 = arith.xori %iota3A, %xor3A_278 : vector<16xi32>
        %broadcast_in_dim3A_280 = vector.shape_cast %xor3A_279 : vector<16xi32> to vector<16x1xi32>
        %gather3A_281 = vector.shape_cast %broadcast_in_dim3A_280 : vector<16x1xi32> to vector<16xi32>
        %gather3A_282 = tpu.dynamic_gather %min3A_276[%gather3A_281] in [0] : vector<16xf32>, vector<16xi32> -> vector<16xf32>
        %min3A_283 = arith.minimumf %min3A_276, %gather3A_282 : vector<16xf32>
        %xor3A_284 = arith.constant 1 : i32
        %xor3A_285 = vector.broadcast %xor3A_284 : i32 to vector<16xi32>
        %xor3A_286 = arith.xori %iota3A, %xor3A_285 : vector<16xi32>
        %broadcast_in_dim3A_287 = vector.shape_cast %xor3A_286 : vector<16xi32> to vector<16x1xi32>
        %gather3A_288 = vector.shape_cast %broadcast_in_dim3A_287 : vector<16x1xi32> to vector<16xi32>
        %gather3A_289 = tpu.dynamic_gather %min3A_283[%gather3A_288] in [0] : vector<16xf32>, vector<16xi32> -> vector<16xf32>
        %min3A_290 = arith.minimumf %min3A_283, %gather3A_289 : vector<16xf32>
        %eq3A_291 = vector.broadcast %scan3A_216 : i32 to vector<16xi32>
        %eq3A_292 = arith.cmpi eq, %iota3A, %eq3A_291 : vector<16xi32>
        %select_n3A_293 = arith.select %eq3A_292, %max3A_263, %scan3A_237 : vector<16xi1>, vector<16xf32>
        %select_n3A_294 = arith.select %eq3A_292, %min3A_290, %scan3A_238 : vector<16xi1>, vector<16xf32>
        %eq3A_295 = arith.cmpf oeq, %scan3A_227, %min3A_290 : vector<16xf32>
        %and3A = arith.andi %eq3A, %eq3A_295 : vector<16xi1>
        %select_n3A_296 = arith.select %and3A, %scan3A_218, %scan3A_217 : vector<16xi1>, vector<16xf32>
        %select_n3A_297 = arith.select %and3A, %scan3A_228, %scan3A_227 : vector<16xi1>, vector<16xf32>
        %select_n3A_298 = arith.select %and3A, %scan3A_219, %scan3A_218 : vector<16xi1>, vector<16xf32>
        %select_n3A_299 = arith.select %and3A, %scan3A_229, %scan3A_228 : vector<16xi1>, vector<16xf32>
        %select_n3A_300 = arith.select %and3A, %scan3A_220, %scan3A_219 : vector<16xi1>, vector<16xf32>
        %select_n3A_301 = arith.select %and3A, %scan3A_230, %scan3A_229 : vector<16xi1>, vector<16xf32>
        %select_n3A_302 = arith.select %and3A, %scan3A_221, %scan3A_220 : vector<16xi1>, vector<16xf32>
        %select_n3A_303 = arith.select %and3A, %scan3A_231, %scan3A_230 : vector<16xi1>, vector<16xf32>
        %select_n3A_304 = arith.select %and3A, %scan3A_222, %scan3A_221 : vector<16xi1>, vector<16xf32>
        %select_n3A_305 = arith.select %and3A, %scan3A_232, %scan3A_231 : vector<16xi1>, vector<16xf32>
        %select_n3A_306 = arith.select %and3A, %scan3A_223, %scan3A_222 : vector<16xi1>, vector<16xf32>
        %select_n3A_307 = arith.select %and3A, %scan3A_233, %scan3A_232 : vector<16xi1>, vector<16xf32>
        %select_n3A_308 = arith.select %and3A, %scan3A_224, %scan3A_223 : vector<16xi1>, vector<16xf32>
        %select_n3A_309 = arith.select %and3A, %scan3A_234, %scan3A_233 : vector<16xi1>, vector<16xf32>
        %select_n3A_310 = arith.select %and3A, %scan3A_225, %scan3A_224 : vector<16xi1>, vector<16xf32>
        %select_n3A_311 = arith.select %and3A, %scan3A_235, %scan3A_234 : vector<16xi1>, vector<16xf32>
        %select_n3A_312 = arith.select %and3A, %scan3A_226, %scan3A_225 : vector<16xi1>, vector<16xf32>
        %select_n3A_313 = arith.select %and3A, %scan3A_236, %scan3A_235 : vector<16xi1>, vector<16xf32>
        %select_n3A_314 = arith.select %and3A, %broadcast_in_dim3A_3, %scan3A_226 : vector<16xi1>, vector<16xf32>
        %select_n3A_315 = arith.select %and3A, %broadcast_in_dim3A_5, %scan3A_236 : vector<16xi1>, vector<16xf32>
        scf.yield %select_n3A_296, %select_n3A_298, %select_n3A_300, %select_n3A_302, %select_n3A_304, %select_n3A_306, %select_n3A_308, %select_n3A_310, %select_n3A_312, %select_n3A_314, %select_n3A_297, %select_n3A_299, %select_n3A_301, %select_n3A_303, %select_n3A_305, %select_n3A_307, %select_n3A_309, %select_n3A_311, %select_n3A_313, %select_n3A_315, %select_n3A_293, %select_n3A_294 : vector<16xf32>, vector<16xf32>, vector<16xf32>, vector<16xf32>, vector<16xf32>, vector<16xf32>, vector<16xf32>, vector<16xf32>, vector<16xf32>, vector<16xf32>, vector<16xf32>, vector<16xf32>, vector<16xf32>, vector<16xf32>, vector<16xf32>, vector<16xf32>, vector<16xf32>, vector<16xf32>, vector<16xf32>, vector<16xf32>, vector<16xf32>, vector<16xf32>
      }
      %scan3A_76 = arith.constant 10 : i32
      %swap3A_77 = arith.constant 2 : i32
      %swap3A_78 = arith.index_cast %swap3A_77 : i32 to index
      %swap3A_79 = arith.constant 0 : index
      %swap3A_80 = tpu.vector_load %arg6[%swap3A_78, %swap3A_79] {strides = array<i32>} : memref<8x16xf32, #tpu.memory_space<vmem>>, vector<1x16xf32>,
      %swap3A_81 = vector.shape_cast %swap3A_80 : vector<1x16xf32> to vector<16xf32>
      %swap3A_82 = vector.shape_cast %scan3A_75#20 : vector<16xf32> to vector<1x16xf32>
      tpu.vector_store %arg6[%swap3A_78, %swap3A_79], %swap3A_82 {strides = array<i32>} : memref<8x16xf32, #tpu.memory_space<vmem>>, vector<1x16xf32>,
      %convert_element_type3A_83 = arith.fptosi %scan3A_75#21 : vector<16xf32> to vector<16xi32>
      %swap3A_84 = arith.constant 2 : i32
      %swap3A_85 = arith.index_cast %swap3A_84 : i32 to index
      %swap3A_86 = arith.constant 0 : index
      %swap3A_87 = tpu.vector_load %arg7[%swap3A_85, %swap3A_86] {strides = array<i32>} : memref<8x16xi32, #tpu.memory_space<vmem>>, vector<1x16xi32>,
      %swap3A_88 = vector.shape_cast %swap3A_87 : vector<1x16xi32> to vector<16xi32>
      %swap3A_89 = vector.shape_cast %convert_element_type3A_83 : vector<16xi32> to vector<1x16xi32>
      tpu.vector_store %arg7[%swap3A_85, %swap3A_86], %swap3A_89 {strides = array<i32>} : memref<8x16xi32, #tpu.memory_space<vmem>>, vector<1x16xi32>,
      %scan3A_90 = arith.constant 0 : i32
      %scan3A_91 = arith.constant 64 : i32
      %scan3A_92 = arith.addi %scan3A_90, %scan3A_91 : i32
      %scan3A_93 = arith.constant 1 : i32
      %scan3A_94:20 = scf.for %scan3A_216 = %scan3A_90 to %scan3A_92 step %scan3A_93 iter_args(%scan3A_217 = %broadcast_in_dim3A_3, %scan3A_218 = %broadcast_in_dim3A_3, %scan3A_219 = %broadcast_in_dim3A_3, %scan3A_220 = %broadcast_in_dim3A_3, %scan3A_221 = %broadcast_in_dim3A_3, %scan3A_222 = %broadcast_in_dim3A_3, %scan3A_223 = %broadcast_in_dim3A_3, %scan3A_224 = %broadcast_in_dim3A_3, %scan3A_225 = %broadcast_in_dim3A_3, %scan3A_226 = %broadcast_in_dim3A_3, %scan3A_227 = %broadcast_in_dim3A_5, %scan3A_228 = %broadcast_in_dim3A_5, %scan3A_229 = %broadcast_in_dim3A_5, %scan3A_230 = %broadcast_in_dim3A_5, %scan3A_231 = %broadcast_in_dim3A_5, %scan3A_232 = %broadcast_in_dim3A_5, %scan3A_233 = %broadcast_in_dim3A_5, %scan3A_234 = %broadcast_in_dim3A_5, %scan3A_235 = %broadcast_in_dim3A_5, %scan3A_236 = %broadcast_in_dim3A_5) -> (vector<16xf32>, vector<16xf32>, vector<16xf32>, vector<16xf32>, vector<16xf32>, vector<16xf32>, vector<16xf32>, vector<16xf32>, vector<16xf32>, vector<16xf32>, vector<16xf32>, vector<16xf32>, vector<16xf32>, vector<16xf32>, vector<16xf32>, vector<16xf32>, vector<16xf32>, vector<16xf32>, vector<16xf32>, vector<16xf32>)  : i32 {
        %mul3A_237 = arith.constant 16 : i32
        %mul3A_238 = arith.muli %scan3A_216, %mul3A_237 : i32
        %multiple_of3A = tpu.assume_multiple %mul3A_238, 16 : i32
        %get3A = arith.constant 3 : i32
        %get3A_239 = arith.index_cast %get3A : i32 to index
        %get3A_240 = arith.index_cast %multiple_of3A : i32 to index
        %get3A_241 = tpu.vector_load %arg5[%get3A_239, %get3A_240] {strides = array<i32>} : memref<8x1024xf32, #tpu.memory_space<vmem>>, vector<1x16xf32>,
        %get3A_242 = vector.shape_cast %get3A_241 : vector<1x16xf32> to vector<16xf32>
        %add3A_243 = vector.broadcast %multiple_of3A : i32 to vector<16xi32>
        %add3A_244 = arith.addi %add3A_243, %iota3A : vector<16xi32>
        %convert_element_type3A_245 = arith.sitofp %add3A_244 : vector<16xi32> to vector<16xf32>
        %gt3A = arith.cmpf ogt, %get3A_242, %scan3A_217 : vector<16xf32>
        %select_n3A = arith.select %gt3A, %scan3A_217, %get3A_242 : vector<16xi1>, vector<16xf32>
        %select_n3A_246 = arith.select %gt3A, %scan3A_227, %convert_element_type3A_245 : vector<16xi1>, vector<16xf32>
        %select_n3A_247 = arith.select %gt3A, %get3A_242, %scan3A_217 : vector<16xi1>, vector<16xf32>
        %select_n3A_248 = arith.select %gt3A, %convert_element_type3A_245, %scan3A_227 : vector<16xi1>, vector<16xf32>
        %gt3A_249 = arith.cmpf ogt, %select_n3A, %scan3A_218 : vector<16xf32>
        %select_n3A_250 = arith.select %gt3A_249, %scan3A_218, %select_n3A : vector<16xi1>, vector<16xf32>
        %select_n3A_251 = arith.select %gt3A_249, %scan3A_228, %select_n3A_246 : vector<16xi1>, vector<16xf32>
        %select_n3A_252 = arith.select %gt3A_249, %select_n3A, %scan3A_218 : vector<16xi1>, vector<16xf32>
        %select_n3A_253 = arith.select %gt3A_249, %select_n3A_246, %scan3A_228 : vector<16xi1>, vector<16xf32>
        %gt3A_254 = arith.cmpf ogt, %select_n3A_250, %scan3A_219 : vector<16xf32>
        %select_n3A_255 = arith.select %gt3A_254, %scan3A_219, %select_n3A_250 : vector<16xi1>, vector<16xf32>
        %select_n3A_256 = arith.select %gt3A_254, %scan3A_229, %select_n3A_251 : vector<16xi1>, vector<16xf32>
        %select_n3A_257 = arith.select %gt3A_254, %select_n3A_250, %scan3A_219 : vector<16xi1>, vector<16xf32>
        %select_n3A_258 = arith.select %gt3A_254, %select_n3A_251, %scan3A_229 : vector<16xi1>, vector<16xf32>
        %gt3A_259 = arith.cmpf ogt, %select_n3A_255, %scan3A_220 : vector<16xf32>
        %select_n3A_260 = arith.select %gt3A_259, %scan3A_220, %select_n3A_255 : vector<16xi1>, vector<16xf32>
        %select_n3A_261 = arith.select %gt3A_259, %scan3A_230, %select_n3A_256 : vector<16xi1>, vector<16xf32>
        %select_n3A_262 = arith.select %gt3A_259, %select_n3A_255, %scan3A_220 : vector<16xi1>, vector<16xf32>
        %select_n3A_263 = arith.select %gt3A_259, %select_n3A_256, %scan3A_230 : vector<16xi1>, vector<16xf32>
        %gt3A_264 = arith.cmpf ogt, %select_n3A_260, %scan3A_221 : vector<16xf32>
        %select_n3A_265 = arith.select %gt3A_264, %scan3A_221, %select_n3A_260 : vector<16xi1>, vector<16xf32>
        %select_n3A_266 = arith.select %gt3A_264, %scan3A_231, %select_n3A_261 : vector<16xi1>, vector<16xf32>
        %select_n3A_267 = arith.select %gt3A_264, %select_n3A_260, %scan3A_221 : vector<16xi1>, vector<16xf32>
        %select_n3A_268 = arith.select %gt3A_264, %select_n3A_261, %scan3A_231 : vector<16xi1>, vector<16xf32>
        %gt3A_269 = arith.cmpf ogt, %select_n3A_265, %scan3A_222 : vector<16xf32>
        %select_n3A_270 = arith.select %gt3A_269, %scan3A_222, %select_n3A_265 : vector<16xi1>, vector<16xf32>
        %select_n3A_271 = arith.select %gt3A_269, %scan3A_232, %select_n3A_266 : vector<16xi1>, vector<16xf32>
        %select_n3A_272 = arith.select %gt3A_269, %select_n3A_265, %scan3A_222 : vector<16xi1>, vector<16xf32>
        %select_n3A_273 = arith.select %gt3A_269, %select_n3A_266, %scan3A_232 : vector<16xi1>, vector<16xf32>
        %gt3A_274 = arith.cmpf ogt, %select_n3A_270, %scan3A_223 : vector<16xf32>
        %select_n3A_275 = arith.select %gt3A_274, %scan3A_223, %select_n3A_270 : vector<16xi1>, vector<16xf32>
        %select_n3A_276 = arith.select %gt3A_274, %scan3A_233, %select_n3A_271 : vector<16xi1>, vector<16xf32>
        %select_n3A_277 = arith.select %gt3A_274, %select_n3A_270, %scan3A_223 : vector<16xi1>, vector<16xf32>
        %select_n3A_278 = arith.select %gt3A_274, %select_n3A_271, %scan3A_233 : vector<16xi1>, vector<16xf32>
        %gt3A_279 = arith.cmpf ogt, %select_n3A_275, %scan3A_224 : vector<16xf32>
        %select_n3A_280 = arith.select %gt3A_279, %scan3A_224, %select_n3A_275 : vector<16xi1>, vector<16xf32>
        %select_n3A_281 = arith.select %gt3A_279, %scan3A_234, %select_n3A_276 : vector<16xi1>, vector<16xf32>
        %select_n3A_282 = arith.select %gt3A_279, %select_n3A_275, %scan3A_224 : vector<16xi1>, vector<16xf32>
        %select_n3A_283 = arith.select %gt3A_279, %select_n3A_276, %scan3A_234 : vector<16xi1>, vector<16xf32>
        %gt3A_284 = arith.cmpf ogt, %select_n3A_280, %scan3A_225 : vector<16xf32>
        %select_n3A_285 = arith.select %gt3A_284, %scan3A_225, %select_n3A_280 : vector<16xi1>, vector<16xf32>
        %select_n3A_286 = arith.select %gt3A_284, %scan3A_235, %select_n3A_281 : vector<16xi1>, vector<16xf32>
        %select_n3A_287 = arith.select %gt3A_284, %select_n3A_280, %scan3A_225 : vector<16xi1>, vector<16xf32>
        %select_n3A_288 = arith.select %gt3A_284, %select_n3A_281, %scan3A_235 : vector<16xi1>, vector<16xf32>
        %gt3A_289 = arith.cmpf ogt, %select_n3A_285, %scan3A_226 : vector<16xf32>
        %select_n3A_290 = arith.select %gt3A_289, %scan3A_226, %select_n3A_285 : vector<16xi1>, vector<16xf32>
        %select_n3A_291 = arith.select %gt3A_289, %scan3A_236, %select_n3A_286 : vector<16xi1>, vector<16xf32>
        %select_n3A_292 = arith.select %gt3A_289, %select_n3A_285, %scan3A_226 : vector<16xi1>, vector<16xf32>
        %select_n3A_293 = arith.select %gt3A_289, %select_n3A_286, %scan3A_236 : vector<16xi1>, vector<16xf32>
        scf.yield %select_n3A_247, %select_n3A_252, %select_n3A_257, %select_n3A_262, %select_n3A_267, %select_n3A_272, %select_n3A_277, %select_n3A_282, %select_n3A_287, %select_n3A_292, %select_n3A_248, %select_n3A_253, %select_n3A_258, %select_n3A_263, %select_n3A_268, %select_n3A_273, %select_n3A_278, %select_n3A_283, %select_n3A_288, %select_n3A_293 : vector<16xf32>, vector<16xf32>, vector<16xf32>, vector<16xf32>, vector<16xf32>, vector<16xf32>, vector<16xf32>, vector<16xf32>, vector<16xf32>, vector<16xf32>, vector<16xf32>, vector<16xf32>, vector<16xf32>, vector<16xf32>, vector<16xf32>, vector<16xf32>, vector<16xf32>, vector<16xf32>, vector<16xf32>, vector<16xf32>
      }
      %scan3A_95 = arith.constant 64 : i32
      %scan3A_96 = arith.constant 0 : i32
      %scan3A_97 = arith.constant 10 : i32
      %scan3A_98 = arith.addi %scan3A_96, %scan3A_97 : i32
      %scan3A_99 = arith.constant 1 : i32
      %scan3A_100:22 = scf.for %scan3A_216 = %scan3A_96 to %scan3A_98 step %scan3A_99 iter_args(%scan3A_217 = %scan3A_94#0, %scan3A_218 = %scan3A_94#1, %scan3A_219 = %scan3A_94#2, %scan3A_220 = %scan3A_94#3, %scan3A_221 = %scan3A_94#4, %scan3A_222 = %scan3A_94#5, %scan3A_223 = %scan3A_94#6, %scan3A_224 = %scan3A_94#7, %scan3A_225 = %scan3A_94#8, %scan3A_226 = %scan3A_94#9, %scan3A_227 = %scan3A_94#10, %scan3A_228 = %scan3A_94#11, %scan3A_229 = %scan3A_94#12, %scan3A_230 = %scan3A_94#13, %scan3A_231 = %scan3A_94#14, %scan3A_232 = %scan3A_94#15, %scan3A_233 = %scan3A_94#16, %scan3A_234 = %scan3A_94#17, %scan3A_235 = %scan3A_94#18, %scan3A_236 = %scan3A_94#19, %scan3A_237 = %broadcast_in_dim3A_3, %scan3A_238 = %broadcast_in_dim3A_5) -> (vector<16xf32>, vector<16xf32>, vector<16xf32>, vector<16xf32>, vector<16xf32>, vector<16xf32>, vector<16xf32>, vector<16xf32>, vector<16xf32>, vector<16xf32>, vector<16xf32>, vector<16xf32>, vector<16xf32>, vector<16xf32>, vector<16xf32>, vector<16xf32>, vector<16xf32>, vector<16xf32>, vector<16xf32>, vector<16xf32>, vector<16xf32>, vector<16xf32>)  : i32 {
        %xor3A = arith.constant 8 : i32
        %xor3A_239 = vector.broadcast %xor3A : i32 to vector<16xi32>
        %xor3A_240 = arith.xori %iota3A, %xor3A_239 : vector<16xi32>
        %broadcast_in_dim3A_241 = vector.shape_cast %xor3A_240 : vector<16xi32> to vector<16x1xi32>
        %gather3A = vector.shape_cast %broadcast_in_dim3A_241 : vector<16x1xi32> to vector<16xi32>
        %gather3A_242 = tpu.dynamic_gather %scan3A_217[%gather3A] in [0] : vector<16xf32>, vector<16xi32> -> vector<16xf32>
        %max3A = arith.maximumf %scan3A_217, %gather3A_242 : vector<16xf32>
        %xor3A_243 = arith.constant 4 : i32
        %xor3A_244 = vector.broadcast %xor3A_243 : i32 to vector<16xi32>
        %xor3A_245 = arith.xori %iota3A, %xor3A_244 : vector<16xi32>
        %broadcast_in_dim3A_246 = vector.shape_cast %xor3A_245 : vector<16xi32> to vector<16x1xi32>
        %gather3A_247 = vector.shape_cast %broadcast_in_dim3A_246 : vector<16x1xi32> to vector<16xi32>
        %gather3A_248 = tpu.dynamic_gather %max3A[%gather3A_247] in [0] : vector<16xf32>, vector<16xi32> -> vector<16xf32>
        %max3A_249 = arith.maximumf %max3A, %gather3A_248 : vector<16xf32>
        %xor3A_250 = arith.constant 2 : i32
        %xor3A_251 = vector.broadcast %xor3A_250 : i32 to vector<16xi32>
        %xor3A_252 = arith.xori %iota3A, %xor3A_251 : vector<16xi32>
        %broadcast_in_dim3A_253 = vector.shape_cast %xor3A_252 : vector<16xi32> to vector<16x1xi32>
        %gather3A_254 = vector.shape_cast %broadcast_in_dim3A_253 : vector<16x1xi32> to vector<16xi32>
        %gather3A_255 = tpu.dynamic_gather %max3A_249[%gather3A_254] in [0] : vector<16xf32>, vector<16xi32> -> vector<16xf32>
        %max3A_256 = arith.maximumf %max3A_249, %gather3A_255 : vector<16xf32>
        %xor3A_257 = arith.constant 1 : i32
        %xor3A_258 = vector.broadcast %xor3A_257 : i32 to vector<16xi32>
        %xor3A_259 = arith.xori %iota3A, %xor3A_258 : vector<16xi32>
        %broadcast_in_dim3A_260 = vector.shape_cast %xor3A_259 : vector<16xi32> to vector<16x1xi32>
        %gather3A_261 = vector.shape_cast %broadcast_in_dim3A_260 : vector<16x1xi32> to vector<16xi32>
        %gather3A_262 = tpu.dynamic_gather %max3A_256[%gather3A_261] in [0] : vector<16xf32>, vector<16xi32> -> vector<16xf32>
        %max3A_263 = arith.maximumf %max3A_256, %gather3A_262 : vector<16xf32>
        %eq3A = arith.cmpf oeq, %scan3A_217, %max3A_263 : vector<16xf32>
        %select_n3A = arith.select %eq3A, %scan3A_227, %broadcast_in_dim3A_5 : vector<16xi1>, vector<16xf32>
        %xor3A_264 = arith.constant 8 : i32
        %xor3A_265 = vector.broadcast %xor3A_264 : i32 to vector<16xi32>
        %xor3A_266 = arith.xori %iota3A, %xor3A_265 : vector<16xi32>
        %broadcast_in_dim3A_267 = vector.shape_cast %xor3A_266 : vector<16xi32> to vector<16x1xi32>
        %gather3A_268 = vector.shape_cast %broadcast_in_dim3A_267 : vector<16x1xi32> to vector<16xi32>
        %gather3A_269 = tpu.dynamic_gather %select_n3A[%gather3A_268] in [0] : vector<16xf32>, vector<16xi32> -> vector<16xf32>
        %min3A = arith.minimumf %select_n3A, %gather3A_269 : vector<16xf32>
        %xor3A_270 = arith.constant 4 : i32
        %xor3A_271 = vector.broadcast %xor3A_270 : i32 to vector<16xi32>
        %xor3A_272 = arith.xori %iota3A, %xor3A_271 : vector<16xi32>
        %broadcast_in_dim3A_273 = vector.shape_cast %xor3A_272 : vector<16xi32> to vector<16x1xi32>
        %gather3A_274 = vector.shape_cast %broadcast_in_dim3A_273 : vector<16x1xi32> to vector<16xi32>
        %gather3A_275 = tpu.dynamic_gather %min3A[%gather3A_274] in [0] : vector<16xf32>, vector<16xi32> -> vector<16xf32>
        %min3A_276 = arith.minimumf %min3A, %gather3A_275 : vector<16xf32>
        %xor3A_277 = arith.constant 2 : i32
        %xor3A_278 = vector.broadcast %xor3A_277 : i32 to vector<16xi32>
        %xor3A_279 = arith.xori %iota3A, %xor3A_278 : vector<16xi32>
        %broadcast_in_dim3A_280 = vector.shape_cast %xor3A_279 : vector<16xi32> to vector<16x1xi32>
        %gather3A_281 = vector.shape_cast %broadcast_in_dim3A_280 : vector<16x1xi32> to vector<16xi32>
        %gather3A_282 = tpu.dynamic_gather %min3A_276[%gather3A_281] in [0] : vector<16xf32>, vector<16xi32> -> vector<16xf32>
        %min3A_283 = arith.minimumf %min3A_276, %gather3A_282 : vector<16xf32>
        %xor3A_284 = arith.constant 1 : i32
        %xor3A_285 = vector.broadcast %xor3A_284 : i32 to vector<16xi32>
        %xor3A_286 = arith.xori %iota3A, %xor3A_285 : vector<16xi32>
        %broadcast_in_dim3A_287 = vector.shape_cast %xor3A_286 : vector<16xi32> to vector<16x1xi32>
        %gather3A_288 = vector.shape_cast %broadcast_in_dim3A_287 : vector<16x1xi32> to vector<16xi32>
        %gather3A_289 = tpu.dynamic_gather %min3A_283[%gather3A_288] in [0] : vector<16xf32>, vector<16xi32> -> vector<16xf32>
        %min3A_290 = arith.minimumf %min3A_283, %gather3A_289 : vector<16xf32>
        %eq3A_291 = vector.broadcast %scan3A_216 : i32 to vector<16xi32>
        %eq3A_292 = arith.cmpi eq, %iota3A, %eq3A_291 : vector<16xi32>
        %select_n3A_293 = arith.select %eq3A_292, %max3A_263, %scan3A_237 : vector<16xi1>, vector<16xf32>
        %select_n3A_294 = arith.select %eq3A_292, %min3A_290, %scan3A_238 : vector<16xi1>, vector<16xf32>
        %eq3A_295 = arith.cmpf oeq, %scan3A_227, %min3A_290 : vector<16xf32>
        %and3A = arith.andi %eq3A, %eq3A_295 : vector<16xi1>
        %select_n3A_296 = arith.select %and3A, %scan3A_218, %scan3A_217 : vector<16xi1>, vector<16xf32>
        %select_n3A_297 = arith.select %and3A, %scan3A_228, %scan3A_227 : vector<16xi1>, vector<16xf32>
        %select_n3A_298 = arith.select %and3A, %scan3A_219, %scan3A_218 : vector<16xi1>, vector<16xf32>
        %select_n3A_299 = arith.select %and3A, %scan3A_229, %scan3A_228 : vector<16xi1>, vector<16xf32>
        %select_n3A_300 = arith.select %and3A, %scan3A_220, %scan3A_219 : vector<16xi1>, vector<16xf32>
        %select_n3A_301 = arith.select %and3A, %scan3A_230, %scan3A_229 : vector<16xi1>, vector<16xf32>
        %select_n3A_302 = arith.select %and3A, %scan3A_221, %scan3A_220 : vector<16xi1>, vector<16xf32>
        %select_n3A_303 = arith.select %and3A, %scan3A_231, %scan3A_230 : vector<16xi1>, vector<16xf32>
        %select_n3A_304 = arith.select %and3A, %scan3A_222, %scan3A_221 : vector<16xi1>, vector<16xf32>
        %select_n3A_305 = arith.select %and3A, %scan3A_232, %scan3A_231 : vector<16xi1>, vector<16xf32>
        %select_n3A_306 = arith.select %and3A, %scan3A_223, %scan3A_222 : vector<16xi1>, vector<16xf32>
        %select_n3A_307 = arith.select %and3A, %scan3A_233, %scan3A_232 : vector<16xi1>, vector<16xf32>
        %select_n3A_308 = arith.select %and3A, %scan3A_224, %scan3A_223 : vector<16xi1>, vector<16xf32>
        %select_n3A_309 = arith.select %and3A, %scan3A_234, %scan3A_233 : vector<16xi1>, vector<16xf32>
        %select_n3A_310 = arith.select %and3A, %scan3A_225, %scan3A_224 : vector<16xi1>, vector<16xf32>
        %select_n3A_311 = arith.select %and3A, %scan3A_235, %scan3A_234 : vector<16xi1>, vector<16xf32>
        %select_n3A_312 = arith.select %and3A, %scan3A_226, %scan3A_225 : vector<16xi1>, vector<16xf32>
        %select_n3A_313 = arith.select %and3A, %scan3A_236, %scan3A_235 : vector<16xi1>, vector<16xf32>
        %select_n3A_314 = arith.select %and3A, %broadcast_in_dim3A_3, %scan3A_226 : vector<16xi1>, vector<16xf32>
        %select_n3A_315 = arith.select %and3A, %broadcast_in_dim3A_5, %scan3A_236 : vector<16xi1>, vector<16xf32>
        scf.yield %select_n3A_296, %select_n3A_298, %select_n3A_300, %select_n3A_302, %select_n3A_304, %select_n3A_306, %select_n3A_308, %select_n3A_310, %select_n3A_312, %select_n3A_314, %select_n3A_297, %select_n3A_299, %select_n3A_301, %select_n3A_303, %select_n3A_305, %select_n3A_307, %select_n3A_309, %select_n3A_311, %select_n3A_313, %select_n3A_315, %select_n3A_293, %select_n3A_294 : vector<16xf32>, vector<16xf32>, vector<16xf32>, vector<16xf32>, vector<16xf32>, vector<16xf32>, vector<16xf32>, vector<16xf32>, vector<16xf32>, vector<16xf32>, vector<16xf32>, vector<16xf32>, vector<16xf32>, vector<16xf32>, vector<16xf32>, vector<16xf32>, vector<16xf32>, vector<16xf32>, vector<16xf32>, vector<16xf32>, vector<16xf32>, vector<16xf32>
      }
      %scan3A_101 = arith.constant 10 : i32
      %swap3A_102 = arith.constant 3 : i32
      %swap3A_103 = arith.index_cast %swap3A_102 : i32 to index
      %swap3A_104 = arith.constant 0 : index
      %swap3A_105 = tpu.vector_load %arg6[%swap3A_103, %swap3A_104] {strides = array<i32>} : memref<8x16xf32, #tpu.memory_space<vmem>>, vector<1x16xf32>,
      %swap3A_106 = vector.shape_cast %swap3A_105 : vector<1x16xf32> to vector<16xf32>
      %swap3A_107 = vector.shape_cast %scan3A_100#20 : vector<16xf32> to vector<1x16xf32>
      tpu.vector_store %arg6[%swap3A_103, %swap3A_104], %swap3A_107 {strides = array<i32>} : memref<8x16xf32, #tpu.memory_space<vmem>>, vector<1x16xf32>,
      %convert_element_type3A_108 = arith.fptosi %scan3A_100#21 : vector<16xf32> to vector<16xi32>
      %swap3A_109 = arith.constant 3 : i32
      %swap3A_110 = arith.index_cast %swap3A_109 : i32 to index
      %swap3A_111 = arith.constant 0 : index
      %swap3A_112 = tpu.vector_load %arg7[%swap3A_110, %swap3A_111] {strides = array<i32>} : memref<8x16xi32, #tpu.memory_space<vmem>>, vector<1x16xi32>,
      %swap3A_113 = vector.shape_cast %swap3A_112 : vector<1x16xi32> to vector<16xi32>
      %swap3A_114 = vector.shape_cast %convert_element_type3A_108 : vector<16xi32> to vector<1x16xi32>
      tpu.vector_store %arg7[%swap3A_110, %swap3A_111], %swap3A_114 {strides = array<i32>} : memref<8x16xi32, #tpu.memory_space<vmem>>, vector<1x16xi32>,
      %scan3A_115 = arith.constant 0 : i32
      %scan3A_116 = arith.constant 64 : i32
      %scan3A_117 = arith.addi %scan3A_115, %scan3A_116 : i32
      %scan3A_118 = arith.constant 1 : i32
      %scan3A_119:20 = scf.for %scan3A_216 = %scan3A_115 to %scan3A_117 step %scan3A_118 iter_args(%scan3A_217 = %broadcast_in_dim3A_3, %scan3A_218 = %broadcast_in_dim3A_3, %scan3A_219 = %broadcast_in_dim3A_3, %scan3A_220 = %broadcast_in_dim3A_3, %scan3A_221 = %broadcast_in_dim3A_3, %scan3A_222 = %broadcast_in_dim3A_3, %scan3A_223 = %broadcast_in_dim3A_3, %scan3A_224 = %broadcast_in_dim3A_3, %scan3A_225 = %broadcast_in_dim3A_3, %scan3A_226 = %broadcast_in_dim3A_3, %scan3A_227 = %broadcast_in_dim3A_5, %scan3A_228 = %broadcast_in_dim3A_5, %scan3A_229 = %broadcast_in_dim3A_5, %scan3A_230 = %broadcast_in_dim3A_5, %scan3A_231 = %broadcast_in_dim3A_5, %scan3A_232 = %broadcast_in_dim3A_5, %scan3A_233 = %broadcast_in_dim3A_5, %scan3A_234 = %broadcast_in_dim3A_5, %scan3A_235 = %broadcast_in_dim3A_5, %scan3A_236 = %broadcast_in_dim3A_5) -> (vector<16xf32>, vector<16xf32>, vector<16xf32>, vector<16xf32>, vector<16xf32>, vector<16xf32>, vector<16xf32>, vector<16xf32>, vector<16xf32>, vector<16xf32>, vector<16xf32>, vector<16xf32>, vector<16xf32>, vector<16xf32>, vector<16xf32>, vector<16xf32>, vector<16xf32>, vector<16xf32>, vector<16xf32>, vector<16xf32>)  : i32 {
        %mul3A_237 = arith.constant 16 : i32
        %mul3A_238 = arith.muli %scan3A_216, %mul3A_237 : i32
        %multiple_of3A = tpu.assume_multiple %mul3A_238, 16 : i32
        %get3A = arith.constant 4 : i32
        %get3A_239 = arith.index_cast %get3A : i32 to index
        %get3A_240 = arith.index_cast %multiple_of3A : i32 to index
        %get3A_241 = tpu.vector_load %arg5[%get3A_239, %get3A_240] {strides = array<i32>} : memref<8x1024xf32, #tpu.memory_space<vmem>>, vector<1x16xf32>,
        %get3A_242 = vector.shape_cast %get3A_241 : vector<1x16xf32> to vector<16xf32>
        %add3A_243 = vector.broadcast %multiple_of3A : i32 to vector<16xi32>
        %add3A_244 = arith.addi %add3A_243, %iota3A : vector<16xi32>
        %convert_element_type3A_245 = arith.sitofp %add3A_244 : vector<16xi32> to vector<16xf32>
        %gt3A = arith.cmpf ogt, %get3A_242, %scan3A_217 : vector<16xf32>
        %select_n3A = arith.select %gt3A, %scan3A_217, %get3A_242 : vector<16xi1>, vector<16xf32>
        %select_n3A_246 = arith.select %gt3A, %scan3A_227, %convert_element_type3A_245 : vector<16xi1>, vector<16xf32>
        %select_n3A_247 = arith.select %gt3A, %get3A_242, %scan3A_217 : vector<16xi1>, vector<16xf32>
        %select_n3A_248 = arith.select %gt3A, %convert_element_type3A_245, %scan3A_227 : vector<16xi1>, vector<16xf32>
        %gt3A_249 = arith.cmpf ogt, %select_n3A, %scan3A_218 : vector<16xf32>
        %select_n3A_250 = arith.select %gt3A_249, %scan3A_218, %select_n3A : vector<16xi1>, vector<16xf32>
        %select_n3A_251 = arith.select %gt3A_249, %scan3A_228, %select_n3A_246 : vector<16xi1>, vector<16xf32>
        %select_n3A_252 = arith.select %gt3A_249, %select_n3A, %scan3A_218 : vector<16xi1>, vector<16xf32>
        %select_n3A_253 = arith.select %gt3A_249, %select_n3A_246, %scan3A_228 : vector<16xi1>, vector<16xf32>
        %gt3A_254 = arith.cmpf ogt, %select_n3A_250, %scan3A_219 : vector<16xf32>
        %select_n3A_255 = arith.select %gt3A_254, %scan3A_219, %select_n3A_250 : vector<16xi1>, vector<16xf32>
        %select_n3A_256 = arith.select %gt3A_254, %scan3A_229, %select_n3A_251 : vector<16xi1>, vector<16xf32>
        %select_n3A_257 = arith.select %gt3A_254, %select_n3A_250, %scan3A_219 : vector<16xi1>, vector<16xf32>
        %select_n3A_258 = arith.select %gt3A_254, %select_n3A_251, %scan3A_229 : vector<16xi1>, vector<16xf32>
        %gt3A_259 = arith.cmpf ogt, %select_n3A_255, %scan3A_220 : vector<16xf32>
        %select_n3A_260 = arith.select %gt3A_259, %scan3A_220, %select_n3A_255 : vector<16xi1>, vector<16xf32>
        %select_n3A_261 = arith.select %gt3A_259, %scan3A_230, %select_n3A_256 : vector<16xi1>, vector<16xf32>
        %select_n3A_262 = arith.select %gt3A_259, %select_n3A_255, %scan3A_220 : vector<16xi1>, vector<16xf32>
        %select_n3A_263 = arith.select %gt3A_259, %select_n3A_256, %scan3A_230 : vector<16xi1>, vector<16xf32>
        %gt3A_264 = arith.cmpf ogt, %select_n3A_260, %scan3A_221 : vector<16xf32>
        %select_n3A_265 = arith.select %gt3A_264, %scan3A_221, %select_n3A_260 : vector<16xi1>, vector<16xf32>
        %select_n3A_266 = arith.select %gt3A_264, %scan3A_231, %select_n3A_261 : vector<16xi1>, vector<16xf32>
        %select_n3A_267 = arith.select %gt3A_264, %select_n3A_260, %scan3A_221 : vector<16xi1>, vector<16xf32>
        %select_n3A_268 = arith.select %gt3A_264, %select_n3A_261, %scan3A_231 : vector<16xi1>, vector<16xf32>
        %gt3A_269 = arith.cmpf ogt, %select_n3A_265, %scan3A_222 : vector<16xf32>
        %select_n3A_270 = arith.select %gt3A_269, %scan3A_222, %select_n3A_265 : vector<16xi1>, vector<16xf32>
        %select_n3A_271 = arith.select %gt3A_269, %scan3A_232, %select_n3A_266 : vector<16xi1>, vector<16xf32>
        %select_n3A_272 = arith.select %gt3A_269, %select_n3A_265, %scan3A_222 : vector<16xi1>, vector<16xf32>
        %select_n3A_273 = arith.select %gt3A_269, %select_n3A_266, %scan3A_232 : vector<16xi1>, vector<16xf32>
        %gt3A_274 = arith.cmpf ogt, %select_n3A_270, %scan3A_223 : vector<16xf32>
        %select_n3A_275 = arith.select %gt3A_274, %scan3A_223, %select_n3A_270 : vector<16xi1>, vector<16xf32>
        %select_n3A_276 = arith.select %gt3A_274, %scan3A_233, %select_n3A_271 : vector<16xi1>, vector<16xf32>
        %select_n3A_277 = arith.select %gt3A_274, %select_n3A_270, %scan3A_223 : vector<16xi1>, vector<16xf32>
        %select_n3A_278 = arith.select %gt3A_274, %select_n3A_271, %scan3A_233 : vector<16xi1>, vector<16xf32>
        %gt3A_279 = arith.cmpf ogt, %select_n3A_275, %scan3A_224 : vector<16xf32>
        %select_n3A_280 = arith.select %gt3A_279, %scan3A_224, %select_n3A_275 : vector<16xi1>, vector<16xf32>
        %select_n3A_281 = arith.select %gt3A_279, %scan3A_234, %select_n3A_276 : vector<16xi1>, vector<16xf32>
        %select_n3A_282 = arith.select %gt3A_279, %select_n3A_275, %scan3A_224 : vector<16xi1>, vector<16xf32>
        %select_n3A_283 = arith.select %gt3A_279, %select_n3A_276, %scan3A_234 : vector<16xi1>, vector<16xf32>
        %gt3A_284 = arith.cmpf ogt, %select_n3A_280, %scan3A_225 : vector<16xf32>
        %select_n3A_285 = arith.select %gt3A_284, %scan3A_225, %select_n3A_280 : vector<16xi1>, vector<16xf32>
        %select_n3A_286 = arith.select %gt3A_284, %scan3A_235, %select_n3A_281 : vector<16xi1>, vector<16xf32>
        %select_n3A_287 = arith.select %gt3A_284, %select_n3A_280, %scan3A_225 : vector<16xi1>, vector<16xf32>
        %select_n3A_288 = arith.select %gt3A_284, %select_n3A_281, %scan3A_235 : vector<16xi1>, vector<16xf32>
        %gt3A_289 = arith.cmpf ogt, %select_n3A_285, %scan3A_226 : vector<16xf32>
        %select_n3A_290 = arith.select %gt3A_289, %scan3A_226, %select_n3A_285 : vector<16xi1>, vector<16xf32>
        %select_n3A_291 = arith.select %gt3A_289, %scan3A_236, %select_n3A_286 : vector<16xi1>, vector<16xf32>
        %select_n3A_292 = arith.select %gt3A_289, %select_n3A_285, %scan3A_226 : vector<16xi1>, vector<16xf32>
        %select_n3A_293 = arith.select %gt3A_289, %select_n3A_286, %scan3A_236 : vector<16xi1>, vector<16xf32>
        scf.yield %select_n3A_247, %select_n3A_252, %select_n3A_257, %select_n3A_262, %select_n3A_267, %select_n3A_272, %select_n3A_277, %select_n3A_282, %select_n3A_287, %select_n3A_292, %select_n3A_248, %select_n3A_253, %select_n3A_258, %select_n3A_263, %select_n3A_268, %select_n3A_273, %select_n3A_278, %select_n3A_283, %select_n3A_288, %select_n3A_293 : vector<16xf32>, vector<16xf32>, vector<16xf32>, vector<16xf32>, vector<16xf32>, vector<16xf32>, vector<16xf32>, vector<16xf32>, vector<16xf32>, vector<16xf32>, vector<16xf32>, vector<16xf32>, vector<16xf32>, vector<16xf32>, vector<16xf32>, vector<16xf32>, vector<16xf32>, vector<16xf32>, vector<16xf32>, vector<16xf32>
      }
      %scan3A_120 = arith.constant 64 : i32
      %scan3A_121 = arith.constant 0 : i32
      %scan3A_122 = arith.constant 10 : i32
      %scan3A_123 = arith.addi %scan3A_121, %scan3A_122 : i32
      %scan3A_124 = arith.constant 1 : i32
      %scan3A_125:22 = scf.for %scan3A_216 = %scan3A_121 to %scan3A_123 step %scan3A_124 iter_args(%scan3A_217 = %scan3A_119#0, %scan3A_218 = %scan3A_119#1, %scan3A_219 = %scan3A_119#2, %scan3A_220 = %scan3A_119#3, %scan3A_221 = %scan3A_119#4, %scan3A_222 = %scan3A_119#5, %scan3A_223 = %scan3A_119#6, %scan3A_224 = %scan3A_119#7, %scan3A_225 = %scan3A_119#8, %scan3A_226 = %scan3A_119#9, %scan3A_227 = %scan3A_119#10, %scan3A_228 = %scan3A_119#11, %scan3A_229 = %scan3A_119#12, %scan3A_230 = %scan3A_119#13, %scan3A_231 = %scan3A_119#14, %scan3A_232 = %scan3A_119#15, %scan3A_233 = %scan3A_119#16, %scan3A_234 = %scan3A_119#17, %scan3A_235 = %scan3A_119#18, %scan3A_236 = %scan3A_119#19, %scan3A_237 = %broadcast_in_dim3A_3, %scan3A_238 = %broadcast_in_dim3A_5) -> (vector<16xf32>, vector<16xf32>, vector<16xf32>, vector<16xf32>, vector<16xf32>, vector<16xf32>, vector<16xf32>, vector<16xf32>, vector<16xf32>, vector<16xf32>, vector<16xf32>, vector<16xf32>, vector<16xf32>, vector<16xf32>, vector<16xf32>, vector<16xf32>, vector<16xf32>, vector<16xf32>, vector<16xf32>, vector<16xf32>, vector<16xf32>, vector<16xf32>)  : i32 {
        %xor3A = arith.constant 8 : i32
        %xor3A_239 = vector.broadcast %xor3A : i32 to vector<16xi32>
        %xor3A_240 = arith.xori %iota3A, %xor3A_239 : vector<16xi32>
        %broadcast_in_dim3A_241 = vector.shape_cast %xor3A_240 : vector<16xi32> to vector<16x1xi32>
        %gather3A = vector.shape_cast %broadcast_in_dim3A_241 : vector<16x1xi32> to vector<16xi32>
        %gather3A_242 = tpu.dynamic_gather %scan3A_217[%gather3A] in [0] : vector<16xf32>, vector<16xi32> -> vector<16xf32>
        %max3A = arith.maximumf %scan3A_217, %gather3A_242 : vector<16xf32>
        %xor3A_243 = arith.constant 4 : i32
        %xor3A_244 = vector.broadcast %xor3A_243 : i32 to vector<16xi32>
        %xor3A_245 = arith.xori %iota3A, %xor3A_244 : vector<16xi32>
        %broadcast_in_dim3A_246 = vector.shape_cast %xor3A_245 : vector<16xi32> to vector<16x1xi32>
        %gather3A_247 = vector.shape_cast %broadcast_in_dim3A_246 : vector<16x1xi32> to vector<16xi32>
        %gather3A_248 = tpu.dynamic_gather %max3A[%gather3A_247] in [0] : vector<16xf32>, vector<16xi32> -> vector<16xf32>
        %max3A_249 = arith.maximumf %max3A, %gather3A_248 : vector<16xf32>
        %xor3A_250 = arith.constant 2 : i32
        %xor3A_251 = vector.broadcast %xor3A_250 : i32 to vector<16xi32>
        %xor3A_252 = arith.xori %iota3A, %xor3A_251 : vector<16xi32>
        %broadcast_in_dim3A_253 = vector.shape_cast %xor3A_252 : vector<16xi32> to vector<16x1xi32>
        %gather3A_254 = vector.shape_cast %broadcast_in_dim3A_253 : vector<16x1xi32> to vector<16xi32>
        %gather3A_255 = tpu.dynamic_gather %max3A_249[%gather3A_254] in [0] : vector<16xf32>, vector<16xi32> -> vector<16xf32>
        %max3A_256 = arith.maximumf %max3A_249, %gather3A_255 : vector<16xf32>
        %xor3A_257 = arith.constant 1 : i32
        %xor3A_258 = vector.broadcast %xor3A_257 : i32 to vector<16xi32>
        %xor3A_259 = arith.xori %iota3A, %xor3A_258 : vector<16xi32>
        %broadcast_in_dim3A_260 = vector.shape_cast %xor3A_259 : vector<16xi32> to vector<16x1xi32>
        %gather3A_261 = vector.shape_cast %broadcast_in_dim3A_260 : vector<16x1xi32> to vector<16xi32>
        %gather3A_262 = tpu.dynamic_gather %max3A_256[%gather3A_261] in [0] : vector<16xf32>, vector<16xi32> -> vector<16xf32>
        %max3A_263 = arith.maximumf %max3A_256, %gather3A_262 : vector<16xf32>
        %eq3A = arith.cmpf oeq, %scan3A_217, %max3A_263 : vector<16xf32>
        %select_n3A = arith.select %eq3A, %scan3A_227, %broadcast_in_dim3A_5 : vector<16xi1>, vector<16xf32>
        %xor3A_264 = arith.constant 8 : i32
        %xor3A_265 = vector.broadcast %xor3A_264 : i32 to vector<16xi32>
        %xor3A_266 = arith.xori %iota3A, %xor3A_265 : vector<16xi32>
        %broadcast_in_dim3A_267 = vector.shape_cast %xor3A_266 : vector<16xi32> to vector<16x1xi32>
        %gather3A_268 = vector.shape_cast %broadcast_in_dim3A_267 : vector<16x1xi32> to vector<16xi32>
        %gather3A_269 = tpu.dynamic_gather %select_n3A[%gather3A_268] in [0] : vector<16xf32>, vector<16xi32> -> vector<16xf32>
        %min3A = arith.minimumf %select_n3A, %gather3A_269 : vector<16xf32>
        %xor3A_270 = arith.constant 4 : i32
        %xor3A_271 = vector.broadcast %xor3A_270 : i32 to vector<16xi32>
        %xor3A_272 = arith.xori %iota3A, %xor3A_271 : vector<16xi32>
        %broadcast_in_dim3A_273 = vector.shape_cast %xor3A_272 : vector<16xi32> to vector<16x1xi32>
        %gather3A_274 = vector.shape_cast %broadcast_in_dim3A_273 : vector<16x1xi32> to vector<16xi32>
        %gather3A_275 = tpu.dynamic_gather %min3A[%gather3A_274] in [0] : vector<16xf32>, vector<16xi32> -> vector<16xf32>
        %min3A_276 = arith.minimumf %min3A, %gather3A_275 : vector<16xf32>
        %xor3A_277 = arith.constant 2 : i32
        %xor3A_278 = vector.broadcast %xor3A_277 : i32 to vector<16xi32>
        %xor3A_279 = arith.xori %iota3A, %xor3A_278 : vector<16xi32>
        %broadcast_in_dim3A_280 = vector.shape_cast %xor3A_279 : vector<16xi32> to vector<16x1xi32>
        %gather3A_281 = vector.shape_cast %broadcast_in_dim3A_280 : vector<16x1xi32> to vector<16xi32>
        %gather3A_282 = tpu.dynamic_gather %min3A_276[%gather3A_281] in [0] : vector<16xf32>, vector<16xi32> -> vector<16xf32>
        %min3A_283 = arith.minimumf %min3A_276, %gather3A_282 : vector<16xf32>
        %xor3A_284 = arith.constant 1 : i32
        %xor3A_285 = vector.broadcast %xor3A_284 : i32 to vector<16xi32>
        %xor3A_286 = arith.xori %iota3A, %xor3A_285 : vector<16xi32>
        %broadcast_in_dim3A_287 = vector.shape_cast %xor3A_286 : vector<16xi32> to vector<16x1xi32>
        %gather3A_288 = vector.shape_cast %broadcast_in_dim3A_287 : vector<16x1xi32> to vector<16xi32>
        %gather3A_289 = tpu.dynamic_gather %min3A_283[%gather3A_288] in [0] : vector<16xf32>, vector<16xi32> -> vector<16xf32>
        %min3A_290 = arith.minimumf %min3A_283, %gather3A_289 : vector<16xf32>
        %eq3A_291 = vector.broadcast %scan3A_216 : i32 to vector<16xi32>
        %eq3A_292 = arith.cmpi eq, %iota3A, %eq3A_291 : vector<16xi32>
        %select_n3A_293 = arith.select %eq3A_292, %max3A_263, %scan3A_237 : vector<16xi1>, vector<16xf32>
        %select_n3A_294 = arith.select %eq3A_292, %min3A_290, %scan3A_238 : vector<16xi1>, vector<16xf32>
        %eq3A_295 = arith.cmpf oeq, %scan3A_227, %min3A_290 : vector<16xf32>
        %and3A = arith.andi %eq3A, %eq3A_295 : vector<16xi1>
        %select_n3A_296 = arith.select %and3A, %scan3A_218, %scan3A_217 : vector<16xi1>, vector<16xf32>
        %select_n3A_297 = arith.select %and3A, %scan3A_228, %scan3A_227 : vector<16xi1>, vector<16xf32>
        %select_n3A_298 = arith.select %and3A, %scan3A_219, %scan3A_218 : vector<16xi1>, vector<16xf32>
        %select_n3A_299 = arith.select %and3A, %scan3A_229, %scan3A_228 : vector<16xi1>, vector<16xf32>
        %select_n3A_300 = arith.select %and3A, %scan3A_220, %scan3A_219 : vector<16xi1>, vector<16xf32>
        %select_n3A_301 = arith.select %and3A, %scan3A_230, %scan3A_229 : vector<16xi1>, vector<16xf32>
        %select_n3A_302 = arith.select %and3A, %scan3A_221, %scan3A_220 : vector<16xi1>, vector<16xf32>
        %select_n3A_303 = arith.select %and3A, %scan3A_231, %scan3A_230 : vector<16xi1>, vector<16xf32>
        %select_n3A_304 = arith.select %and3A, %scan3A_222, %scan3A_221 : vector<16xi1>, vector<16xf32>
        %select_n3A_305 = arith.select %and3A, %scan3A_232, %scan3A_231 : vector<16xi1>, vector<16xf32>
        %select_n3A_306 = arith.select %and3A, %scan3A_223, %scan3A_222 : vector<16xi1>, vector<16xf32>
        %select_n3A_307 = arith.select %and3A, %scan3A_233, %scan3A_232 : vector<16xi1>, vector<16xf32>
        %select_n3A_308 = arith.select %and3A, %scan3A_224, %scan3A_223 : vector<16xi1>, vector<16xf32>
        %select_n3A_309 = arith.select %and3A, %scan3A_234, %scan3A_233 : vector<16xi1>, vector<16xf32>
        %select_n3A_310 = arith.select %and3A, %scan3A_225, %scan3A_224 : vector<16xi1>, vector<16xf32>
        %select_n3A_311 = arith.select %and3A, %scan3A_235, %scan3A_234 : vector<16xi1>, vector<16xf32>
        %select_n3A_312 = arith.select %and3A, %scan3A_226, %scan3A_225 : vector<16xi1>, vector<16xf32>
        %select_n3A_313 = arith.select %and3A, %scan3A_236, %scan3A_235 : vector<16xi1>, vector<16xf32>
        %select_n3A_314 = arith.select %and3A, %broadcast_in_dim3A_3, %scan3A_226 : vector<16xi1>, vector<16xf32>
        %select_n3A_315 = arith.select %and3A, %broadcast_in_dim3A_5, %scan3A_236 : vector<16xi1>, vector<16xf32>
        scf.yield %select_n3A_296, %select_n3A_298, %select_n3A_300, %select_n3A_302, %select_n3A_304, %select_n3A_306, %select_n3A_308, %select_n3A_310, %select_n3A_312, %select_n3A_314, %select_n3A_297, %select_n3A_299, %select_n3A_301, %select_n3A_303, %select_n3A_305, %select_n3A_307, %select_n3A_309, %select_n3A_311, %select_n3A_313, %select_n3A_315, %select_n3A_293, %select_n3A_294 : vector<16xf32>, vector<16xf32>, vector<16xf32>, vector<16xf32>, vector<16xf32>, vector<16xf32>, vector<16xf32>, vector<16xf32>, vector<16xf32>, vector<16xf32>, vector<16xf32>, vector<16xf32>, vector<16xf32>, vector<16xf32>, vector<16xf32>, vector<16xf32>, vector<16xf32>, vector<16xf32>, vector<16xf32>, vector<16xf32>, vector<16xf32>, vector<16xf32>
      }
      %scan3A_126 = arith.constant 10 : i32
      %swap3A_127 = arith.constant 4 : i32
      %swap3A_128 = arith.index_cast %swap3A_127 : i32 to index
      %swap3A_129 = arith.constant 0 : index
      %swap3A_130 = tpu.vector_load %arg6[%swap3A_128, %swap3A_129] {strides = array<i32>} : memref<8x16xf32, #tpu.memory_space<vmem>>, vector<1x16xf32>,
      %swap3A_131 = vector.shape_cast %swap3A_130 : vector<1x16xf32> to vector<16xf32>
      %swap3A_132 = vector.shape_cast %scan3A_125#20 : vector<16xf32> to vector<1x16xf32>
      tpu.vector_store %arg6[%swap3A_128, %swap3A_129], %swap3A_132 {strides = array<i32>} : memref<8x16xf32, #tpu.memory_space<vmem>>, vector<1x16xf32>,
      %convert_element_type3A_133 = arith.fptosi %scan3A_125#21 : vector<16xf32> to vector<16xi32>
      %swap3A_134 = arith.constant 4 : i32
      %swap3A_135 = arith.index_cast %swap3A_134 : i32 to index
      %swap3A_136 = arith.constant 0 : index
      %swap3A_137 = tpu.vector_load %arg7[%swap3A_135, %swap3A_136] {strides = array<i32>} : memref<8x16xi32, #tpu.memory_space<vmem>>, vector<1x16xi32>,
      %swap3A_138 = vector.shape_cast %swap3A_137 : vector<1x16xi32> to vector<16xi32>
      %swap3A_139 = vector.shape_cast %convert_element_type3A_133 : vector<16xi32> to vector<1x16xi32>
      tpu.vector_store %arg7[%swap3A_135, %swap3A_136], %swap3A_139 {strides = array<i32>} : memref<8x16xi32, #tpu.memory_space<vmem>>, vector<1x16xi32>,
      %scan3A_140 = arith.constant 0 : i32
      %scan3A_141 = arith.constant 64 : i32
      %scan3A_142 = arith.addi %scan3A_140, %scan3A_141 : i32
      %scan3A_143 = arith.constant 1 : i32
      %scan3A_144:20 = scf.for %scan3A_216 = %scan3A_140 to %scan3A_142 step %scan3A_143 iter_args(%scan3A_217 = %broadcast_in_dim3A_3, %scan3A_218 = %broadcast_in_dim3A_3, %scan3A_219 = %broadcast_in_dim3A_3, %scan3A_220 = %broadcast_in_dim3A_3, %scan3A_221 = %broadcast_in_dim3A_3, %scan3A_222 = %broadcast_in_dim3A_3, %scan3A_223 = %broadcast_in_dim3A_3, %scan3A_224 = %broadcast_in_dim3A_3, %scan3A_225 = %broadcast_in_dim3A_3, %scan3A_226 = %broadcast_in_dim3A_3, %scan3A_227 = %broadcast_in_dim3A_5, %scan3A_228 = %broadcast_in_dim3A_5, %scan3A_229 = %broadcast_in_dim3A_5, %scan3A_230 = %broadcast_in_dim3A_5, %scan3A_231 = %broadcast_in_dim3A_5, %scan3A_232 = %broadcast_in_dim3A_5, %scan3A_233 = %broadcast_in_dim3A_5, %scan3A_234 = %broadcast_in_dim3A_5, %scan3A_235 = %broadcast_in_dim3A_5, %scan3A_236 = %broadcast_in_dim3A_5) -> (vector<16xf32>, vector<16xf32>, vector<16xf32>, vector<16xf32>, vector<16xf32>, vector<16xf32>, vector<16xf32>, vector<16xf32>, vector<16xf32>, vector<16xf32>, vector<16xf32>, vector<16xf32>, vector<16xf32>, vector<16xf32>, vector<16xf32>, vector<16xf32>, vector<16xf32>, vector<16xf32>, vector<16xf32>, vector<16xf32>)  : i32 {
        %mul3A_237 = arith.constant 16 : i32
        %mul3A_238 = arith.muli %scan3A_216, %mul3A_237 : i32
        %multiple_of3A = tpu.assume_multiple %mul3A_238, 16 : i32
        %get3A = arith.constant 5 : i32
        %get3A_239 = arith.index_cast %get3A : i32 to index
        %get3A_240 = arith.index_cast %multiple_of3A : i32 to index
        %get3A_241 = tpu.vector_load %arg5[%get3A_239, %get3A_240] {strides = array<i32>} : memref<8x1024xf32, #tpu.memory_space<vmem>>, vector<1x16xf32>,
        %get3A_242 = vector.shape_cast %get3A_241 : vector<1x16xf32> to vector<16xf32>
        %add3A_243 = vector.broadcast %multiple_of3A : i32 to vector<16xi32>
        %add3A_244 = arith.addi %add3A_243, %iota3A : vector<16xi32>
        %convert_element_type3A_245 = arith.sitofp %add3A_244 : vector<16xi32> to vector<16xf32>
        %gt3A = arith.cmpf ogt, %get3A_242, %scan3A_217 : vector<16xf32>
        %select_n3A = arith.select %gt3A, %scan3A_217, %get3A_242 : vector<16xi1>, vector<16xf32>
        %select_n3A_246 = arith.select %gt3A, %scan3A_227, %convert_element_type3A_245 : vector<16xi1>, vector<16xf32>
        %select_n3A_247 = arith.select %gt3A, %get3A_242, %scan3A_217 : vector<16xi1>, vector<16xf32>
        %select_n3A_248 = arith.select %gt3A, %convert_element_type3A_245, %scan3A_227 : vector<16xi1>, vector<16xf32>
        %gt3A_249 = arith.cmpf ogt, %select_n3A, %scan3A_218 : vector<16xf32>
        %select_n3A_250 = arith.select %gt3A_249, %scan3A_218, %select_n3A : vector<16xi1>, vector<16xf32>
        %select_n3A_251 = arith.select %gt3A_249, %scan3A_228, %select_n3A_246 : vector<16xi1>, vector<16xf32>
        %select_n3A_252 = arith.select %gt3A_249, %select_n3A, %scan3A_218 : vector<16xi1>, vector<16xf32>
        %select_n3A_253 = arith.select %gt3A_249, %select_n3A_246, %scan3A_228 : vector<16xi1>, vector<16xf32>
        %gt3A_254 = arith.cmpf ogt, %select_n3A_250, %scan3A_219 : vector<16xf32>
        %select_n3A_255 = arith.select %gt3A_254, %scan3A_219, %select_n3A_250 : vector<16xi1>, vector<16xf32>
        %select_n3A_256 = arith.select %gt3A_254, %scan3A_229, %select_n3A_251 : vector<16xi1>, vector<16xf32>
        %select_n3A_257 = arith.select %gt3A_254, %select_n3A_250, %scan3A_219 : vector<16xi1>, vector<16xf32>
        %select_n3A_258 = arith.select %gt3A_254, %select_n3A_251, %scan3A_229 : vector<16xi1>, vector<16xf32>
        %gt3A_259 = arith.cmpf ogt, %select_n3A_255, %scan3A_220 : vector<16xf32>
        %select_n3A_260 = arith.select %gt3A_259, %scan3A_220, %select_n3A_255 : vector<16xi1>, vector<16xf32>
        %select_n3A_261 = arith.select %gt3A_259, %scan3A_230, %select_n3A_256 : vector<16xi1>, vector<16xf32>
        %select_n3A_262 = arith.select %gt3A_259, %select_n3A_255, %scan3A_220 : vector<16xi1>, vector<16xf32>
        %select_n3A_263 = arith.select %gt3A_259, %select_n3A_256, %scan3A_230 : vector<16xi1>, vector<16xf32>
        %gt3A_264 = arith.cmpf ogt, %select_n3A_260, %scan3A_221 : vector<16xf32>
        %select_n3A_265 = arith.select %gt3A_264, %scan3A_221, %select_n3A_260 : vector<16xi1>, vector<16xf32>
        %select_n3A_266 = arith.select %gt3A_264, %scan3A_231, %select_n3A_261 : vector<16xi1>, vector<16xf32>
        %select_n3A_267 = arith.select %gt3A_264, %select_n3A_260, %scan3A_221 : vector<16xi1>, vector<16xf32>
        %select_n3A_268 = arith.select %gt3A_264, %select_n3A_261, %scan3A_231 : vector<16xi1>, vector<16xf32>
        %gt3A_269 = arith.cmpf ogt, %select_n3A_265, %scan3A_222 : vector<16xf32>
        %select_n3A_270 = arith.select %gt3A_269, %scan3A_222, %select_n3A_265 : vector<16xi1>, vector<16xf32>
        %select_n3A_271 = arith.select %gt3A_269, %scan3A_232, %select_n3A_266 : vector<16xi1>, vector<16xf32>
        %select_n3A_272 = arith.select %gt3A_269, %select_n3A_265, %scan3A_222 : vector<16xi1>, vector<16xf32>
        %select_n3A_273 = arith.select %gt3A_269, %select_n3A_266, %scan3A_232 : vector<16xi1>, vector<16xf32>
        %gt3A_274 = arith.cmpf ogt, %select_n3A_270, %scan3A_223 : vector<16xf32>
        %select_n3A_275 = arith.select %gt3A_274, %scan3A_223, %select_n3A_270 : vector<16xi1>, vector<16xf32>
        %select_n3A_276 = arith.select %gt3A_274, %scan3A_233, %select_n3A_271 : vector<16xi1>, vector<16xf32>
        %select_n3A_277 = arith.select %gt3A_274, %select_n3A_270, %scan3A_223 : vector<16xi1>, vector<16xf32>
        %select_n3A_278 = arith.select %gt3A_274, %select_n3A_271, %scan3A_233 : vector<16xi1>, vector<16xf32>
        %gt3A_279 = arith.cmpf ogt, %select_n3A_275, %scan3A_224 : vector<16xf32>
        %select_n3A_280 = arith.select %gt3A_279, %scan3A_224, %select_n3A_275 : vector<16xi1>, vector<16xf32>
        %select_n3A_281 = arith.select %gt3A_279, %scan3A_234, %select_n3A_276 : vector<16xi1>, vector<16xf32>
        %select_n3A_282 = arith.select %gt3A_279, %select_n3A_275, %scan3A_224 : vector<16xi1>, vector<16xf32>
        %select_n3A_283 = arith.select %gt3A_279, %select_n3A_276, %scan3A_234 : vector<16xi1>, vector<16xf32>
        %gt3A_284 = arith.cmpf ogt, %select_n3A_280, %scan3A_225 : vector<16xf32>
        %select_n3A_285 = arith.select %gt3A_284, %scan3A_225, %select_n3A_280 : vector<16xi1>, vector<16xf32>
        %select_n3A_286 = arith.select %gt3A_284, %scan3A_235, %select_n3A_281 : vector<16xi1>, vector<16xf32>
        %select_n3A_287 = arith.select %gt3A_284, %select_n3A_280, %scan3A_225 : vector<16xi1>, vector<16xf32>
        %select_n3A_288 = arith.select %gt3A_284, %select_n3A_281, %scan3A_235 : vector<16xi1>, vector<16xf32>
        %gt3A_289 = arith.cmpf ogt, %select_n3A_285, %scan3A_226 : vector<16xf32>
        %select_n3A_290 = arith.select %gt3A_289, %scan3A_226, %select_n3A_285 : vector<16xi1>, vector<16xf32>
        %select_n3A_291 = arith.select %gt3A_289, %scan3A_236, %select_n3A_286 : vector<16xi1>, vector<16xf32>
        %select_n3A_292 = arith.select %gt3A_289, %select_n3A_285, %scan3A_226 : vector<16xi1>, vector<16xf32>
        %select_n3A_293 = arith.select %gt3A_289, %select_n3A_286, %scan3A_236 : vector<16xi1>, vector<16xf32>
        scf.yield %select_n3A_247, %select_n3A_252, %select_n3A_257, %select_n3A_262, %select_n3A_267, %select_n3A_272, %select_n3A_277, %select_n3A_282, %select_n3A_287, %select_n3A_292, %select_n3A_248, %select_n3A_253, %select_n3A_258, %select_n3A_263, %select_n3A_268, %select_n3A_273, %select_n3A_278, %select_n3A_283, %select_n3A_288, %select_n3A_293 : vector<16xf32>, vector<16xf32>, vector<16xf32>, vector<16xf32>, vector<16xf32>, vector<16xf32>, vector<16xf32>, vector<16xf32>, vector<16xf32>, vector<16xf32>, vector<16xf32>, vector<16xf32>, vector<16xf32>, vector<16xf32>, vector<16xf32>, vector<16xf32>, vector<16xf32>, vector<16xf32>, vector<16xf32>, vector<16xf32>
      }
      %scan3A_145 = arith.constant 64 : i32
      %scan3A_146 = arith.constant 0 : i32
      %scan3A_147 = arith.constant 10 : i32
      %scan3A_148 = arith.addi %scan3A_146, %scan3A_147 : i32
      %scan3A_149 = arith.constant 1 : i32
      %scan3A_150:22 = scf.for %scan3A_216 = %scan3A_146 to %scan3A_148 step %scan3A_149 iter_args(%scan3A_217 = %scan3A_144#0, %scan3A_218 = %scan3A_144#1, %scan3A_219 = %scan3A_144#2, %scan3A_220 = %scan3A_144#3, %scan3A_221 = %scan3A_144#4, %scan3A_222 = %scan3A_144#5, %scan3A_223 = %scan3A_144#6, %scan3A_224 = %scan3A_144#7, %scan3A_225 = %scan3A_144#8, %scan3A_226 = %scan3A_144#9, %scan3A_227 = %scan3A_144#10, %scan3A_228 = %scan3A_144#11, %scan3A_229 = %scan3A_144#12, %scan3A_230 = %scan3A_144#13, %scan3A_231 = %scan3A_144#14, %scan3A_232 = %scan3A_144#15, %scan3A_233 = %scan3A_144#16, %scan3A_234 = %scan3A_144#17, %scan3A_235 = %scan3A_144#18, %scan3A_236 = %scan3A_144#19, %scan3A_237 = %broadcast_in_dim3A_3, %scan3A_238 = %broadcast_in_dim3A_5) -> (vector<16xf32>, vector<16xf32>, vector<16xf32>, vector<16xf32>, vector<16xf32>, vector<16xf32>, vector<16xf32>, vector<16xf32>, vector<16xf32>, vector<16xf32>, vector<16xf32>, vector<16xf32>, vector<16xf32>, vector<16xf32>, vector<16xf32>, vector<16xf32>, vector<16xf32>, vector<16xf32>, vector<16xf32>, vector<16xf32>, vector<16xf32>, vector<16xf32>)  : i32 {
        %xor3A = arith.constant 8 : i32
        %xor3A_239 = vector.broadcast %xor3A : i32 to vector<16xi32>
        %xor3A_240 = arith.xori %iota3A, %xor3A_239 : vector<16xi32>
        %broadcast_in_dim3A_241 = vector.shape_cast %xor3A_240 : vector<16xi32> to vector<16x1xi32>
        %gather3A = vector.shape_cast %broadcast_in_dim3A_241 : vector<16x1xi32> to vector<16xi32>
        %gather3A_242 = tpu.dynamic_gather %scan3A_217[%gather3A] in [0] : vector<16xf32>, vector<16xi32> -> vector<16xf32>
        %max3A = arith.maximumf %scan3A_217, %gather3A_242 : vector<16xf32>
        %xor3A_243 = arith.constant 4 : i32
        %xor3A_244 = vector.broadcast %xor3A_243 : i32 to vector<16xi32>
        %xor3A_245 = arith.xori %iota3A, %xor3A_244 : vector<16xi32>
        %broadcast_in_dim3A_246 = vector.shape_cast %xor3A_245 : vector<16xi32> to vector<16x1xi32>
        %gather3A_247 = vector.shape_cast %broadcast_in_dim3A_246 : vector<16x1xi32> to vector<16xi32>
        %gather3A_248 = tpu.dynamic_gather %max3A[%gather3A_247] in [0] : vector<16xf32>, vector<16xi32> -> vector<16xf32>
        %max3A_249 = arith.maximumf %max3A, %gather3A_248 : vector<16xf32>
        %xor3A_250 = arith.constant 2 : i32
        %xor3A_251 = vector.broadcast %xor3A_250 : i32 to vector<16xi32>
        %xor3A_252 = arith.xori %iota3A, %xor3A_251 : vector<16xi32>
        %broadcast_in_dim3A_253 = vector.shape_cast %xor3A_252 : vector<16xi32> to vector<16x1xi32>
        %gather3A_254 = vector.shape_cast %broadcast_in_dim3A_253 : vector<16x1xi32> to vector<16xi32>
        %gather3A_255 = tpu.dynamic_gather %max3A_249[%gather3A_254] in [0] : vector<16xf32>, vector<16xi32> -> vector<16xf32>
        %max3A_256 = arith.maximumf %max3A_249, %gather3A_255 : vector<16xf32>
        %xor3A_257 = arith.constant 1 : i32
        %xor3A_258 = vector.broadcast %xor3A_257 : i32 to vector<16xi32>
        %xor3A_259 = arith.xori %iota3A, %xor3A_258 : vector<16xi32>
        %broadcast_in_dim3A_260 = vector.shape_cast %xor3A_259 : vector<16xi32> to vector<16x1xi32>
        %gather3A_261 = vector.shape_cast %broadcast_in_dim3A_260 : vector<16x1xi32> to vector<16xi32>
        %gather3A_262 = tpu.dynamic_gather %max3A_256[%gather3A_261] in [0] : vector<16xf32>, vector<16xi32> -> vector<16xf32>
        %max3A_263 = arith.maximumf %max3A_256, %gather3A_262 : vector<16xf32>
        %eq3A = arith.cmpf oeq, %scan3A_217, %max3A_263 : vector<16xf32>
        %select_n3A = arith.select %eq3A, %scan3A_227, %broadcast_in_dim3A_5 : vector<16xi1>, vector<16xf32>
        %xor3A_264 = arith.constant 8 : i32
        %xor3A_265 = vector.broadcast %xor3A_264 : i32 to vector<16xi32>
        %xor3A_266 = arith.xori %iota3A, %xor3A_265 : vector<16xi32>
        %broadcast_in_dim3A_267 = vector.shape_cast %xor3A_266 : vector<16xi32> to vector<16x1xi32>
        %gather3A_268 = vector.shape_cast %broadcast_in_dim3A_267 : vector<16x1xi32> to vector<16xi32>
        %gather3A_269 = tpu.dynamic_gather %select_n3A[%gather3A_268] in [0] : vector<16xf32>, vector<16xi32> -> vector<16xf32>
        %min3A = arith.minimumf %select_n3A, %gather3A_269 : vector<16xf32>
        %xor3A_270 = arith.constant 4 : i32
        %xor3A_271 = vector.broadcast %xor3A_270 : i32 to vector<16xi32>
        %xor3A_272 = arith.xori %iota3A, %xor3A_271 : vector<16xi32>
        %broadcast_in_dim3A_273 = vector.shape_cast %xor3A_272 : vector<16xi32> to vector<16x1xi32>
        %gather3A_274 = vector.shape_cast %broadcast_in_dim3A_273 : vector<16x1xi32> to vector<16xi32>
        %gather3A_275 = tpu.dynamic_gather %min3A[%gather3A_274] in [0] : vector<16xf32>, vector<16xi32> -> vector<16xf32>
        %min3A_276 = arith.minimumf %min3A, %gather3A_275 : vector<16xf32>
        %xor3A_277 = arith.constant 2 : i32
        %xor3A_278 = vector.broadcast %xor3A_277 : i32 to vector<16xi32>
        %xor3A_279 = arith.xori %iota3A, %xor3A_278 : vector<16xi32>
        %broadcast_in_dim3A_280 = vector.shape_cast %xor3A_279 : vector<16xi32> to vector<16x1xi32>
        %gather3A_281 = vector.shape_cast %broadcast_in_dim3A_280 : vector<16x1xi32> to vector<16xi32>
        %gather3A_282 = tpu.dynamic_gather %min3A_276[%gather3A_281] in [0] : vector<16xf32>, vector<16xi32> -> vector<16xf32>
        %min3A_283 = arith.minimumf %min3A_276, %gather3A_282 : vector<16xf32>
        %xor3A_284 = arith.constant 1 : i32
        %xor3A_285 = vector.broadcast %xor3A_284 : i32 to vector<16xi32>
        %xor3A_286 = arith.xori %iota3A, %xor3A_285 : vector<16xi32>
        %broadcast_in_dim3A_287 = vector.shape_cast %xor3A_286 : vector<16xi32> to vector<16x1xi32>
        %gather3A_288 = vector.shape_cast %broadcast_in_dim3A_287 : vector<16x1xi32> to vector<16xi32>
        %gather3A_289 = tpu.dynamic_gather %min3A_283[%gather3A_288] in [0] : vector<16xf32>, vector<16xi32> -> vector<16xf32>
        %min3A_290 = arith.minimumf %min3A_283, %gather3A_289 : vector<16xf32>
        %eq3A_291 = vector.broadcast %scan3A_216 : i32 to vector<16xi32>
        %eq3A_292 = arith.cmpi eq, %iota3A, %eq3A_291 : vector<16xi32>
        %select_n3A_293 = arith.select %eq3A_292, %max3A_263, %scan3A_237 : vector<16xi1>, vector<16xf32>
        %select_n3A_294 = arith.select %eq3A_292, %min3A_290, %scan3A_238 : vector<16xi1>, vector<16xf32>
        %eq3A_295 = arith.cmpf oeq, %scan3A_227, %min3A_290 : vector<16xf32>
        %and3A = arith.andi %eq3A, %eq3A_295 : vector<16xi1>
        %select_n3A_296 = arith.select %and3A, %scan3A_218, %scan3A_217 : vector<16xi1>, vector<16xf32>
        %select_n3A_297 = arith.select %and3A, %scan3A_228, %scan3A_227 : vector<16xi1>, vector<16xf32>
        %select_n3A_298 = arith.select %and3A, %scan3A_219, %scan3A_218 : vector<16xi1>, vector<16xf32>
        %select_n3A_299 = arith.select %and3A, %scan3A_229, %scan3A_228 : vector<16xi1>, vector<16xf32>
        %select_n3A_300 = arith.select %and3A, %scan3A_220, %scan3A_219 : vector<16xi1>, vector<16xf32>
        %select_n3A_301 = arith.select %and3A, %scan3A_230, %scan3A_229 : vector<16xi1>, vector<16xf32>
        %select_n3A_302 = arith.select %and3A, %scan3A_221, %scan3A_220 : vector<16xi1>, vector<16xf32>
        %select_n3A_303 = arith.select %and3A, %scan3A_231, %scan3A_230 : vector<16xi1>, vector<16xf32>
        %select_n3A_304 = arith.select %and3A, %scan3A_222, %scan3A_221 : vector<16xi1>, vector<16xf32>
        %select_n3A_305 = arith.select %and3A, %scan3A_232, %scan3A_231 : vector<16xi1>, vector<16xf32>
        %select_n3A_306 = arith.select %and3A, %scan3A_223, %scan3A_222 : vector<16xi1>, vector<16xf32>
        %select_n3A_307 = arith.select %and3A, %scan3A_233, %scan3A_232 : vector<16xi1>, vector<16xf32>
        %select_n3A_308 = arith.select %and3A, %scan3A_224, %scan3A_223 : vector<16xi1>, vector<16xf32>
        %select_n3A_309 = arith.select %and3A, %scan3A_234, %scan3A_233 : vector<16xi1>, vector<16xf32>
        %select_n3A_310 = arith.select %and3A, %scan3A_225, %scan3A_224 : vector<16xi1>, vector<16xf32>
        %select_n3A_311 = arith.select %and3A, %scan3A_235, %scan3A_234 : vector<16xi1>, vector<16xf32>
        %select_n3A_312 = arith.select %and3A, %scan3A_226, %scan3A_225 : vector<16xi1>, vector<16xf32>
        %select_n3A_313 = arith.select %and3A, %scan3A_236, %scan3A_235 : vector<16xi1>, vector<16xf32>
        %select_n3A_314 = arith.select %and3A, %broadcast_in_dim3A_3, %scan3A_226 : vector<16xi1>, vector<16xf32>
        %select_n3A_315 = arith.select %and3A, %broadcast_in_dim3A_5, %scan3A_236 : vector<16xi1>, vector<16xf32>
        scf.yield %select_n3A_296, %select_n3A_298, %select_n3A_300, %select_n3A_302, %select_n3A_304, %select_n3A_306, %select_n3A_308, %select_n3A_310, %select_n3A_312, %select_n3A_314, %select_n3A_297, %select_n3A_299, %select_n3A_301, %select_n3A_303, %select_n3A_305, %select_n3A_307, %select_n3A_309, %select_n3A_311, %select_n3A_313, %select_n3A_315, %select_n3A_293, %select_n3A_294 : vector<16xf32>, vector<16xf32>, vector<16xf32>, vector<16xf32>, vector<16xf32>, vector<16xf32>, vector<16xf32>, vector<16xf32>, vector<16xf32>, vector<16xf32>, vector<16xf32>, vector<16xf32>, vector<16xf32>, vector<16xf32>, vector<16xf32>, vector<16xf32>, vector<16xf32>, vector<16xf32>, vector<16xf32>, vector<16xf32>, vector<16xf32>, vector<16xf32>
      }
      %scan3A_151 = arith.constant 10 : i32
      %swap3A_152 = arith.constant 5 : i32
      %swap3A_153 = arith.index_cast %swap3A_152 : i32 to index
      %swap3A_154 = arith.constant 0 : index
      %swap3A_155 = tpu.vector_load %arg6[%swap3A_153, %swap3A_154] {strides = array<i32>} : memref<8x16xf32, #tpu.memory_space<vmem>>, vector<1x16xf32>,
      %swap3A_156 = vector.shape_cast %swap3A_155 : vector<1x16xf32> to vector<16xf32>
      %swap3A_157 = vector.shape_cast %scan3A_150#20 : vector<16xf32> to vector<1x16xf32>
      tpu.vector_store %arg6[%swap3A_153, %swap3A_154], %swap3A_157 {strides = array<i32>} : memref<8x16xf32, #tpu.memory_space<vmem>>, vector<1x16xf32>,
      %convert_element_type3A_158 = arith.fptosi %scan3A_150#21 : vector<16xf32> to vector<16xi32>
      %swap3A_159 = arith.constant 5 : i32
      %swap3A_160 = arith.index_cast %swap3A_159 : i32 to index
      %swap3A_161 = arith.constant 0 : index
      %swap3A_162 = tpu.vector_load %arg7[%swap3A_160, %swap3A_161] {strides = array<i32>} : memref<8x16xi32, #tpu.memory_space<vmem>>, vector<1x16xi32>,
      %swap3A_163 = vector.shape_cast %swap3A_162 : vector<1x16xi32> to vector<16xi32>
      %swap3A_164 = vector.shape_cast %convert_element_type3A_158 : vector<16xi32> to vector<1x16xi32>
      tpu.vector_store %arg7[%swap3A_160, %swap3A_161], %swap3A_164 {strides = array<i32>} : memref<8x16xi32, #tpu.memory_space<vmem>>, vector<1x16xi32>,
      %scan3A_165 = arith.constant 0 : i32
      %scan3A_166 = arith.constant 64 : i32
      %scan3A_167 = arith.addi %scan3A_165, %scan3A_166 : i32
      %scan3A_168 = arith.constant 1 : i32
      %scan3A_169:20 = scf.for %scan3A_216 = %scan3A_165 to %scan3A_167 step %scan3A_168 iter_args(%scan3A_217 = %broadcast_in_dim3A_3, %scan3A_218 = %broadcast_in_dim3A_3, %scan3A_219 = %broadcast_in_dim3A_3, %scan3A_220 = %broadcast_in_dim3A_3, %scan3A_221 = %broadcast_in_dim3A_3, %scan3A_222 = %broadcast_in_dim3A_3, %scan3A_223 = %broadcast_in_dim3A_3, %scan3A_224 = %broadcast_in_dim3A_3, %scan3A_225 = %broadcast_in_dim3A_3, %scan3A_226 = %broadcast_in_dim3A_3, %scan3A_227 = %broadcast_in_dim3A_5, %scan3A_228 = %broadcast_in_dim3A_5, %scan3A_229 = %broadcast_in_dim3A_5, %scan3A_230 = %broadcast_in_dim3A_5, %scan3A_231 = %broadcast_in_dim3A_5, %scan3A_232 = %broadcast_in_dim3A_5, %scan3A_233 = %broadcast_in_dim3A_5, %scan3A_234 = %broadcast_in_dim3A_5, %scan3A_235 = %broadcast_in_dim3A_5, %scan3A_236 = %broadcast_in_dim3A_5) -> (vector<16xf32>, vector<16xf32>, vector<16xf32>, vector<16xf32>, vector<16xf32>, vector<16xf32>, vector<16xf32>, vector<16xf32>, vector<16xf32>, vector<16xf32>, vector<16xf32>, vector<16xf32>, vector<16xf32>, vector<16xf32>, vector<16xf32>, vector<16xf32>, vector<16xf32>, vector<16xf32>, vector<16xf32>, vector<16xf32>)  : i32 {
        %mul3A_237 = arith.constant 16 : i32
        %mul3A_238 = arith.muli %scan3A_216, %mul3A_237 : i32
        %multiple_of3A = tpu.assume_multiple %mul3A_238, 16 : i32
        %get3A = arith.constant 6 : i32
        %get3A_239 = arith.index_cast %get3A : i32 to index
        %get3A_240 = arith.index_cast %multiple_of3A : i32 to index
        %get3A_241 = tpu.vector_load %arg5[%get3A_239, %get3A_240] {strides = array<i32>} : memref<8x1024xf32, #tpu.memory_space<vmem>>, vector<1x16xf32>,
        %get3A_242 = vector.shape_cast %get3A_241 : vector<1x16xf32> to vector<16xf32>
        %add3A_243 = vector.broadcast %multiple_of3A : i32 to vector<16xi32>
        %add3A_244 = arith.addi %add3A_243, %iota3A : vector<16xi32>
        %convert_element_type3A_245 = arith.sitofp %add3A_244 : vector<16xi32> to vector<16xf32>
        %gt3A = arith.cmpf ogt, %get3A_242, %scan3A_217 : vector<16xf32>
        %select_n3A = arith.select %gt3A, %scan3A_217, %get3A_242 : vector<16xi1>, vector<16xf32>
        %select_n3A_246 = arith.select %gt3A, %scan3A_227, %convert_element_type3A_245 : vector<16xi1>, vector<16xf32>
        %select_n3A_247 = arith.select %gt3A, %get3A_242, %scan3A_217 : vector<16xi1>, vector<16xf32>
        %select_n3A_248 = arith.select %gt3A, %convert_element_type3A_245, %scan3A_227 : vector<16xi1>, vector<16xf32>
        %gt3A_249 = arith.cmpf ogt, %select_n3A, %scan3A_218 : vector<16xf32>
        %select_n3A_250 = arith.select %gt3A_249, %scan3A_218, %select_n3A : vector<16xi1>, vector<16xf32>
        %select_n3A_251 = arith.select %gt3A_249, %scan3A_228, %select_n3A_246 : vector<16xi1>, vector<16xf32>
        %select_n3A_252 = arith.select %gt3A_249, %select_n3A, %scan3A_218 : vector<16xi1>, vector<16xf32>
        %select_n3A_253 = arith.select %gt3A_249, %select_n3A_246, %scan3A_228 : vector<16xi1>, vector<16xf32>
        %gt3A_254 = arith.cmpf ogt, %select_n3A_250, %scan3A_219 : vector<16xf32>
        %select_n3A_255 = arith.select %gt3A_254, %scan3A_219, %select_n3A_250 : vector<16xi1>, vector<16xf32>
        %select_n3A_256 = arith.select %gt3A_254, %scan3A_229, %select_n3A_251 : vector<16xi1>, vector<16xf32>
        %select_n3A_257 = arith.select %gt3A_254, %select_n3A_250, %scan3A_219 : vector<16xi1>, vector<16xf32>
        %select_n3A_258 = arith.select %gt3A_254, %select_n3A_251, %scan3A_229 : vector<16xi1>, vector<16xf32>
        %gt3A_259 = arith.cmpf ogt, %select_n3A_255, %scan3A_220 : vector<16xf32>
        %select_n3A_260 = arith.select %gt3A_259, %scan3A_220, %select_n3A_255 : vector<16xi1>, vector<16xf32>
        %select_n3A_261 = arith.select %gt3A_259, %scan3A_230, %select_n3A_256 : vector<16xi1>, vector<16xf32>
        %select_n3A_262 = arith.select %gt3A_259, %select_n3A_255, %scan3A_220 : vector<16xi1>, vector<16xf32>
        %select_n3A_263 = arith.select %gt3A_259, %select_n3A_256, %scan3A_230 : vector<16xi1>, vector<16xf32>
        %gt3A_264 = arith.cmpf ogt, %select_n3A_260, %scan3A_221 : vector<16xf32>
        %select_n3A_265 = arith.select %gt3A_264, %scan3A_221, %select_n3A_260 : vector<16xi1>, vector<16xf32>
        %select_n3A_266 = arith.select %gt3A_264, %scan3A_231, %select_n3A_261 : vector<16xi1>, vector<16xf32>
        %select_n3A_267 = arith.select %gt3A_264, %select_n3A_260, %scan3A_221 : vector<16xi1>, vector<16xf32>
        %select_n3A_268 = arith.select %gt3A_264, %select_n3A_261, %scan3A_231 : vector<16xi1>, vector<16xf32>
        %gt3A_269 = arith.cmpf ogt, %select_n3A_265, %scan3A_222 : vector<16xf32>
        %select_n3A_270 = arith.select %gt3A_269, %scan3A_222, %select_n3A_265 : vector<16xi1>, vector<16xf32>
        %select_n3A_271 = arith.select %gt3A_269, %scan3A_232, %select_n3A_266 : vector<16xi1>, vector<16xf32>
        %select_n3A_272 = arith.select %gt3A_269, %select_n3A_265, %scan3A_222 : vector<16xi1>, vector<16xf32>
        %select_n3A_273 = arith.select %gt3A_269, %select_n3A_266, %scan3A_232 : vector<16xi1>, vector<16xf32>
        %gt3A_274 = arith.cmpf ogt, %select_n3A_270, %scan3A_223 : vector<16xf32>
        %select_n3A_275 = arith.select %gt3A_274, %scan3A_223, %select_n3A_270 : vector<16xi1>, vector<16xf32>
        %select_n3A_276 = arith.select %gt3A_274, %scan3A_233, %select_n3A_271 : vector<16xi1>, vector<16xf32>
        %select_n3A_277 = arith.select %gt3A_274, %select_n3A_270, %scan3A_223 : vector<16xi1>, vector<16xf32>
        %select_n3A_278 = arith.select %gt3A_274, %select_n3A_271, %scan3A_233 : vector<16xi1>, vector<16xf32>
        %gt3A_279 = arith.cmpf ogt, %select_n3A_275, %scan3A_224 : vector<16xf32>
        %select_n3A_280 = arith.select %gt3A_279, %scan3A_224, %select_n3A_275 : vector<16xi1>, vector<16xf32>
        %select_n3A_281 = arith.select %gt3A_279, %scan3A_234, %select_n3A_276 : vector<16xi1>, vector<16xf32>
        %select_n3A_282 = arith.select %gt3A_279, %select_n3A_275, %scan3A_224 : vector<16xi1>, vector<16xf32>
        %select_n3A_283 = arith.select %gt3A_279, %select_n3A_276, %scan3A_234 : vector<16xi1>, vector<16xf32>
        %gt3A_284 = arith.cmpf ogt, %select_n3A_280, %scan3A_225 : vector<16xf32>
        %select_n3A_285 = arith.select %gt3A_284, %scan3A_225, %select_n3A_280 : vector<16xi1>, vector<16xf32>
        %select_n3A_286 = arith.select %gt3A_284, %scan3A_235, %select_n3A_281 : vector<16xi1>, vector<16xf32>
        %select_n3A_287 = arith.select %gt3A_284, %select_n3A_280, %scan3A_225 : vector<16xi1>, vector<16xf32>
        %select_n3A_288 = arith.select %gt3A_284, %select_n3A_281, %scan3A_235 : vector<16xi1>, vector<16xf32>
        %gt3A_289 = arith.cmpf ogt, %select_n3A_285, %scan3A_226 : vector<16xf32>
        %select_n3A_290 = arith.select %gt3A_289, %scan3A_226, %select_n3A_285 : vector<16xi1>, vector<16xf32>
        %select_n3A_291 = arith.select %gt3A_289, %scan3A_236, %select_n3A_286 : vector<16xi1>, vector<16xf32>
        %select_n3A_292 = arith.select %gt3A_289, %select_n3A_285, %scan3A_226 : vector<16xi1>, vector<16xf32>
        %select_n3A_293 = arith.select %gt3A_289, %select_n3A_286, %scan3A_236 : vector<16xi1>, vector<16xf32>
        scf.yield %select_n3A_247, %select_n3A_252, %select_n3A_257, %select_n3A_262, %select_n3A_267, %select_n3A_272, %select_n3A_277, %select_n3A_282, %select_n3A_287, %select_n3A_292, %select_n3A_248, %select_n3A_253, %select_n3A_258, %select_n3A_263, %select_n3A_268, %select_n3A_273, %select_n3A_278, %select_n3A_283, %select_n3A_288, %select_n3A_293 : vector<16xf32>, vector<16xf32>, vector<16xf32>, vector<16xf32>, vector<16xf32>, vector<16xf32>, vector<16xf32>, vector<16xf32>, vector<16xf32>, vector<16xf32>, vector<16xf32>, vector<16xf32>, vector<16xf32>, vector<16xf32>, vector<16xf32>, vector<16xf32>, vector<16xf32>, vector<16xf32>, vector<16xf32>, vector<16xf32>
      }
      %scan3A_170 = arith.constant 64 : i32
      %scan3A_171 = arith.constant 0 : i32
      %scan3A_172 = arith.constant 10 : i32
      %scan3A_173 = arith.addi %scan3A_171, %scan3A_172 : i32
      %scan3A_174 = arith.constant 1 : i32
      %scan3A_175:22 = scf.for %scan3A_216 = %scan3A_171 to %scan3A_173 step %scan3A_174 iter_args(%scan3A_217 = %scan3A_169#0, %scan3A_218 = %scan3A_169#1, %scan3A_219 = %scan3A_169#2, %scan3A_220 = %scan3A_169#3, %scan3A_221 = %scan3A_169#4, %scan3A_222 = %scan3A_169#5, %scan3A_223 = %scan3A_169#6, %scan3A_224 = %scan3A_169#7, %scan3A_225 = %scan3A_169#8, %scan3A_226 = %scan3A_169#9, %scan3A_227 = %scan3A_169#10, %scan3A_228 = %scan3A_169#11, %scan3A_229 = %scan3A_169#12, %scan3A_230 = %scan3A_169#13, %scan3A_231 = %scan3A_169#14, %scan3A_232 = %scan3A_169#15, %scan3A_233 = %scan3A_169#16, %scan3A_234 = %scan3A_169#17, %scan3A_235 = %scan3A_169#18, %scan3A_236 = %scan3A_169#19, %scan3A_237 = %broadcast_in_dim3A_3, %scan3A_238 = %broadcast_in_dim3A_5) -> (vector<16xf32>, vector<16xf32>, vector<16xf32>, vector<16xf32>, vector<16xf32>, vector<16xf32>, vector<16xf32>, vector<16xf32>, vector<16xf32>, vector<16xf32>, vector<16xf32>, vector<16xf32>, vector<16xf32>, vector<16xf32>, vector<16xf32>, vector<16xf32>, vector<16xf32>, vector<16xf32>, vector<16xf32>, vector<16xf32>, vector<16xf32>, vector<16xf32>)  : i32 {
        %xor3A = arith.constant 8 : i32
        %xor3A_239 = vector.broadcast %xor3A : i32 to vector<16xi32>
        %xor3A_240 = arith.xori %iota3A, %xor3A_239 : vector<16xi32>
        %broadcast_in_dim3A_241 = vector.shape_cast %xor3A_240 : vector<16xi32> to vector<16x1xi32>
        %gather3A = vector.shape_cast %broadcast_in_dim3A_241 : vector<16x1xi32> to vector<16xi32>
        %gather3A_242 = tpu.dynamic_gather %scan3A_217[%gather3A] in [0] : vector<16xf32>, vector<16xi32> -> vector<16xf32>
        %max3A = arith.maximumf %scan3A_217, %gather3A_242 : vector<16xf32>
        %xor3A_243 = arith.constant 4 : i32
        %xor3A_244 = vector.broadcast %xor3A_243 : i32 to vector<16xi32>
        %xor3A_245 = arith.xori %iota3A, %xor3A_244 : vector<16xi32>
        %broadcast_in_dim3A_246 = vector.shape_cast %xor3A_245 : vector<16xi32> to vector<16x1xi32>
        %gather3A_247 = vector.shape_cast %broadcast_in_dim3A_246 : vector<16x1xi32> to vector<16xi32>
        %gather3A_248 = tpu.dynamic_gather %max3A[%gather3A_247] in [0] : vector<16xf32>, vector<16xi32> -> vector<16xf32>
        %max3A_249 = arith.maximumf %max3A, %gather3A_248 : vector<16xf32>
        %xor3A_250 = arith.constant 2 : i32
        %xor3A_251 = vector.broadcast %xor3A_250 : i32 to vector<16xi32>
        %xor3A_252 = arith.xori %iota3A, %xor3A_251 : vector<16xi32>
        %broadcast_in_dim3A_253 = vector.shape_cast %xor3A_252 : vector<16xi32> to vector<16x1xi32>
        %gather3A_254 = vector.shape_cast %broadcast_in_dim3A_253 : vector<16x1xi32> to vector<16xi32>
        %gather3A_255 = tpu.dynamic_gather %max3A_249[%gather3A_254] in [0] : vector<16xf32>, vector<16xi32> -> vector<16xf32>
        %max3A_256 = arith.maximumf %max3A_249, %gather3A_255 : vector<16xf32>
        %xor3A_257 = arith.constant 1 : i32
        %xor3A_258 = vector.broadcast %xor3A_257 : i32 to vector<16xi32>
        %xor3A_259 = arith.xori %iota3A, %xor3A_258 : vector<16xi32>
        %broadcast_in_dim3A_260 = vector.shape_cast %xor3A_259 : vector<16xi32> to vector<16x1xi32>
        %gather3A_261 = vector.shape_cast %broadcast_in_dim3A_260 : vector<16x1xi32> to vector<16xi32>
        %gather3A_262 = tpu.dynamic_gather %max3A_256[%gather3A_261] in [0] : vector<16xf32>, vector<16xi32> -> vector<16xf32>
        %max3A_263 = arith.maximumf %max3A_256, %gather3A_262 : vector<16xf32>
        %eq3A = arith.cmpf oeq, %scan3A_217, %max3A_263 : vector<16xf32>
        %select_n3A = arith.select %eq3A, %scan3A_227, %broadcast_in_dim3A_5 : vector<16xi1>, vector<16xf32>
        %xor3A_264 = arith.constant 8 : i32
        %xor3A_265 = vector.broadcast %xor3A_264 : i32 to vector<16xi32>
        %xor3A_266 = arith.xori %iota3A, %xor3A_265 : vector<16xi32>
        %broadcast_in_dim3A_267 = vector.shape_cast %xor3A_266 : vector<16xi32> to vector<16x1xi32>
        %gather3A_268 = vector.shape_cast %broadcast_in_dim3A_267 : vector<16x1xi32> to vector<16xi32>
        %gather3A_269 = tpu.dynamic_gather %select_n3A[%gather3A_268] in [0] : vector<16xf32>, vector<16xi32> -> vector<16xf32>
        %min3A = arith.minimumf %select_n3A, %gather3A_269 : vector<16xf32>
        %xor3A_270 = arith.constant 4 : i32
        %xor3A_271 = vector.broadcast %xor3A_270 : i32 to vector<16xi32>
        %xor3A_272 = arith.xori %iota3A, %xor3A_271 : vector<16xi32>
        %broadcast_in_dim3A_273 = vector.shape_cast %xor3A_272 : vector<16xi32> to vector<16x1xi32>
        %gather3A_274 = vector.shape_cast %broadcast_in_dim3A_273 : vector<16x1xi32> to vector<16xi32>
        %gather3A_275 = tpu.dynamic_gather %min3A[%gather3A_274] in [0] : vector<16xf32>, vector<16xi32> -> vector<16xf32>
        %min3A_276 = arith.minimumf %min3A, %gather3A_275 : vector<16xf32>
        %xor3A_277 = arith.constant 2 : i32
        %xor3A_278 = vector.broadcast %xor3A_277 : i32 to vector<16xi32>
        %xor3A_279 = arith.xori %iota3A, %xor3A_278 : vector<16xi32>
        %broadcast_in_dim3A_280 = vector.shape_cast %xor3A_279 : vector<16xi32> to vector<16x1xi32>
        %gather3A_281 = vector.shape_cast %broadcast_in_dim3A_280 : vector<16x1xi32> to vector<16xi32>
        %gather3A_282 = tpu.dynamic_gather %min3A_276[%gather3A_281] in [0] : vector<16xf32>, vector<16xi32> -> vector<16xf32>
        %min3A_283 = arith.minimumf %min3A_276, %gather3A_282 : vector<16xf32>
        %xor3A_284 = arith.constant 1 : i32
        %xor3A_285 = vector.broadcast %xor3A_284 : i32 to vector<16xi32>
        %xor3A_286 = arith.xori %iota3A, %xor3A_285 : vector<16xi32>
        %broadcast_in_dim3A_287 = vector.shape_cast %xor3A_286 : vector<16xi32> to vector<16x1xi32>
        %gather3A_288 = vector.shape_cast %broadcast_in_dim3A_287 : vector<16x1xi32> to vector<16xi32>
        %gather3A_289 = tpu.dynamic_gather %min3A_283[%gather3A_288] in [0] : vector<16xf32>, vector<16xi32> -> vector<16xf32>
        %min3A_290 = arith.minimumf %min3A_283, %gather3A_289 : vector<16xf32>
        %eq3A_291 = vector.broadcast %scan3A_216 : i32 to vector<16xi32>
        %eq3A_292 = arith.cmpi eq, %iota3A, %eq3A_291 : vector<16xi32>
        %select_n3A_293 = arith.select %eq3A_292, %max3A_263, %scan3A_237 : vector<16xi1>, vector<16xf32>
        %select_n3A_294 = arith.select %eq3A_292, %min3A_290, %scan3A_238 : vector<16xi1>, vector<16xf32>
        %eq3A_295 = arith.cmpf oeq, %scan3A_227, %min3A_290 : vector<16xf32>
        %and3A = arith.andi %eq3A, %eq3A_295 : vector<16xi1>
        %select_n3A_296 = arith.select %and3A, %scan3A_218, %scan3A_217 : vector<16xi1>, vector<16xf32>
        %select_n3A_297 = arith.select %and3A, %scan3A_228, %scan3A_227 : vector<16xi1>, vector<16xf32>
        %select_n3A_298 = arith.select %and3A, %scan3A_219, %scan3A_218 : vector<16xi1>, vector<16xf32>
        %select_n3A_299 = arith.select %and3A, %scan3A_229, %scan3A_228 : vector<16xi1>, vector<16xf32>
        %select_n3A_300 = arith.select %and3A, %scan3A_220, %scan3A_219 : vector<16xi1>, vector<16xf32>
        %select_n3A_301 = arith.select %and3A, %scan3A_230, %scan3A_229 : vector<16xi1>, vector<16xf32>
        %select_n3A_302 = arith.select %and3A, %scan3A_221, %scan3A_220 : vector<16xi1>, vector<16xf32>
        %select_n3A_303 = arith.select %and3A, %scan3A_231, %scan3A_230 : vector<16xi1>, vector<16xf32>
        %select_n3A_304 = arith.select %and3A, %scan3A_222, %scan3A_221 : vector<16xi1>, vector<16xf32>
        %select_n3A_305 = arith.select %and3A, %scan3A_232, %scan3A_231 : vector<16xi1>, vector<16xf32>
        %select_n3A_306 = arith.select %and3A, %scan3A_223, %scan3A_222 : vector<16xi1>, vector<16xf32>
        %select_n3A_307 = arith.select %and3A, %scan3A_233, %scan3A_232 : vector<16xi1>, vector<16xf32>
        %select_n3A_308 = arith.select %and3A, %scan3A_224, %scan3A_223 : vector<16xi1>, vector<16xf32>
        %select_n3A_309 = arith.select %and3A, %scan3A_234, %scan3A_233 : vector<16xi1>, vector<16xf32>
        %select_n3A_310 = arith.select %and3A, %scan3A_225, %scan3A_224 : vector<16xi1>, vector<16xf32>
        %select_n3A_311 = arith.select %and3A, %scan3A_235, %scan3A_234 : vector<16xi1>, vector<16xf32>
        %select_n3A_312 = arith.select %and3A, %scan3A_226, %scan3A_225 : vector<16xi1>, vector<16xf32>
        %select_n3A_313 = arith.select %and3A, %scan3A_236, %scan3A_235 : vector<16xi1>, vector<16xf32>
        %select_n3A_314 = arith.select %and3A, %broadcast_in_dim3A_3, %scan3A_226 : vector<16xi1>, vector<16xf32>
        %select_n3A_315 = arith.select %and3A, %broadcast_in_dim3A_5, %scan3A_236 : vector<16xi1>, vector<16xf32>
        scf.yield %select_n3A_296, %select_n3A_298, %select_n3A_300, %select_n3A_302, %select_n3A_304, %select_n3A_306, %select_n3A_308, %select_n3A_310, %select_n3A_312, %select_n3A_314, %select_n3A_297, %select_n3A_299, %select_n3A_301, %select_n3A_303, %select_n3A_305, %select_n3A_307, %select_n3A_309, %select_n3A_311, %select_n3A_313, %select_n3A_315, %select_n3A_293, %select_n3A_294 : vector<16xf32>, vector<16xf32>, vector<16xf32>, vector<16xf32>, vector<16xf32>, vector<16xf32>, vector<16xf32>, vector<16xf32>, vector<16xf32>, vector<16xf32>, vector<16xf32>, vector<16xf32>, vector<16xf32>, vector<16xf32>, vector<16xf32>, vector<16xf32>, vector<16xf32>, vector<16xf32>, vector<16xf32>, vector<16xf32>, vector<16xf32>, vector<16xf32>
      }
      %scan3A_176 = arith.constant 10 : i32
      %swap3A_177 = arith.constant 6 : i32
      %swap3A_178 = arith.index_cast %swap3A_177 : i32 to index
      %swap3A_179 = arith.constant 0 : index
      %swap3A_180 = tpu.vector_load %arg6[%swap3A_178, %swap3A_179] {strides = array<i32>} : memref<8x16xf32, #tpu.memory_space<vmem>>, vector<1x16xf32>,
      %swap3A_181 = vector.shape_cast %swap3A_180 : vector<1x16xf32> to vector<16xf32>
      %swap3A_182 = vector.shape_cast %scan3A_175#20 : vector<16xf32> to vector<1x16xf32>
      tpu.vector_store %arg6[%swap3A_178, %swap3A_179], %swap3A_182 {strides = array<i32>} : memref<8x16xf32, #tpu.memory_space<vmem>>, vector<1x16xf32>,
      %convert_element_type3A_183 = arith.fptosi %scan3A_175#21 : vector<16xf32> to vector<16xi32>
      %swap3A_184 = arith.constant 6 : i32
      %swap3A_185 = arith.index_cast %swap3A_184 : i32 to index
      %swap3A_186 = arith.constant 0 : index
      %swap3A_187 = tpu.vector_load %arg7[%swap3A_185, %swap3A_186] {strides = array<i32>} : memref<8x16xi32, #tpu.memory_space<vmem>>, vector<1x16xi32>,
      %swap3A_188 = vector.shape_cast %swap3A_187 : vector<1x16xi32> to vector<16xi32>
      %swap3A_189 = vector.shape_cast %convert_element_type3A_183 : vector<16xi32> to vector<1x16xi32>
      tpu.vector_store %arg7[%swap3A_185, %swap3A_186], %swap3A_189 {strides = array<i32>} : memref<8x16xi32, #tpu.memory_space<vmem>>, vector<1x16xi32>,
      %scan3A_190 = arith.constant 0 : i32
      %scan3A_191 = arith.constant 64 : i32
      %scan3A_192 = arith.addi %scan3A_190, %scan3A_191 : i32
      %scan3A_193 = arith.constant 1 : i32
      %scan3A_194:20 = scf.for %scan3A_216 = %scan3A_190 to %scan3A_192 step %scan3A_193 iter_args(%scan3A_217 = %broadcast_in_dim3A_3, %scan3A_218 = %broadcast_in_dim3A_3, %scan3A_219 = %broadcast_in_dim3A_3, %scan3A_220 = %broadcast_in_dim3A_3, %scan3A_221 = %broadcast_in_dim3A_3, %scan3A_222 = %broadcast_in_dim3A_3, %scan3A_223 = %broadcast_in_dim3A_3, %scan3A_224 = %broadcast_in_dim3A_3, %scan3A_225 = %broadcast_in_dim3A_3, %scan3A_226 = %broadcast_in_dim3A_3, %scan3A_227 = %broadcast_in_dim3A_5, %scan3A_228 = %broadcast_in_dim3A_5, %scan3A_229 = %broadcast_in_dim3A_5, %scan3A_230 = %broadcast_in_dim3A_5, %scan3A_231 = %broadcast_in_dim3A_5, %scan3A_232 = %broadcast_in_dim3A_5, %scan3A_233 = %broadcast_in_dim3A_5, %scan3A_234 = %broadcast_in_dim3A_5, %scan3A_235 = %broadcast_in_dim3A_5, %scan3A_236 = %broadcast_in_dim3A_5) -> (vector<16xf32>, vector<16xf32>, vector<16xf32>, vector<16xf32>, vector<16xf32>, vector<16xf32>, vector<16xf32>, vector<16xf32>, vector<16xf32>, vector<16xf32>, vector<16xf32>, vector<16xf32>, vector<16xf32>, vector<16xf32>, vector<16xf32>, vector<16xf32>, vector<16xf32>, vector<16xf32>, vector<16xf32>, vector<16xf32>)  : i32 {
        %mul3A_237 = arith.constant 16 : i32
        %mul3A_238 = arith.muli %scan3A_216, %mul3A_237 : i32
        %multiple_of3A = tpu.assume_multiple %mul3A_238, 16 : i32
        %get3A = arith.constant 7 : i32
        %get3A_239 = arith.index_cast %get3A : i32 to index
        %get3A_240 = arith.index_cast %multiple_of3A : i32 to index
        %get3A_241 = tpu.vector_load %arg5[%get3A_239, %get3A_240] {strides = array<i32>} : memref<8x1024xf32, #tpu.memory_space<vmem>>, vector<1x16xf32>,
        %get3A_242 = vector.shape_cast %get3A_241 : vector<1x16xf32> to vector<16xf32>
        %add3A_243 = vector.broadcast %multiple_of3A : i32 to vector<16xi32>
        %add3A_244 = arith.addi %add3A_243, %iota3A : vector<16xi32>
        %convert_element_type3A_245 = arith.sitofp %add3A_244 : vector<16xi32> to vector<16xf32>
        %gt3A = arith.cmpf ogt, %get3A_242, %scan3A_217 : vector<16xf32>
        %select_n3A = arith.select %gt3A, %scan3A_217, %get3A_242 : vector<16xi1>, vector<16xf32>
        %select_n3A_246 = arith.select %gt3A, %scan3A_227, %convert_element_type3A_245 : vector<16xi1>, vector<16xf32>
        %select_n3A_247 = arith.select %gt3A, %get3A_242, %scan3A_217 : vector<16xi1>, vector<16xf32>
        %select_n3A_248 = arith.select %gt3A, %convert_element_type3A_245, %scan3A_227 : vector<16xi1>, vector<16xf32>
        %gt3A_249 = arith.cmpf ogt, %select_n3A, %scan3A_218 : vector<16xf32>
        %select_n3A_250 = arith.select %gt3A_249, %scan3A_218, %select_n3A : vector<16xi1>, vector<16xf32>
        %select_n3A_251 = arith.select %gt3A_249, %scan3A_228, %select_n3A_246 : vector<16xi1>, vector<16xf32>
        %select_n3A_252 = arith.select %gt3A_249, %select_n3A, %scan3A_218 : vector<16xi1>, vector<16xf32>
        %select_n3A_253 = arith.select %gt3A_249, %select_n3A_246, %scan3A_228 : vector<16xi1>, vector<16xf32>
        %gt3A_254 = arith.cmpf ogt, %select_n3A_250, %scan3A_219 : vector<16xf32>
        %select_n3A_255 = arith.select %gt3A_254, %scan3A_219, %select_n3A_250 : vector<16xi1>, vector<16xf32>
        %select_n3A_256 = arith.select %gt3A_254, %scan3A_229, %select_n3A_251 : vector<16xi1>, vector<16xf32>
        %select_n3A_257 = arith.select %gt3A_254, %select_n3A_250, %scan3A_219 : vector<16xi1>, vector<16xf32>
        %select_n3A_258 = arith.select %gt3A_254, %select_n3A_251, %scan3A_229 : vector<16xi1>, vector<16xf32>
        %gt3A_259 = arith.cmpf ogt, %select_n3A_255, %scan3A_220 : vector<16xf32>
        %select_n3A_260 = arith.select %gt3A_259, %scan3A_220, %select_n3A_255 : vector<16xi1>, vector<16xf32>
        %select_n3A_261 = arith.select %gt3A_259, %scan3A_230, %select_n3A_256 : vector<16xi1>, vector<16xf32>
        %select_n3A_262 = arith.select %gt3A_259, %select_n3A_255, %scan3A_220 : vector<16xi1>, vector<16xf32>
        %select_n3A_263 = arith.select %gt3A_259, %select_n3A_256, %scan3A_230 : vector<16xi1>, vector<16xf32>
        %gt3A_264 = arith.cmpf ogt, %select_n3A_260, %scan3A_221 : vector<16xf32>
        %select_n3A_265 = arith.select %gt3A_264, %scan3A_221, %select_n3A_260 : vector<16xi1>, vector<16xf32>
        %select_n3A_266 = arith.select %gt3A_264, %scan3A_231, %select_n3A_261 : vector<16xi1>, vector<16xf32>
        %select_n3A_267 = arith.select %gt3A_264, %select_n3A_260, %scan3A_221 : vector<16xi1>, vector<16xf32>
        %select_n3A_268 = arith.select %gt3A_264, %select_n3A_261, %scan3A_231 : vector<16xi1>, vector<16xf32>
        %gt3A_269 = arith.cmpf ogt, %select_n3A_265, %scan3A_222 : vector<16xf32>
        %select_n3A_270 = arith.select %gt3A_269, %scan3A_222, %select_n3A_265 : vector<16xi1>, vector<16xf32>
        %select_n3A_271 = arith.select %gt3A_269, %scan3A_232, %select_n3A_266 : vector<16xi1>, vector<16xf32>
        %select_n3A_272 = arith.select %gt3A_269, %select_n3A_265, %scan3A_222 : vector<16xi1>, vector<16xf32>
        %select_n3A_273 = arith.select %gt3A_269, %select_n3A_266, %scan3A_232 : vector<16xi1>, vector<16xf32>
        %gt3A_274 = arith.cmpf ogt, %select_n3A_270, %scan3A_223 : vector<16xf32>
        %select_n3A_275 = arith.select %gt3A_274, %scan3A_223, %select_n3A_270 : vector<16xi1>, vector<16xf32>
        %select_n3A_276 = arith.select %gt3A_274, %scan3A_233, %select_n3A_271 : vector<16xi1>, vector<16xf32>
        %select_n3A_277 = arith.select %gt3A_274, %select_n3A_270, %scan3A_223 : vector<16xi1>, vector<16xf32>
        %select_n3A_278 = arith.select %gt3A_274, %select_n3A_271, %scan3A_233 : vector<16xi1>, vector<16xf32>
        %gt3A_279 = arith.cmpf ogt, %select_n3A_275, %scan3A_224 : vector<16xf32>
        %select_n3A_280 = arith.select %gt3A_279, %scan3A_224, %select_n3A_275 : vector<16xi1>, vector<16xf32>
        %select_n3A_281 = arith.select %gt3A_279, %scan3A_234, %select_n3A_276 : vector<16xi1>, vector<16xf32>
        %select_n3A_282 = arith.select %gt3A_279, %select_n3A_275, %scan3A_224 : vector<16xi1>, vector<16xf32>
        %select_n3A_283 = arith.select %gt3A_279, %select_n3A_276, %scan3A_234 : vector<16xi1>, vector<16xf32>
        %gt3A_284 = arith.cmpf ogt, %select_n3A_280, %scan3A_225 : vector<16xf32>
        %select_n3A_285 = arith.select %gt3A_284, %scan3A_225, %select_n3A_280 : vector<16xi1>, vector<16xf32>
        %select_n3A_286 = arith.select %gt3A_284, %scan3A_235, %select_n3A_281 : vector<16xi1>, vector<16xf32>
        %select_n3A_287 = arith.select %gt3A_284, %select_n3A_280, %scan3A_225 : vector<16xi1>, vector<16xf32>
        %select_n3A_288 = arith.select %gt3A_284, %select_n3A_281, %scan3A_235 : vector<16xi1>, vector<16xf32>
        %gt3A_289 = arith.cmpf ogt, %select_n3A_285, %scan3A_226 : vector<16xf32>
        %select_n3A_290 = arith.select %gt3A_289, %scan3A_226, %select_n3A_285 : vector<16xi1>, vector<16xf32>
        %select_n3A_291 = arith.select %gt3A_289, %scan3A_236, %select_n3A_286 : vector<16xi1>, vector<16xf32>
        %select_n3A_292 = arith.select %gt3A_289, %select_n3A_285, %scan3A_226 : vector<16xi1>, vector<16xf32>
        %select_n3A_293 = arith.select %gt3A_289, %select_n3A_286, %scan3A_236 : vector<16xi1>, vector<16xf32>
        scf.yield %select_n3A_247, %select_n3A_252, %select_n3A_257, %select_n3A_262, %select_n3A_267, %select_n3A_272, %select_n3A_277, %select_n3A_282, %select_n3A_287, %select_n3A_292, %select_n3A_248, %select_n3A_253, %select_n3A_258, %select_n3A_263, %select_n3A_268, %select_n3A_273, %select_n3A_278, %select_n3A_283, %select_n3A_288, %select_n3A_293 : vector<16xf32>, vector<16xf32>, vector<16xf32>, vector<16xf32>, vector<16xf32>, vector<16xf32>, vector<16xf32>, vector<16xf32>, vector<16xf32>, vector<16xf32>, vector<16xf32>, vector<16xf32>, vector<16xf32>, vector<16xf32>, vector<16xf32>, vector<16xf32>, vector<16xf32>, vector<16xf32>, vector<16xf32>, vector<16xf32>
      }
      %scan3A_195 = arith.constant 64 : i32
      %scan3A_196 = arith.constant 0 : i32
      %scan3A_197 = arith.constant 10 : i32
      %scan3A_198 = arith.addi %scan3A_196, %scan3A_197 : i32
      %scan3A_199 = arith.constant 1 : i32
      %scan3A_200:22 = scf.for %scan3A_216 = %scan3A_196 to %scan3A_198 step %scan3A_199 iter_args(%scan3A_217 = %scan3A_194#0, %scan3A_218 = %scan3A_194#1, %scan3A_219 = %scan3A_194#2, %scan3A_220 = %scan3A_194#3, %scan3A_221 = %scan3A_194#4, %scan3A_222 = %scan3A_194#5, %scan3A_223 = %scan3A_194#6, %scan3A_224 = %scan3A_194#7, %scan3A_225 = %scan3A_194#8, %scan3A_226 = %scan3A_194#9, %scan3A_227 = %scan3A_194#10, %scan3A_228 = %scan3A_194#11, %scan3A_229 = %scan3A_194#12, %scan3A_230 = %scan3A_194#13, %scan3A_231 = %scan3A_194#14, %scan3A_232 = %scan3A_194#15, %scan3A_233 = %scan3A_194#16, %scan3A_234 = %scan3A_194#17, %scan3A_235 = %scan3A_194#18, %scan3A_236 = %scan3A_194#19, %scan3A_237 = %broadcast_in_dim3A_3, %scan3A_238 = %broadcast_in_dim3A_5) -> (vector<16xf32>, vector<16xf32>, vector<16xf32>, vector<16xf32>, vector<16xf32>, vector<16xf32>, vector<16xf32>, vector<16xf32>, vector<16xf32>, vector<16xf32>, vector<16xf32>, vector<16xf32>, vector<16xf32>, vector<16xf32>, vector<16xf32>, vector<16xf32>, vector<16xf32>, vector<16xf32>, vector<16xf32>, vector<16xf32>, vector<16xf32>, vector<16xf32>)  : i32 {
        %xor3A = arith.constant 8 : i32
        %xor3A_239 = vector.broadcast %xor3A : i32 to vector<16xi32>
        %xor3A_240 = arith.xori %iota3A, %xor3A_239 : vector<16xi32>
        %broadcast_in_dim3A_241 = vector.shape_cast %xor3A_240 : vector<16xi32> to vector<16x1xi32>
        %gather3A = vector.shape_cast %broadcast_in_dim3A_241 : vector<16x1xi32> to vector<16xi32>
        %gather3A_242 = tpu.dynamic_gather %scan3A_217[%gather3A] in [0] : vector<16xf32>, vector<16xi32> -> vector<16xf32>
        %max3A = arith.maximumf %scan3A_217, %gather3A_242 : vector<16xf32>
        %xor3A_243 = arith.constant 4 : i32
        %xor3A_244 = vector.broadcast %xor3A_243 : i32 to vector<16xi32>
        %xor3A_245 = arith.xori %iota3A, %xor3A_244 : vector<16xi32>
        %broadcast_in_dim3A_246 = vector.shape_cast %xor3A_245 : vector<16xi32> to vector<16x1xi32>
        %gather3A_247 = vector.shape_cast %broadcast_in_dim3A_246 : vector<16x1xi32> to vector<16xi32>
        %gather3A_248 = tpu.dynamic_gather %max3A[%gather3A_247] in [0] : vector<16xf32>, vector<16xi32> -> vector<16xf32>
        %max3A_249 = arith.maximumf %max3A, %gather3A_248 : vector<16xf32>
        %xor3A_250 = arith.constant 2 : i32
        %xor3A_251 = vector.broadcast %xor3A_250 : i32 to vector<16xi32>
        %xor3A_252 = arith.xori %iota3A, %xor3A_251 : vector<16xi32>
        %broadcast_in_dim3A_253 = vector.shape_cast %xor3A_252 : vector<16xi32> to vector<16x1xi32>
        %gather3A_254 = vector.shape_cast %broadcast_in_dim3A_253 : vector<16x1xi32> to vector<16xi32>
        %gather3A_255 = tpu.dynamic_gather %max3A_249[%gather3A_254] in [0] : vector<16xf32>, vector<16xi32> -> vector<16xf32>
        %max3A_256 = arith.maximumf %max3A_249, %gather3A_255 : vector<16xf32>
        %xor3A_257 = arith.constant 1 : i32
        %xor3A_258 = vector.broadcast %xor3A_257 : i32 to vector<16xi32>
        %xor3A_259 = arith.xori %iota3A, %xor3A_258 : vector<16xi32>
        %broadcast_in_dim3A_260 = vector.shape_cast %xor3A_259 : vector<16xi32> to vector<16x1xi32>
        %gather3A_261 = vector.shape_cast %broadcast_in_dim3A_260 : vector<16x1xi32> to vector<16xi32>
        %gather3A_262 = tpu.dynamic_gather %max3A_256[%gather3A_261] in [0] : vector<16xf32>, vector<16xi32> -> vector<16xf32>
        %max3A_263 = arith.maximumf %max3A_256, %gather3A_262 : vector<16xf32>
        %eq3A = arith.cmpf oeq, %scan3A_217, %max3A_263 : vector<16xf32>
        %select_n3A = arith.select %eq3A, %scan3A_227, %broadcast_in_dim3A_5 : vector<16xi1>, vector<16xf32>
        %xor3A_264 = arith.constant 8 : i32
        %xor3A_265 = vector.broadcast %xor3A_264 : i32 to vector<16xi32>
        %xor3A_266 = arith.xori %iota3A, %xor3A_265 : vector<16xi32>
        %broadcast_in_dim3A_267 = vector.shape_cast %xor3A_266 : vector<16xi32> to vector<16x1xi32>
        %gather3A_268 = vector.shape_cast %broadcast_in_dim3A_267 : vector<16x1xi32> to vector<16xi32>
        %gather3A_269 = tpu.dynamic_gather %select_n3A[%gather3A_268] in [0] : vector<16xf32>, vector<16xi32> -> vector<16xf32>
        %min3A = arith.minimumf %select_n3A, %gather3A_269 : vector<16xf32>
        %xor3A_270 = arith.constant 4 : i32
        %xor3A_271 = vector.broadcast %xor3A_270 : i32 to vector<16xi32>
        %xor3A_272 = arith.xori %iota3A, %xor3A_271 : vector<16xi32>
        %broadcast_in_dim3A_273 = vector.shape_cast %xor3A_272 : vector<16xi32> to vector<16x1xi32>
        %gather3A_274 = vector.shape_cast %broadcast_in_dim3A_273 : vector<16x1xi32> to vector<16xi32>
        %gather3A_275 = tpu.dynamic_gather %min3A[%gather3A_274] in [0] : vector<16xf32>, vector<16xi32> -> vector<16xf32>
        %min3A_276 = arith.minimumf %min3A, %gather3A_275 : vector<16xf32>
        %xor3A_277 = arith.constant 2 : i32
        %xor3A_278 = vector.broadcast %xor3A_277 : i32 to vector<16xi32>
        %xor3A_279 = arith.xori %iota3A, %xor3A_278 : vector<16xi32>
        %broadcast_in_dim3A_280 = vector.shape_cast %xor3A_279 : vector<16xi32> to vector<16x1xi32>
        %gather3A_281 = vector.shape_cast %broadcast_in_dim3A_280 : vector<16x1xi32> to vector<16xi32>
        %gather3A_282 = tpu.dynamic_gather %min3A_276[%gather3A_281] in [0] : vector<16xf32>, vector<16xi32> -> vector<16xf32>
        %min3A_283 = arith.minimumf %min3A_276, %gather3A_282 : vector<16xf32>
        %xor3A_284 = arith.constant 1 : i32
        %xor3A_285 = vector.broadcast %xor3A_284 : i32 to vector<16xi32>
        %xor3A_286 = arith.xori %iota3A, %xor3A_285 : vector<16xi32>
        %broadcast_in_dim3A_287 = vector.shape_cast %xor3A_286 : vector<16xi32> to vector<16x1xi32>
        %gather3A_288 = vector.shape_cast %broadcast_in_dim3A_287 : vector<16x1xi32> to vector<16xi32>
        %gather3A_289 = tpu.dynamic_gather %min3A_283[%gather3A_288] in [0] : vector<16xf32>, vector<16xi32> -> vector<16xf32>
        %min3A_290 = arith.minimumf %min3A_283, %gather3A_289 : vector<16xf32>
        %eq3A_291 = vector.broadcast %scan3A_216 : i32 to vector<16xi32>
        %eq3A_292 = arith.cmpi eq, %iota3A, %eq3A_291 : vector<16xi32>
        %select_n3A_293 = arith.select %eq3A_292, %max3A_263, %scan3A_237 : vector<16xi1>, vector<16xf32>
        %select_n3A_294 = arith.select %eq3A_292, %min3A_290, %scan3A_238 : vector<16xi1>, vector<16xf32>
        %eq3A_295 = arith.cmpf oeq, %scan3A_227, %min3A_290 : vector<16xf32>
        %and3A = arith.andi %eq3A, %eq3A_295 : vector<16xi1>
        %select_n3A_296 = arith.select %and3A, %scan3A_218, %scan3A_217 : vector<16xi1>, vector<16xf32>
        %select_n3A_297 = arith.select %and3A, %scan3A_228, %scan3A_227 : vector<16xi1>, vector<16xf32>
        %select_n3A_298 = arith.select %and3A, %scan3A_219, %scan3A_218 : vector<16xi1>, vector<16xf32>
        %select_n3A_299 = arith.select %and3A, %scan3A_229, %scan3A_228 : vector<16xi1>, vector<16xf32>
        %select_n3A_300 = arith.select %and3A, %scan3A_220, %scan3A_219 : vector<16xi1>, vector<16xf32>
        %select_n3A_301 = arith.select %and3A, %scan3A_230, %scan3A_229 : vector<16xi1>, vector<16xf32>
        %select_n3A_302 = arith.select %and3A, %scan3A_221, %scan3A_220 : vector<16xi1>, vector<16xf32>
        %select_n3A_303 = arith.select %and3A, %scan3A_231, %scan3A_230 : vector<16xi1>, vector<16xf32>
        %select_n3A_304 = arith.select %and3A, %scan3A_222, %scan3A_221 : vector<16xi1>, vector<16xf32>
        %select_n3A_305 = arith.select %and3A, %scan3A_232, %scan3A_231 : vector<16xi1>, vector<16xf32>
        %select_n3A_306 = arith.select %and3A, %scan3A_223, %scan3A_222 : vector<16xi1>, vector<16xf32>
        %select_n3A_307 = arith.select %and3A, %scan3A_233, %scan3A_232 : vector<16xi1>, vector<16xf32>
        %select_n3A_308 = arith.select %and3A, %scan3A_224, %scan3A_223 : vector<16xi1>, vector<16xf32>
        %select_n3A_309 = arith.select %and3A, %scan3A_234, %scan3A_233 : vector<16xi1>, vector<16xf32>
        %select_n3A_310 = arith.select %and3A, %scan3A_225, %scan3A_224 : vector<16xi1>, vector<16xf32>
        %select_n3A_311 = arith.select %and3A, %scan3A_235, %scan3A_234 : vector<16xi1>, vector<16xf32>
        %select_n3A_312 = arith.select %and3A, %scan3A_226, %scan3A_225 : vector<16xi1>, vector<16xf32>
        %select_n3A_313 = arith.select %and3A, %scan3A_236, %scan3A_235 : vector<16xi1>, vector<16xf32>
        %select_n3A_314 = arith.select %and3A, %broadcast_in_dim3A_3, %scan3A_226 : vector<16xi1>, vector<16xf32>
        %select_n3A_315 = arith.select %and3A, %broadcast_in_dim3A_5, %scan3A_236 : vector<16xi1>, vector<16xf32>
        scf.yield %select_n3A_296, %select_n3A_298, %select_n3A_300, %select_n3A_302, %select_n3A_304, %select_n3A_306, %select_n3A_308, %select_n3A_310, %select_n3A_312, %select_n3A_314, %select_n3A_297, %select_n3A_299, %select_n3A_301, %select_n3A_303, %select_n3A_305, %select_n3A_307, %select_n3A_309, %select_n3A_311, %select_n3A_313, %select_n3A_315, %select_n3A_293, %select_n3A_294 : vector<16xf32>, vector<16xf32>, vector<16xf32>, vector<16xf32>, vector<16xf32>, vector<16xf32>, vector<16xf32>, vector<16xf32>, vector<16xf32>, vector<16xf32>, vector<16xf32>, vector<16xf32>, vector<16xf32>, vector<16xf32>, vector<16xf32>, vector<16xf32>, vector<16xf32>, vector<16xf32>, vector<16xf32>, vector<16xf32>, vector<16xf32>, vector<16xf32>
      }
      %scan3A_201 = arith.constant 10 : i32
      %swap3A_202 = arith.constant 7 : i32
      %swap3A_203 = arith.index_cast %swap3A_202 : i32 to index
      %swap3A_204 = arith.constant 0 : index
      %swap3A_205 = tpu.vector_load %arg6[%swap3A_203, %swap3A_204] {strides = array<i32>} : memref<8x16xf32, #tpu.memory_space<vmem>>, vector<1x16xf32>,
      %swap3A_206 = vector.shape_cast %swap3A_205 : vector<1x16xf32> to vector<16xf32>
      %swap3A_207 = vector.shape_cast %scan3A_200#20 : vector<16xf32> to vector<1x16xf32>
      tpu.vector_store %arg6[%swap3A_203, %swap3A_204], %swap3A_207 {strides = array<i32>} : memref<8x16xf32, #tpu.memory_space<vmem>>, vector<1x16xf32>,
      %convert_element_type3A_208 = arith.fptosi %scan3A_200#21 : vector<16xf32> to vector<16xi32>
      %swap3A_209 = arith.constant 7 : i32
      %swap3A_210 = arith.index_cast %swap3A_209 : i32 to index
      %swap3A_211 = arith.constant 0 : index
      %swap3A_212 = tpu.vector_load %arg7[%swap3A_210, %swap3A_211] {strides = array<i32>} : memref<8x16xi32, #tpu.memory_space<vmem>>, vector<1x16xi32>,
      %swap3A_213 = vector.shape_cast %swap3A_212 : vector<1x16xi32> to vector<16xi32>
      %swap3A_214 = vector.shape_cast %convert_element_type3A_208 : vector<16xi32> to vector<1x16xi32>
      tpu.vector_store %arg7[%swap3A_210, %swap3A_211], %swap3A_214 {strides = array<i32>} : memref<8x16xi32, #tpu.memory_space<vmem>>, vector<1x16xi32>,
      "tpu.region"() ({
        %run_scoped3A = tpu.sem_alloc : memref<!tpu.dma_semaphore, #tpu.memory_space<semaphore_mem>>
        %dma_start3A = arith.constant 0 : i32
        %dma_start3A_216 = tpu.memref_slice %arg3[%add3A_16, %dma_start3A] : memref<16384x16xf32, #tpu.memory_space<hbm>> -> memref<8x16xf32, #tpu.memory_space<hbm>>
        %dma_start3A_217 = arith.constant 0 : i32
        %dma_start3A_218 = tpu.memref_slice %arg3[%add3A_16, %dma_start3A_217] : memref<16384x16xf32, #tpu.memory_space<hbm>> -> memref<8x16xf32, #tpu.memory_space<hbm>>
        tpu.enqueue_dma source(%arg6 : memref<8x16xf32, #tpu.memory_space<vmem>>) target(%dma_start3A_218 : memref<8x16xf32, #tpu.memory_space<hbm>>) target_semaphore(%run_scoped3A : memref<!tpu.dma_semaphore, #tpu.memory_space<semaphore_mem>>)
        %dma_wait3A = arith.constant 0 : i32
        %dma_wait3A_219 = tpu.memref_slice %arg3[%add3A_16, %dma_wait3A] : memref<16384x16xf32, #tpu.memory_space<hbm>> -> memref<8x16xf32, #tpu.memory_space<hbm>>
        %dma_wait3A_220 = arith.constant 0 : i32
        %dma_wait3A_221 = tpu.memref_slice %arg3[%add3A_16, %dma_wait3A_220] : memref<16384x16xf32, #tpu.memory_space<hbm>> -> memref<8x16xf32, #tpu.memory_space<hbm>>
        tpu.wait_dma2 semaphore(%run_scoped3A : memref<!tpu.dma_semaphore, #tpu.memory_space<semaphore_mem>>) src(%arg6 : memref<8x16xf32, #tpu.memory_space<vmem>>) dst(%dma_wait3A_221 : memref<8x16xf32, #tpu.memory_space<hbm>>)
        tpu.yield
      }) : () -> ()
      "tpu.region"() ({
        %run_scoped3A = tpu.sem_alloc : memref<!tpu.dma_semaphore, #tpu.memory_space<semaphore_mem>>
        %dma_start3A = arith.constant 0 : i32
        %dma_start3A_216 = tpu.memref_slice %arg4[%add3A_16, %dma_start3A] : memref<16384x16xi32, #tpu.memory_space<hbm>> -> memref<8x16xi32, #tpu.memory_space<hbm>>
        %dma_start3A_217 = arith.constant 0 : i32
        %dma_start3A_218 = tpu.memref_slice %arg4[%add3A_16, %dma_start3A_217] : memref<16384x16xi32, #tpu.memory_space<hbm>> -> memref<8x16xi32, #tpu.memory_space<hbm>>
        tpu.enqueue_dma source(%arg7 : memref<8x16xi32, #tpu.memory_space<vmem>>) target(%dma_start3A_218 : memref<8x16xi32, #tpu.memory_space<hbm>>) target_semaphore(%run_scoped3A : memref<!tpu.dma_semaphore, #tpu.memory_space<semaphore_mem>>)
        %dma_wait3A = arith.constant 0 : i32
        %dma_wait3A_219 = tpu.memref_slice %arg4[%add3A_16, %dma_wait3A] : memref<16384x16xi32, #tpu.memory_space<hbm>> -> memref<8x16xi32, #tpu.memory_space<hbm>>
        %dma_wait3A_220 = arith.constant 0 : i32
        %dma_wait3A_221 = tpu.memref_slice %arg4[%add3A_16, %dma_wait3A_220] : memref<16384x16xi32, #tpu.memory_space<hbm>> -> memref<8x16xi32, #tpu.memory_space<hbm>>
        tpu.wait_dma2 semaphore(%run_scoped3A : memref<!tpu.dma_semaphore, #tpu.memory_space<semaphore_mem>>) src(%arg7 : memref<8x16xi32, #tpu.memory_space<vmem>>) dst(%dma_wait3A_221 : memref<8x16xi32, #tpu.memory_space<hbm>>)
        tpu.yield
      }) : () -> ()
      %scan3A_215 = arith.constant 0 : i32
      scf.yield %scan3A_215 : i32
    }
    %scan3A_11 = arith.constant 64 : i32
    return
  }
}

module attributes {stable_mosaic.version = 14 : i64} {
  func.func @_tc_logits_block(%arg0: i32, %arg1: memref<1024x512xf32, #tpu.memory_space<vmem>>, %arg2: memref<1000x512xf32, #tpu.memory_space<vmem>>, %arg3: memref<1x1000xf32, #tpu.memory_space<vmem>>, %arg4: memref<1024x1000xf32, #tpu.memory_space<vmem>>, %arg5: memref<1024x1024xf32, #tpu.memory_space<vmem>>) attributes {dimension_semantics = [#tpu.dimension_semantics<arbitrary>], iteration_bounds = array<i64: 16>, scalar_prefetch = 0 : i64, scratch_operands = 0 : i64, tpu.core_type = #tpu.core_type<tc>, window_params = [{transform_indices = @transform_0, window_bounds = array<i64: 1024, 512>}, {pipeline_mode = #tpu.pipeline_mode<synchronous>, transform_indices = @transform_1, window_bounds = array<i64: 1000, 512>}, {pipeline_mode = #tpu.pipeline_mode<synchronous>, transform_indices = @transform_2, window_bounds = array<i64: 1, 1000>}, {transform_indices = @transform_3, window_bounds = array<i64: 1024, 1000>}, {transform_indices = @transform_4, window_bounds = array<i64: 1024, 1024>}]} {
    %get3A = arith.constant 0 : index
    %get3A_0 = arith.constant 0 : index
    %get3A_1 = vector.load %arg1[%get3A, %get3A_0] : memref<1024x512xf32, #tpu.memory_space<vmem>>, vector<1024x512xf32>
    %get3A_2 = arith.constant 0 : index
    %get3A_3 = arith.constant 0 : index
    %get3A_4 = vector.load %arg2[%get3A_2, %get3A_3] : memref<1000x512xf32, #tpu.memory_space<vmem>>, vector<1000x512xf32>
    %mul3A = arith.mulf %get3A_1, %get3A_1 : vector<1024x512xf32>
    %reduce_sum3A = arith.constant dense<0.000000e+00> : vector<1024xf32>
    %reduce_sum3A_5 = vector.multi_reduction <add>, %mul3A, %reduce_sum3A [1] : vector<1024x512xf32> to vector<1024xf32>
    %broadcast_in_dim3A = vector.shape_cast %reduce_sum3A_5 : vector<1024xf32> to vector<1024x1xf32>
    %get3A_6 = arith.constant 0 : index
    %get3A_7 = arith.constant 0 : index
    %get3A_8 = vector.load %arg3[%get3A_6, %get3A_7] : memref<1x1000xf32, #tpu.memory_space<vmem>>, vector<1x1000xf32>
    %dot_general3A = arith.constant dense<0.000000e+00> : vector<1024x1000xf32>
    %dot_general3A_9 = tpu.matmul %get3A_1, %get3A_4, %dot_general3A {dimension_numbers = #tpu.dot_dimension_numbers<[1], [1], [0], [0], [0, 0, 1, 0], [], []>, transpose_lhs_hint = false} : vector<1024x512xf32>, vector<1000x512xf32>, vector<1024x1000xf32> -> vector<1024x1000xf32>
    %mul3A_10 = arith.constant 2.000000e+00 : f32
    %mul3A_11 = vector.broadcast %mul3A_10 : f32 to vector<1024x1000xf32>
    %mul3A_12 = arith.mulf %mul3A_11, %dot_general3A_9 : vector<1024x1000xf32>
    %sub3A = vector.broadcast %broadcast_in_dim3A : vector<1024x1xf32> to vector<1024x1000xf32>
    %sub3A_13 = arith.subf %mul3A_12, %sub3A : vector<1024x1000xf32>
    %sub3A_14 = vector.broadcast %get3A_8 : vector<1x1000xf32> to vector<1024x1000xf32>
    %sub3A_15 = arith.subf %sub3A_13, %sub3A_14 : vector<1024x1000xf32>
    %swap3A = arith.constant 0 : index
    %swap3A_16 = arith.constant 0 : index
    %swap3A_17 = vector.load %arg4[%swap3A, %swap3A_16] : memref<1024x1000xf32, #tpu.memory_space<vmem>>, vector<1024x1000xf32>
    tpu.vector_store %arg4[%swap3A, %swap3A_16], %sub3A_15 {strides = array<i32>} : memref<1024x1000xf32, #tpu.memory_space<vmem>>, vector<1024x1000xf32>,
    %swap3A_18 = arith.constant 0 : index
    %swap3A_19 = arith.constant 0 : index
    %swap3A_20 = vector.load %arg5[%swap3A_18, %swap3A_19] : memref<1024x1024xf32, #tpu.memory_space<vmem>>, vector<1024x1000xf32>
    tpu.vector_store %arg5[%swap3A_18, %swap3A_19], %sub3A_15 {strides = array<i32>} : memref<1024x1024xf32, #tpu.memory_space<vmem>>, vector<1024x1000xf32>,
    %broadcast_in_dim3A_21 = arith.constant 0xFF800000 : f32
    %broadcast_in_dim3A_22 = vector.broadcast %broadcast_in_dim3A_21 : f32 to vector<1024x24xf32>
    %swap3A_23 = arith.constant 0 : index
    %swap3A_24 = arith.constant 1000 : index
    %swap3A_25 = vector.load %arg5[%swap3A_23, %swap3A_24] : memref<1024x1024xf32, #tpu.memory_space<vmem>>, vector<1024x24xf32>
    tpu.vector_store %arg5[%swap3A_23, %swap3A_24], %broadcast_in_dim3A_22 {strides = array<i32>} : memref<1024x1024xf32, #tpu.memory_space<vmem>>, vector<1024x24xf32>,
    return
  }
  func.func @transform_0(%arg0: i32) -> (i32, i32) {
    %c0_i32 = arith.constant 0 : i32
    %c0_i32_0 = arith.constant 0 : i32
    return %arg0, %c0_i32 : i32, i32
  }
  func.func @transform_1(%arg0: i32) -> (i32, i32) {
    %c0_i32 = arith.constant 0 : i32
    %c0_i32_0 = arith.constant 0 : i32
    %c0_i32_1 = arith.constant 0 : i32
    return %c0_i32, %c0_i32_0 : i32, i32
  }
  func.func @transform_2(%arg0: i32) -> (i32, i32) {
    %c0_i32 = arith.constant 0 : i32
    %c0_i32_0 = arith.constant 0 : i32
    %c0_i32_1 = arith.constant 0 : i32
    return %c0_i32, %c0_i32_0 : i32, i32
  }
  func.func @transform_3(%arg0: i32) -> (i32, i32) {
    %c0_i32 = arith.constant 0 : i32
    %c0_i32_0 = arith.constant 0 : i32
    return %arg0, %c0_i32 : i32, i32
  }
  func.func @transform_4(%arg0: i32) -> (i32, i32) {
    %c0_i32 = arith.constant 0 : i32
    %c0_i32_0 = arith.constant 0 : i32
    return %arg0, %c0_i32 : i32, i32
  }
}

</mosaic_0001>

<sc_bundles>
// kernel: kernel.4.cloned.1.call-start
scs
__scs_entry_jumppad:
0x0: {  	(pc) =	sbr.rel $0x88, $3  }
0x1: {  	(tag) =	ssettag $0x0;
	lr =	simm.s32 $0x1  }
0x2: {  	[smem:$0x3F9F] =	sst lr;
	_ =	strace $0xD0000000  }
0x3: {  	_ = 	snop  }
0x4: {  	_ = 	snop  }
0x5: {  	_ = 	snop  }
0x6: {  	_ = 	snop  }
0x7: {  	_ = 	snop  }
__scs_overlays_trampoline_lowered:
0x8: {  	[smem:$0x3FAE] =	sst s0  }
0x9: {  	[smem:$0x3FAF] =	sst s1  }
0xa: {  	[smem:$0x3FB0] =	sst s2  }
0xb: {  	[smem:$0x3FB1] =	sst s3  }
0xc: {  	[smem:$0x3FB2] =	sst s4  }
0xd: {  	[smem:$0x3FB3] =	sst s5  }
0xe: {  	[smem:$0x3FB4] =	sst s6  }
0xf: {  	[smem:$0x3FB5] =	sst s7  }
0x10: {  	[smem:$0x3FB6] =	sst s8  }
0x11: {  	[smem:$0x3FB7] =	sst s9;
	s0 =	simm.s32 @!p0 $0x0  }
0x12: {  	s1 =	sld [smem:$0x3F9D];
	s0 =	simm.s32 @p0 $0x1  }
0x13: {  	[smem:$0x3FB8] =	sst s0;
	s0 =	simm.s32 @!p1 $0x0  }
0x14: {  	s2 =	sld [smem:$0x3F9C];
	s0 =	simm.s32 @p1 $0x1  }
0x15: {  	[smem:$0x3FB9] =	sst s0;
	s0 =	simm.s32 @!p2 $0x0  }
0x16: {  	s3 =	sld [smem:$0x3FDB];
	s0 =	simm.s32 @p2 $0x1  }
0x17: {  	s4 =	simm.s32 $0x1BF5;
	[smem:$0x3FBB] =	sst s0  }
0x18: {  	s0 =	sld [smem:$0x3F9E];
	_ =	swait.ge [sflag:s4], $0x0  }
0x19: {  	s7 =	sld [smem:$0x3F9F]  }
0x1a: {  	s8 =	sadd.s32 $0xFFFFE003, lr  }
0x1b: {  	s9 =	sadd.s32 $0xFFFFFEF7, lr;
	s5 =	simm.s32 $0xFFFFFFFF;
	p2 =	slt.u32 s8, $0xFFFFF086  }
0x1c: {  	p1 =	slt.u32 s9, $0xF7A;
	s5 =	simm.s32 @!p2 $0x0  }
0x1d: {  	s5 =	simm.s32 @p1 $0x1;
	p0 =	seq.s32 s7, s2  }
0x1e: {  	s7 =	smul.u32 @!p0 $0xF7A, s2;
	p2 =	seq.s32 @!p0 s5, $0x0  }
0x1f: {  	s9 =	smul.u32 $0xF7A, s1;
	s8 =	simm.s32 @!p0 $0x1BF5;
	p2 =	por !p2, p0  }
0x20: {  	[sflag:s8] =	ssyncset.s32 @!p0 $0xFFFFF086;
	s6 =	sadd.s32 @!p0 s3, s7;
	s7 =	simm.s32 @!p0 $0x108  }
0x21: {  	s3 =	sadd.s32 s3, s9;
	s6 =	sadd.s32 @!p0 $0x88, s6;
	s7 =	simm.s32 @p2 $0x1082  }
0x22: {  	[simem:s7], [sflag:s8] =	dma.local @!p0 [hbm:s6], $0xF7A  }
0x23: {  	s9 =	sor.u32 $0xD0000000, s2;
	s6 =	simm.s32 $0x108;
	_ =	swait.ge @!p0 [sflag:s8], $0x0  }
0x24: {  	s3 =	sadd.s32 $0x88, s3;
	s6 =	simm.s32 @!p1 $0x1082;
	[sflag:s4] =	ssyncset.s32 $0xFFFFF086  }
0x25: {  	[simem:s6], [sflag:s4] =	dma.local [hbm:s3], $0xF7A  }
0x26: {  	[smem:$0x3F9F] =	sst s1;
	(tag) =	ssettag s2;
	_ =	strace s9  }
0x27: {  	s1 =	sld [smem:$0x3FAF]  }
0x28: {  	s2 =	sld [smem:$0x3FB0]  }
0x29: {  	s4 =	sld [smem:$0x3FB2]  }
0x2a: {  	p0 =	seq.s32 s5, $0x0;
	s5 =	sld [smem:$0x3FB3]  }
0x2b: {  	s6 =	sld [smem:$0x3FB4]  }
0x2c: {  	s7 =	sld [smem:$0x3FB5]  }
0x2d: {  	s3 =	simm.s32 $0x108;
	s8 =	sld [smem:$0x3FB6]  }
0x2e: {  	s3 =	simm.s32 @!p0 $0x1082;
	s9 =	sld [smem:$0x3FB7]  }
0x2f: {  	lr =	sadd.s32 s0, s3;
	s0 =	sld [smem:$0x3FAE]  }
0x30: {  	s3 =	sld [smem:$0x3FB1]  }
0x31: {  	[smem:$0x3FBA] =	sst s10  }
0x32: {  	s10 =	sld [smem:$0x3FB8];
	_ =	sdelay $0x3  }
0x33: {  	p0 =	seq.s32 s10, $0x1;
	s10 =	sld [smem:$0x3FBA];
	_ =	sdelay $0x3  }
0x34: {  	[smem:$0x3FBA] =	sst s10  }
0x35: {  	s10 =	sld [smem:$0x3FB9];
	_ =	sdelay $0x3  }
0x36: {  	p1 =	seq.s32 s10, $0x1;
	s10 =	sld [smem:$0x3FBA];
	_ =	sdelay $0x3  }
0x37: {  	[smem:$0x3FBA] =	sst s10  }
0x38: {  	s10 =	sld [smem:$0x3FBB]  }
0x39: {  	_ = 	snop;
	(pc) =	sbr.ind lr, $3  }
0x3a: {  	_ = 	snop  }
0x3b: {  	_ = 	snop  }
0x3c: {  	p2 =	seq.s32 s10, $0x1;
	s10 =	sld [smem:$0x3FBA]  }
0x3d: {  	_ =	shalt  }
0x3e: {  	_ =	shalt  }
0x3f: {  	_ =	shalt  }
0x40: {  	_ =	shalt  }
0x41: {  	_ =	shalt  }
0x42: {  	_ =	shalt  }
0x43: {  	_ =	shalt  }
0x44: {  	_ =	shalt  }
0x45: {  	_ =	shalt  }
0x46: {  	_ =	shalt  }
0x47: {  	_ =	shalt  }
0x48: {  	_ =	shalt  }
0x49: {  	_ =	shalt  }
0x4a: {  	_ =	shalt  }
0x4b: {  	_ =	shalt  }
0x4c: {  	_ =	shalt  }
0x4d: {  	_ =	shalt  }
0x4e: {  	_ =	shalt  }
0x4f: {  	_ =	shalt  }
0x50: {  	_ =	shalt  }
0x51: {  	_ =	shalt  }
0x52: {  	_ =	shalt  }
0x53: {  	_ =	shalt  }
0x54: {  	_ =	shalt  }
0x55: {  	_ =	shalt  }
0x56: {  	_ =	shalt  }
0x57: {  	_ =	shalt  }
0x58: {  	_ =	shalt  }
0x59: {  	_ =	shalt  }
0x5a: {  	_ =	shalt  }
0x5b: {  	_ =	shalt  }
0x5c: {  	_ =	shalt  }
0x5d: {  	_ =	shalt  }
0x5e: {  	_ =	shalt  }
0x5f: {  	_ =	shalt  }
0x60: {  	_ =	shalt  }
0x61: {  	_ =	shalt  }
0x62: {  	_ =	shalt  }
0x63: {  	_ =	shalt  }
0x64: {  	_ =	shalt  }
0x65: {  	_ =	shalt  }
0x66: {  	_ =	shalt  }
0x67: {  	_ =	shalt  }
0x68: {  	_ =	shalt  }
0x69: {  	_ =	shalt  }
0x6a: {  	_ =	shalt  }
0x6b: {  	_ =	shalt  }
0x6c: {  	_ =	shalt  }
0x6d: {  	_ =	shalt  }
0x6e: {  	_ =	shalt  }
0x6f: {  	_ =	shalt  }
0x70: {  	_ =	shalt  }
0x71: {  	_ =	shalt  }
0x72: {  	_ =	shalt  }
0x73: {  	_ =	shalt  }
0x74: {  	_ =	shalt  }
0x75: {  	_ =	shalt  }
0x76: {  	_ =	shalt  }
0x77: {  	_ =	shalt  }
0x78: {  	_ =	shalt  }
0x79: {  	_ =	shalt  }
0x7a: {  	_ =	shalt  }
0x7b: {  	_ =	shalt  }
0x7c: {  	_ =	shalt  }
0x7d: {  	_ =	shalt  }
0x7e: {  	_ =	shalt  }
0x7f: {  	_ =	shalt  }
0x80: {  	_ =	shalt  }
0x81: {  	_ =	shalt  }
0x82: {  	_ =	shalt  }
0x83: {  	_ =	shalt  }
0x84: {  	_ =	shalt  }
0x85: {  	_ =	shalt  }
0x86: {  	_ =	shalt  }
0x87: {  	_ =	shalt  }
.Lfunc_end0:
.L_simem_size_0:
called_computation_lowered:
.L_overlay_start_0:
0x88: {  	s2 =	sld [smem:$0x3FD9]  }
0x89: {  	s3 =	sld [smem:$0x3FFE];
	_ =	sdelay $0x1  }
0x8a: {  	s1 =	srdreg.scid  }
0x8b: {  	s0 =	sand.u32 $0x1, s1  }
0x8c: {  	s16 =	sshll.u32 s0, $0xA;
	s2 =	sadd.s32 s3, s2  }
0x8d: {  	s2 =	sadd.s32 s2, s16  }
0x8e: {  	[smem:$0x3FC6] =	sst s2  }
0x8f: {  	_ = 	snop  }
0x90: {  	(tm) =	ssettm $0x1  }
0x91: {  	s17 =	sld [smem:$0x3FFB];
	_ =	sdelay $0x3  }
0x92: {  	_ =	strace s17  }
0x93: {  	s2 =	sld [smem:$0x3FFC];
	_ =	sdelay $0x3  }
0x94: {  	_ =	strace s2  }
0x95: {  	s2 =	sld [smem:$0x3FFD];
	_ =	sdelay $0x3  }
0x96: {  	_ =	strace s2  }
0x97: {  	_ =	strace $0x8FFFFFFF  }
0x98: {  	s18 =	sld [smem:$0x3FDB];
	_ =	sdelay $0x1  }
0x99: {  	s19 =	simm.s32 $_scs_section_size  }
0x9a: {  	s4 =	simm.s32 $_size__tile_overlayer_lowered;
	s5 =	simm.s32 $_tile_overlayer_lowered  }
0x9b: {  	s22 =	simm.s32 $0x1BFF;
	s21 =	sshll.u32 s5, $0x1;
	s2 =	sadd.s32 s19, s18  }
0x9c: {  	s6 =	simm.s32 $0x0;
	s20 =	sshll.u32 s4, $0x1;
	s4 =	sadd.s32 s21, s2  }
0x9d: {  	[timem:s6], [sflag:s22] =	dma.local [hbm:s4], s20  }
0x9e: {  	_ =	swait.ge [sflag:s22], s20  }
0x9f: {  	s3 =	ssub.s32 $0x0, s20;
	[sflag:s22] =	ssyncset.done $0x0  }
0xa0: {  	[sflag:s22] =	ssyncadd.s32 s3;
	_ =	sdelay $0x1  }
0xa1: {  	s23 =	simm.s32 $0x1B8B  }
0xa2: {  	_ =	swait.ge [sflag:s23], $0x1  }
0xa3: {  	[sflag:s23] =	ssyncset.done $0x0  }
0xa4: {  	s25 =	simm.s32 $0x1B8E;
	s24 =	sld [smem:$0x3FFE];
	[sflag:s23] =	ssyncadd.s32 $0xFFFFFFFF  }
0xa5: {  	s26 =	simm.s32 $execute0_lowered;
	[smem:$0x3FD2] =	sst s25  }
0xa6: {  	s4 =	sshll.u32 s26, $0x1;
	_ =	strace $0x80000046;
	[dreg:$0x1] =	wrdreg $0xFFFFFFFF  }
0xa7: {  	s28 =	simm.s32 $_size_execute0_lowered;
	s2 =	sadd.s32 s2, s4;
	[dreg:$0x0] =	wrdreg $0x0  }
0xa8: {  	s4 =	sshll.u32 s28, $0x1;
	[dreg:$0x2] =	wrdreg s2  }
0xa9: {  	[dreg:$0x3] =	wrdreg s4  }
0xaa: {  	[dreg:$0x4] =	wrdreg $0xC0  }
0xab: {  	_ =	task [dreg:s6], $0x5FFFF  }
0xac: {  	[dreg:$0x1] =	wrdreg $0xFFFFFFFF  }
0xad: {  	[dreg:$0x0] =	wrdreg $0x60  }
0xae: {  	[dreg:$0x2] =	wrdreg s24  }
0xaf: {  	[dreg:$0x3] =	wrdreg $0x9  }
0xb0: {  	_ =	task.clear_ibuf [dreg:s6], $0x4FFFF;
	_ =	strace $0x90000046  }
0xb1: {  	s29 =	simm.s32 $0x9;
	_ =	strace $0x80000048  }
0xb2: {  	_ =	swait.ge [sflag:s29], $0x1  }
0xb3: {  	[sflag:s29] =	ssyncadd.s32 $0xFFFFFFFF  }
0xb4: {  	_ =	strace $0x90000048  }
0xb5: {  	_ =	sfence  }
0xb6: {  	s30 =	sld [smem:$0x0];
	_ =	sdelay $0x2  }
0xb7: {  	s31 =	sshll.u32 s1, $0xD;
	s1 =	sshrl.u32 s1, $0x2  }
0xb8: {  	s3 =	sand.u32 $0x4000, s31;
	s1 =	sadd.s32 s1, s30  }
0xb9: {  	s0 =	sor.u32 s3, s0;
	s1 =	sshll.u32 s1, $0x11  }
0xba: {  	s0 =	sor.u32 s1, s0  }
0xbb: {  	s0 =	sadd.s32 $0x8F2B, s0  }
0xbc: {  	[sflag:s0] =	ssyncadd.remote.s32 $0x1  }
0xbd: {  	_ =	sfence.sel $0xFFFF  }
0xbe: {  	[dreg:$0x0] =	wrdreg $0xFFFFFFFF;
	(pc) =	sbr.abs _section_cstart, $3  }
0xbf: {  	[dreg:$0x1] =	wrdreg $0xFFFFFFFF  }
0xc0: {  	_ =	task.clear_ibuf [dreg:s6], $0x2FFFF;
	_ =	strace $0x9FFFFFFF  }
0xc1: {  	(tm) =	ssettm $0x7FFFFFFF  }
tec
execute0_lowered:
.L_overlay_start_1:
0x0: {  	(tag) =	ssettag $0x1  }
0x1: {  	v0 =	vimm.s32 $0xFEDCBA98;
	v1 =	vimm.s32 $0x76543210  }
0x2: {  	v2 =	vimm.s32 $0xBA98FEDC;
	v3 =	vimm.s32 $0x32107654;
	v4 =	vimm.s32 $0xDCFE98BA  }
0x3: {  	v5 =	vimm.s32 $0x54761032;
	v6 =	vimm.s32 $0xEFCDAB89;
	v7 =	vimm.s32 $0x67452301  }
0x4: {  	v0 =	vunpack.c.l.s4.s8 v0;
	v1 =	vunpack.c.l.s4.s8 v1;
	v2 =	vunpack.c.l.s4.s8 v2  }
0x5: {  	s4 =	rddreg [dreg:$0x0];
	v3 =	vunpack.c.l.s4.s8 v3;
	v4 =	vunpack.c.l.s4.s8 v4;
	v5 =	vunpack.c.l.s4.s8 v5  }
0x6: {  	s0 =	rddreg [dreg:$0x1];
	s1 =	simm.s32 $0x0;
	s2 =	srdreg.scid;
	v6 =	vunpack.c.l.s4.s8 v6;
	v7 =	vunpack.c.l.s4.s8 v7;
	v0 =	vunpack.c.0.s8.s32 v0  }
0x7: {  	s9 =	simm.s32 $0x2000;
	s10 =	simm.s32 $0x2400;
	s11 =	simm.s32 $0x0;
	v2 =	vunpack.c.0.s8.s32 v2;
	v3 =	vunpack.c.0.s8.s32 v3;
	v4 =	vunpack.c.0.s8.s32 v4  }
0x8: {  	[smem:$0x7FF] =	sst s1;
	s6 =	sand.u32 $0x1, s2;
	s2 =	sadd.s32 $0x200A00, s4;
	v5 =	vunpack.c.0.s8.s32 v5;
	v6 =	vunpack.c.0.s8.s32 v6;
	v7 =	vunpack.c.0.s8.s32 v7  }
0x9: {  	s3 =	sadd.s32 $0x400A00, s4;
	s5 =	sadd.s32 $0x440A00, s4;
	s7 =	ssub.s32 $0x2, s6;
	v1 =	vunpack.c.0.s8.s32 v1;
	v2 =	vcombine.low v3, v2  }
0xa: {  	s4 =	stileid.u32;
	_ =	strace $0x80000047;
	s8 =	sshrl.u32 s7, $0x1;
	v3 =	vcombine.low v5, v4;
	v4 =	vand.u32 $0xF, v0;
	v5 =	vcombine.low v7, v6  }
0xb: {  	s31 =	sshll.u32 s4, $0x7;
	s6 =	sshll.u32 s6, $0x6;
	s7 =	ssub.s32 s7, s8;
	v0 =	vlaneseq.u32;
	v1 =	vcombine.low v4, v1  }
0xc: {  	s6 =	sor.u32 s6, s31;
	s8 =	simm.s32 $0x1;
	s7 =	smax.u32 s7, $0x1;
	v2 =	vand.u32 $0xF, v2;
	v3 =	vand.u32 $0xF, v3;
	v4 =	vand.u32 $0xF, v5  }
.LBB2_1:
0xd: {  	s12 =	simm.s32 $0x0  }
.LBB2_2:
0xe: {  	s13 =	sadd.s32 s6, s12  }
0xf: {  	s14 =	sshll.u32 s13, $0xA  }
0x10: {  	s15 =	sadd.s32 s2, s14;
	s14 =	simm.s32 $0x0  }
0x11: {  	[tilespmem:s14], [sflag:$0x1] =	stream.linear.gather [hbm4b:s15+s14], $0x2000, $0x38;
	[tilespmem:$0x2800] =	vst v63  }
0x12: {  	s30 =	simm.s32 $0x10;
	_ =	swait.ge [sflag:s8], $0x2000  }
0x13: {  	s29 =	sand.u32 $0x70, s14;
	s16 =	sand.u32 $0x1C00, s14;
	[sflag:s8] =	ssyncset.done $0x0  }
0x14: {  	s31 =	simm.s32 $0x80;
	s15 =	sor.u32 s29, s16;
	[sflag:s8] =	ssyncadd.s32 $0xFFFFE000  }
0x15: {  	s17 =	sand.u32 $0x70, s30;
	s16 =	sand.u32 $0x1C00, s31;
	v7 =	vld [tilespmem:s15+$0x0]  }
0x16: {  	s16 =	sor.u32 s17, s16  }
0x17: {  	v5 =	vimm.f32 $-Inf;
	v32 =	vimm.f32 $1.000000000e+09;
	v33 =	vimm.f32 $-Inf;
	v23 =	vld [tilespmem:s16+$0x0]  }
0x18: {  	v34 =	vimm.f32 $-Inf;
	v29 =	vimm.f32 $-Inf;
	v6 =	vor.u32 s14, v0  }
0x19: {  	v30 =	vimm.f32 $1.000000000e+09;
	v38 =	vimm.f32 $1.000000000e+09;
	v10 =	vcvt.s32.f32 v6  }
0x1a: {  	v31 =	vimm.f32 $1.000000000e+09;
	v6 =	vimm.f32 $1.000000000e+09;
	vm0 =	vgt.f32 v7, v5  }
0x1b: {  	v8 =	vsel vm0, v5, v7;
	v13 =	vsel vm0, v6, v10;
	v24 =	vsel vm0, v7, v5  }
0x1c: {  	v16 =	vsel vm0, v10, v6;
	vm1 =	vgt.f32 v8, v5;
	vm0 =	vgt.f32 v23, v24  }
0x1d: {  	v9 =	vsel vm1, v5, v8;
	v17 =	vsel vm1, v6, v13;
	v14 =	vsel vm1, v8, v5  }
0x1e: {  	v13 =	vsel vm1, v13, v6;
	v27 =	vsel vm0, v24, v23;
	vm2 =	vgt.f32 v9, v5  }
0x1f: {  	vm1 =	vgt.f32 v27, v14;
	v11 =	vsel vm2, v5, v9;
	v7 =	vsel vm2, v6, v17  }
0x20: {  	v15 =	vsel vm2, v9, v5;
	v9 =	vor.u32 s30, v0;
	vm3 =	vgt.f32 v11, v5  }
0x21: {  	v28 =	vsel vm1, v14, v27;
	v21 =	vcvt.s32.f32 v9;
	v12 =	vsel vm3, v5, v11  }
0x22: {  	v9 =	vsel vm2, v17, v6;
	vm2 =	vgt.f32 v28, v15;
	vm4 =	vgt.f32 v12, v5  }
0x23: {  	v18 =	vsel vm3, v6, v7;
	v11 =	vsel vm3, v11, v5;
	v20 =	vsel vm4, v5, v12  }
0x24: {  	v7 =	vsel vm3, v7, v6;
	v35 =	vsel vm2, v15, v28;
	vm5 =	vgt.f32 v20, v5  }
0x25: {  	v22 =	vsel vm0, v16, v21;
	vm3 =	vgt.f32 v35, v11;
	v17 =	vsel vm5, v5, v20  }
0x26: {  	v12 =	vsel vm4, v12, v5;
	v8 =	vsel vm4, v18, v6;
	vm6 =	vgt.f32 v17, v5  }
0x27: {  	v10 =	vsel vm4, v6, v18;
	v39 =	vsel vm3, v11, v35;
	v19 =	vsel vm6, v5, v17  }
0x28: {  	v25 =	vsel vm1, v13, v22;
	vm4 =	vgt.f32 v39, v12;
	vm8 =	vgt.f32 v19, v5  }
0x29: {  	v36 =	vsel vm5, v6, v10;
	v37 =	vsel vm4, v12, v39;
	v42 =	vsel vm8, v5, v19  }
0x2a: {  	v18 =	vsel vm6, v17, v5;
	v41 =	vsel vm6, v6, v36;
	vm7 =	vgt.f32 v42, v5  }
0x2b: {  	v17 =	vsel vm5, v10, v6;
	v40 =	vsel vm8, v6, v41;
	v43 =	vsel vm7, v5, v42  }
0x2c: {  	s17 =	simm.s32 $0x20;
	s15 =	simm.s32 $0x100;
	v26 =	vmovc v8;
	v19 =	vsel vm8, v19, v5;
	v10 =	vsel vm7, v40, v6;
	vm9 =	vgt.f32 v43, v5  }
.LBB2_3:
0x2d: {  	s18 =	sand.u32 $0x70, s17  }
0x2e: {  	s19 =	sand.u32 $0x1C00, s15;
	v32 =	vsel vm8, v41, v32;
	v33 =	vsel vm7, v42, v33;
	v34 =	vsel vm9, v43, v34;
	s20 =	smov.u32 s17;
	s16 =	sadd.s32 $0x10, s17  }
0x2f: {  	p0 =	sne.s32 s17, $0x3F0;
	v29 =	vsel vm5, v20, v29;
	v30 =	vsel vm6, v36, v30;
	v36 =	vsel vm7, v38, v40;
	v20 =	vmovc v37;
	s18 =	sor.u32 s18, s19  }
0x30: {  	v24 =	vsel vm0, v23, v24;
	v37 =	vsel vm2, v9, v25;
	v38 =	vmovc v10;
	v31 =	vsel vm9, v36, v31;
	v23 =	vld [tilespmem:s18+$0x0]  }
0x31: {  	v14 =	vsel vm1, v27, v14;
	v15 =	vsel vm2, v28, v15;
	v27 =	vsel vm3, v7, v37  }
0x32: {  	v11 =	vsel vm3, v35, v11;
	v12 =	vsel vm4, v39, v12;
	v8 =	vsel vm4, v27, v8  }
0x33: {  	v16 =	vsel vm0, v21, v16;
	v28 =	vor.u32 s20, v0;
	v7 =	vsel vm3, v37, v7  }
0x34: {  	v13 =	vsel vm1, v22, v13;
	v9 =	vsel vm2, v25, v9;
	v21 =	vcvt.s32.f32 v28  }
0x35: {  	v37 =	vsel vm4, v26, v27;
	v26 =	vmov v8;
	vm0 =	vgt.f32 v23, v24  }
0x36: {  	vm5 =	vgt.f32 v20, v29;
	v27 =	vsel vm0, v24, v23;
	v22 =	vsel vm0, v16, v21  }
0x37: {  	v35 =	vsel vm5, v29, v20;
	v36 =	vsel vm5, v17, v37;
	vm1 =	vgt.f32 v27, v14  }
0x38: {  	vm6 =	vgt.f32 v35, v18;
	v28 =	vsel vm1, v14, v27;
	v25 =	vsel vm1, v13, v22  }
0x39: {  	v40 =	vsel vm6, v18, v35;
	v18 =	vsel vm6, v35, v18;
	vm2 =	vgt.f32 v28, v15  }
.Ltmp0:
0x3a: {  	v17 =	vsel vm5, v37, v17;
	vm8 =	vgt.f32 v40, v19;
	v35 =	vsel vm2, v15, v28;
	(pc) =	sbr.rel @p0 .LBB2_3-.Ltmp0, $4  }
0x3b: {  	v41 =	vsel vm6, v30, v36;
	v42 =	vsel vm8, v19, v40;
	vm3 =	vgt.f32 v35, v11  }
0x3c: {  	v19 =	vsel vm8, v40, v19;
	vm7 =	vgt.f32 v42, v33;
	v39 =	vsel vm3, v11, v35  }
0x3d: {  	v40 =	vsel vm8, v32, v41;
	v43 =	vsel vm7, v33, v42;
	vm4 =	vgt.f32 v39, v12  }
0x3e: {  	s15 =	sadd.s32 $0x80, s15;
	s17 =	smov.u32 s16;
	v10 =	vsel vm7, v40, v10;
	vm9 =	vgt.f32 v43, v34;
	v37 =	vsel vm4, v12, v39  }
0x3f: {  	v24 =	vsel vm0, v23, v24  }
0x40: {  	v23 =	vperm.xlane v24, v1;
	_ =	sdelay $0x1  }
0x41: {  	v23 =	vmax.f32 v24, v23  }
0x42: {  	v44 =	vperm.xlane v23, v2;
	_ =	sdelay $0x1  }
0x43: {  	v23 =	vmax.f32 v23, v44  }
0x44: {  	v44 =	vperm.xlane v23, v3  }
0x45: {  	v32 =	vsel vm8, v41, v32  }
0x46: {  	v33 =	vsel vm7, v42, v33;
	v34 =	vsel vm9, v43, v34;
	v23 =	vmax.f32 v23, v44  }
0x47: {  	v29 =	vsel vm5, v20, v29;
	v20 =	vsel vm7, v38, v40;
	v61 =	vperm.xlane v23, v4  }
0x48: {  	v30 =	vsel vm6, v36, v30;
	v62 =	vsel vm2, v9, v25;
	v27 =	vsel vm1, v27, v14  }
0x49: {  	v63 =	vsel vm2, v28, v15;
	v14 =	vsel vm0, v21, v16;
	v28 =	vmax.f32 v23, v61  }
0x4a: {  	v35 =	vsel vm3, v35, v11;
	v11 =	vsel vm4, v39, v12;
	vm0 =	veq.f32 v24, v28  }
0x4b: {  	v9 =	vsel vm2, v25, v9;
	v31 =	vsel vm9, v20, v31;
	v16 =	vnsel vm0, $0x4E6E6B28, v14  }
0x4c: {  	v15 =	vsel vm3, v7, v62;
	vm5 =	vgt.f32 v37, v29;
	v20 =	vperm.xlane v16, v1  }
0x4d: {  	v12 =	vsel vm3, v62, v7;
	v7 =	vsel vm1, v22, v13;
	v13 =	vsel vm5, v29, v37  }
0x4e: {  	v8 =	vsel vm4, v15, v8;
	vm1 =	vgt.f32 v13, v18;
	v16 =	vmin.f32 v16, v20  }
0x4f: {  	v15 =	vsel vm4, v26, v15;
	v20 =	vsel vm1, v18, v13;
	v21 =	vperm.xlane v16, v2  }
0x50: {  	v22 =	vsel vm5, v17, v15;
	v15 =	vsel vm5, v15, v17;
	vm2 =	vgt.f32 v20, v19  }
0x51: {  	v13 =	vsel vm1, v13, v18;
	v23 =	vsel vm2, v19, v20;
	v18 =	vmin.f32 v16, v21  }
0x52: {  	v21 =	vsel vm1, v30, v22;
	vm3 =	vgt.f32 v23, v33;
	v25 =	vperm.xlane v18, v3  }
0x53: {  	v16 =	vsel vm2, v20, v19;
	v22 =	vsel vm1, v22, v30;
	v26 =	vsel vm2, v32, v21  }
0x54: {  	v20 =	vsel vm3, v33, v23;
	v19 =	vsel vm3, v23, v33;
	v25 =	vmin.f32 v18, v25  }
0x55: {  	v17 =	vsel vm3, v26, v10;
	vm15 =	vgt.f32 v20, v34;
	v23 =	vperm.xlane v25, v4  }
0x56: {  	v10 =	vsel vm3, v10, v26;
	v26 =	vmov s14;
	v18 =	vsel vm2, v21, v32  }
0x57: {  	v20 =	vsel vm15, v20, v34;
	vm1 =	veq.s32 v26, v0;
	v25 =	vmin.f32 v25, v23  }
0x58: {  	v21 =	vsel vm5, v37, v29;
	v5 =	vsel vm1, v28, v5;
	vm2 =	veq.f32 v14, v25  }
0x59: {  	v23 =	vsel vm15, v10, v31;
	v6 =	vsel vm1, v25, v6;
	vm0 =	vmand vm0, vm2  }
0x5a: {  	v10 =	vsel vm0, v27, v24;
	v24 =	vsel vm0, v63, v27;
	v25 =	vsel vm0, $0xFF800000, v20  }
0x5b: {  	s15 =	simm.s32 $0x2;
	s14 =	simm.s32 $0x1;
	v26 =	vsel vm0, v35, v63;
	v27 =	vsel vm0, v11, v35;
	v28 =	vperm.xlane v10, v1  }
.LBB2_5:
0x5c: {  	p0 =	sne.s32 s15, $0x9;
	v11 =	vsel vm0, v21, v11;
	v21 =	vsel vm0, v13, v21;
	v13 =	vsel vm0, v16, v13  }
0x5d: {  	v16 =	vsel vm0, v19, v16;
	v19 =	vsel vm0, v20, v19;
	v20 =	vmovc v25;
	v28 =	vmax.f32 v10, v28  }
0x5e: {  	v14 =	vsel vm0, v7, v14;
	v7 =	vsel vm0, v9, v7;
	v29 =	vperm.xlane v28, v2  }
0x5f: {  	v9 =	vsel vm0, v12, v9;
	v12 =	vsel vm0, v8, v12;
	v8 =	vsel vm0, v15, v8  }
0x60: {  	v15 =	vsel vm0, v22, v15;
	v22 =	vsel vm0, v18, v22;
	v28 =	vmax.f32 v28, v29  }
0x61: {  	v18 =	vsel vm0, v17, v18;
	v17 =	vsel vm0, v23, v17;
	v29 =	vperm.xlane v28, v3  }
0x62: {  	v23 =	vsel vm0, $0x4E6E6B28, v23  }
0x63: {  	v28 =	vmax.f32 v28, v29  }
0x64: {  	v29 =	vperm.xlane v28, v4  }
0x65: {  	v30 =	vmov s14;
	s14 =	smov.u32 s15  }
0x66: {  	vm0 =	veq.s32 v30, v0;
	v28 =	vmax.f32 v28, v29  }
0x67: {  	vm1 =	veq.f32 v10, v28;
	v5 =	vsel vm0, v28, v5  }
0x68: {  	v28 =	vnsel vm1, $0x4E6E6B28, v14  }
0x69: {  	v29 =	vperm.xlane v28, v1;
	_ =	sdelay $0x1  }
0x6a: {  	v28 =	vmin.f32 v28, v29  }
0x6b: {  	v29 =	vperm.xlane v28, v2;
	_ =	sdelay $0x1  }
0x6c: {  	v28 =	vmin.f32 v28, v29  }
0x6d: {  	v29 =	vperm.xlane v28, v3;
	_ =	sdelay $0x1  }
0x6e: {  	v28 =	vmin.f32 v28, v29  }
0x6f: {  	v29 =	vperm.xlane v28, v4;
	_ =	sdelay $0x1  }
.Ltmp1:
0x70: {  	v28 =	vmin.f32 v28, v29;
	(pc) =	sbr.rel @p0 .LBB2_5-.Ltmp1, $4  }
0x71: {  	v6 =	vsel vm0, v28, v6;
	vm0 =	veq.f32 v14, v28  }
0x72: {  	vm0 =	vmand vm1, vm0  }
0x73: {  	v10 =	vsel vm0, v24, v10;
	v24 =	vsel vm0, v26, v24;
	v25 =	vsel vm0, $0xFF800000, v25  }
0x74: {  	s15 =	sadd.s32 $0x1, s15;
	v26 =	vsel vm0, v27, v26;
	v27 =	vsel vm0, v11, v27;
	v28 =	vperm.xlane v10, v1  }
0x75: {  	_ = 	snop  }
0x76: {  	v8 =	vmax.f32 v10, v28  }
0x77: {  	v9 =	vperm.xlane v8, v2;
	_ =	sdelay $0x1  }
0x78: {  	v8 =	vmax.f32 v8, v9  }
0x79: {  	v9 =	vperm.xlane v8, v3;
	_ =	sdelay $0x1  }
0x7a: {  	v8 =	vmax.f32 v8, v9  }
0x7b: {  	v9 =	vperm.xlane v8, v4;
	_ =	sdelay $0x1  }
0x7c: {  	v8 =	vmax.f32 v8, v9  }
0x7d: {  	v7 =	vsel vm0, v7, v14;
	vm0 =	veq.f32 v10, v8  }
0x7e: {  	v7 =	vnsel vm0, $0x4E6E6B28, v7  }
0x7f: {  	v9 =	vperm.xlane v7, v1;
	_ =	sdelay $0x1  }
0x80: {  	v7 =	vmin.f32 v7, v9  }
0x81: {  	v9 =	vperm.xlane v7, v2;
	_ =	sdelay $0x1  }
0x82: {  	v7 =	vmin.f32 v7, v9  }
0x83: {  	v9 =	vperm.xlane v7, v3;
	_ =	sdelay $0x1  }
0x84: {  	v7 =	vmin.f32 v7, v9  }
0x85: {  	v9 =	vperm.xlane v7, v4  }
0x86: {  	v10 =	vmov s14  }
0x87: {  	vm0 =	veq.s32 v10, v0;
	v7 =	vmin.f32 v7, v9  }
0x88: {  	v6 =	vsel vm0, v7, v6  }
0x89: {  	v6 =	vtrunc.f32 v6  }
0x8a: {  	s14 =	simm.s32 $0x0;
	v5 =	vsel vm0, v8, v5;
	v6 =	vcvt.f32.s32 v6  }
0x8b: {  	s15 =	sand.u32 $0x70, s14;
	s16 =	sand.u32 $0x1C00, s14;
	[tilespmem:$0x2000] =	vst v5  }
0x8c: {  	s30 =	simm.s32 $0x10;
	s31 =	simm.s32 $0x80;
	s15 =	sor.u32 s15, s16;
	[tilespmem:$0x2400] =	vst v6  }
0x8d: {  	s17 =	sand.u32 $0x70, s30;
	s16 =	sand.u32 $0x1C00, s31;
	v7 =	vld [tilespmem:s15+$0x80]  }
0x8e: {  	s16 =	sor.u32 s17, s16  }
0x8f: {  	v32 =	vimm.f32 $1.000000000e+09;
	v33 =	vimm.f32 $-Inf;
	v34 =	vimm.f32 $-Inf;
	v23 =	vld [tilespmem:s16+$0x80]  }
0x90: {  	v29 =	vimm.f32 $-Inf;
	v30 =	vimm.f32 $1.000000000e+09;
	v6 =	vor.u32 s14, v0  }
0x91: {  	v38 =	vimm.f32 $1.000000000e+09;
	v5 =	vimm.f32 $-Inf;
	v10 =	vcvt.s32.f32 v6  }
0x92: {  	v31 =	vimm.f32 $1.000000000e+09;
	v6 =	vimm.f32 $1.000000000e+09;
	vm0 =	vgt.f32 v7, v5  }
0x93: {  	v8 =	vsel vm0, v5, v7;
	v13 =	vsel vm0, v6, v10;
	v24 =	vsel vm0, v7, v5  }
0x94: {  	v16 =	vsel vm0, v10, v6;
	vm1 =	vgt.f32 v8, v5;
	vm0 =	vgt.f32 v23, v24  }
0x95: {  	v9 =	vsel vm1, v5, v8;
	v17 =	vsel vm1, v6, v13;
	v14 =	vsel vm1, v8, v5  }
0x96: {  	v13 =	vsel vm1, v13, v6;
	v27 =	vsel vm0, v24, v23;
	vm2 =	vgt.f32 v9, v5  }
0x97: {  	vm1 =	vgt.f32 v27, v14;
	v11 =	vsel vm2, v5, v9;
	v7 =	vsel vm2, v6, v17  }
0x98: {  	v15 =	vsel vm2, v9, v5;
	v9 =	vor.u32 s30, v0;
	vm3 =	vgt.f32 v11, v5  }
0x99: {  	v28 =	vsel vm1, v14, v27;
	v21 =	vcvt.s32.f32 v9;
	v12 =	vsel vm3, v5, v11  }
0x9a: {  	v9 =	vsel vm2, v17, v6;
	vm2 =	vgt.f32 v28, v15;
	vm4 =	vgt.f32 v12, v5  }
0x9b: {  	v18 =	vsel vm3, v6, v7;
	v11 =	vsel vm3, v11, v5;
	v20 =	vsel vm4, v5, v12  }
0x9c: {  	v7 =	vsel vm3, v7, v6;
	v35 =	vsel vm2, v15, v28;
	vm5 =	vgt.f32 v20, v5  }
0x9d: {  	v22 =	vsel vm0, v16, v21;
	vm3 =	vgt.f32 v35, v11;
	v17 =	vsel vm5, v5, v20  }
0x9e: {  	v12 =	vsel vm4, v12, v5;
	v8 =	vsel vm4, v18, v6;
	vm6 =	vgt.f32 v17, v5  }
0x9f: {  	v10 =	vsel vm4, v6, v18;
	v39 =	vsel vm3, v11, v35;
	v19 =	vsel vm6, v5, v17  }
0xa0: {  	v25 =	vsel vm1, v13, v22;
	vm4 =	vgt.f32 v39, v12;
	vm8 =	vgt.f32 v19, v5  }
0xa1: {  	v36 =	vsel vm5, v6, v10;
	v37 =	vsel vm4, v12, v39;
	v42 =	vsel vm8, v5, v19  }
0xa2: {  	v18 =	vsel vm6, v17, v5;
	v41 =	vsel vm6, v6, v36;
	vm7 =	vgt.f32 v42, v5  }
0xa3: {  	v17 =	vsel vm5, v10, v6;
	v40 =	vsel vm8, v6, v41;
	v43 =	vsel vm7, v5, v42  }
0xa4: {  	s17 =	simm.s32 $0x20;
	s15 =	simm.s32 $0x100;
	v26 =	vmovc v8;
	v19 =	vsel vm8, v19, v5;
	v10 =	vsel vm7, v40, v6;
	vm9 =	vgt.f32 v43, v5  }
.LBB2_7:
0xa5: {  	s18 =	sand.u32 $0x70, s17  }
0xa6: {  	s19 =	sand.u32 $0x1C00, s15;
	v32 =	vsel vm8, v41, v32;
	v33 =	vsel vm7, v42, v33;
	v34 =	vsel vm9, v43, v34;
	s20 =	smov.u32 s17;
	s16 =	sadd.s32 $0x10, s17  }
0xa7: {  	p0 =	sne.s32 s17, $0x3F0;
	v29 =	vsel vm5, v20, v29;
	v30 =	vsel vm6, v36, v30;
	v36 =	vsel vm7, v38, v40;
	v20 =	vmovc v37;
	s18 =	sor.u32 s18, s19  }
0xa8: {  	v24 =	vsel vm0, v23, v24;
	v37 =	vsel vm2, v9, v25;
	v38 =	vmovc v10;
	v31 =	vsel vm9, v36, v31;
	v23 =	vld [tilespmem:s18+$0x80]  }
0xa9: {  	v14 =	vsel vm1, v27, v14;
	v15 =	vsel vm2, v28, v15;
	v27 =	vsel vm3, v7, v37  }
0xaa: {  	v11 =	vsel vm3, v35, v11;
	v12 =	vsel vm4, v39, v12;
	v8 =	vsel vm4, v27, v8  }
0xab: {  	v16 =	vsel vm0, v21, v16;
	v28 =	vor.u32 s20, v0;
	v7 =	vsel vm3, v37, v7  }
0xac: {  	v13 =	vsel vm1, v22, v13;
	v9 =	vsel vm2, v25, v9;
	v21 =	vcvt.s32.f32 v28  }
0xad: {  	v37 =	vsel vm4, v26, v27;
	v26 =	vmov v8;
	vm0 =	vgt.f32 v23, v24  }
0xae: {  	vm5 =	vgt.f32 v20, v29;
	v27 =	vsel vm0, v24, v23;
	v22 =	vsel vm0, v16, v21  }
0xaf: {  	v35 =	vsel vm5, v29, v20;
	v36 =	vsel vm5, v17, v37;
	vm1 =	vgt.f32 v27, v14  }
0xb0: {  	vm6 =	vgt.f32 v35, v18;
	v28 =	vsel vm1, v14, v27;
	v25 =	vsel vm1, v13, v22  }
0xb1: {  	v40 =	vsel vm6, v18, v35;
	v18 =	vsel vm6, v35, v18;
	vm2 =	vgt.f32 v28, v15  }
.Ltmp2:
0xb2: {  	v17 =	vsel vm5, v37, v17;
	vm8 =	vgt.f32 v40, v19;
	v35 =	vsel vm2, v15, v28;
	(pc) =	sbr.rel @p0 .LBB2_7-.Ltmp2, $4  }
0xb3: {  	v41 =	vsel vm6, v30, v36;
	v42 =	vsel vm8, v19, v40;
	vm3 =	vgt.f32 v35, v11  }
0xb4: {  	v19 =	vsel vm8, v40, v19;
	vm7 =	vgt.f32 v42, v33;
	v39 =	vsel vm3, v11, v35  }
0xb5: {  	v40 =	vsel vm8, v32, v41;
	v43 =	vsel vm7, v33, v42;
	vm4 =	vgt.f32 v39, v12  }
0xb6: {  	s15 =	sadd.s32 $0x80, s15;
	s17 =	smov.u32 s16;
	v10 =	vsel vm7, v40, v10;
	vm9 =	vgt.f32 v43, v34;
	v37 =	vsel vm4, v12, v39  }
0xb7: {  	v24 =	vsel vm0, v23, v24  }
0xb8: {  	v23 =	vperm.xlane v24, v1;
	_ =	sdelay $0x1  }
0xb9: {  	v23 =	vmax.f32 v24, v23  }
0xba: {  	v44 =	vperm.xlane v23, v2;
	_ =	sdelay $0x1  }
0xbb: {  	v23 =	vmax.f32 v23, v44  }
0xbc: {  	v44 =	vperm.xlane v23, v3  }
0xbd: {  	v32 =	vsel vm8, v41, v32  }
0xbe: {  	v33 =	vsel vm7, v42, v33;
	v34 =	vsel vm9, v43, v34;
	v23 =	vmax.f32 v23, v44  }
0xbf: {  	v29 =	vsel vm5, v20, v29;
	v20 =	vsel vm7, v38, v40;
	v61 =	vperm.xlane v23, v4  }
0xc0: {  	v30 =	vsel vm6, v36, v30;
	v62 =	vsel vm2, v9, v25;
	v27 =	vsel vm1, v27, v14  }
0xc1: {  	v63 =	vsel vm2, v28, v15;
	v14 =	vsel vm0, v21, v16;
	v28 =	vmax.f32 v23, v61  }
0xc2: {  	v35 =	vsel vm3, v35, v11;
	v11 =	vsel vm4, v39, v12;
	vm0 =	veq.f32 v24, v28  }
0xc3: {  	v9 =	vsel vm2, v25, v9;
	v31 =	vsel vm9, v20, v31;
	v16 =	vnsel vm0, $0x4E6E6B28, v14  }
0xc4: {  	v15 =	vsel vm3, v7, v62;
	vm5 =	vgt.f32 v37, v29;
	v20 =	vperm.xlane v16, v1  }
0xc5: {  	v12 =	vsel vm3, v62, v7;
	v7 =	vsel vm1, v22, v13;
	v13 =	vsel vm5, v29, v37  }
0xc6: {  	v8 =	vsel vm4, v15, v8;
	vm1 =	vgt.f32 v13, v18;
	v16 =	vmin.f32 v16, v20  }
0xc7: {  	v15 =	vsel vm4, v26, v15;
	v20 =	vsel vm1, v18, v13;
	v21 =	vperm.xlane v16, v2  }
0xc8: {  	v22 =	vsel vm5, v17, v15;
	v15 =	vsel vm5, v15, v17;
	vm2 =	vgt.f32 v20, v19  }
0xc9: {  	v13 =	vsel vm1, v13, v18;
	v23 =	vsel vm2, v19, v20;
	v18 =	vmin.f32 v16, v21  }
0xca: {  	v21 =	vsel vm1, v30, v22;
	vm3 =	vgt.f32 v23, v33;
	v25 =	vperm.xlane v18, v3  }
0xcb: {  	v16 =	vsel vm2, v20, v19;
	v22 =	vsel vm1, v22, v30;
	v26 =	vsel vm2, v32, v21  }
0xcc: {  	v20 =	vsel vm3, v33, v23;
	v19 =	vsel vm3, v23, v33;
	v25 =	vmin.f32 v18, v25  }
0xcd: {  	v17 =	vsel vm3, v26, v10;
	vm15 =	vgt.f32 v20, v34;
	v23 =	vperm.xlane v25, v4  }
0xce: {  	v10 =	vsel vm3, v10, v26;
	v26 =	vmov s14;
	v18 =	vsel vm2, v21, v32  }
0xcf: {  	v20 =	vsel vm15, v20, v34;
	vm1 =	veq.s32 v26, v0;
	v25 =	vmin.f32 v25, v23  }
0xd0: {  	v21 =	vsel vm5, v37, v29;
	v5 =	vsel vm1, v28, v5;
	vm2 =	veq.f32 v14, v25  }
0xd1: {  	v23 =	vsel vm15, v10, v31;
	v6 =	vsel vm1, v25, v6;
	vm0 =	vmand vm0, vm2  }
0xd2: {  	v10 =	vsel vm0, v27, v24;
	v24 =	vsel vm0, v63, v27;
	v25 =	vsel vm0, $0xFF800000, v20  }
0xd3: {  	s15 =	simm.s32 $0x2;
	s14 =	simm.s32 $0x1;
	v26 =	vsel vm0, v35, v63;
	v27 =	vsel vm0, v11, v35;
	v28 =	vperm.xlane v10, v1  }
.LBB2_9:
0xd4: {  	p0 =	sne.s32 s15, $0x9;
	v11 =	vsel vm0, v21, v11;
	v21 =	vsel vm0, v13, v21;
	v13 =	vsel vm0, v16, v13  }
0xd5: {  	v16 =	vsel vm0, v19, v16;
	v19 =	vsel vm0, v20, v19;
	v20 =	vmovc v25;
	v28 =	vmax.f32 v10, v28  }
0xd6: {  	v14 =	vsel vm0, v7, v14;
	v7 =	vsel vm0, v9, v7;
	v29 =	vperm.xlane v28, v2  }
0xd7: {  	v9 =	vsel vm0, v12, v9;
	v12 =	vsel vm0, v8, v12;
	v8 =	vsel vm0, v15, v8  }
0xd8: {  	v15 =	vsel vm0, v22, v15;
	v22 =	vsel vm0, v18, v22;
	v28 =	vmax.f32 v28, v29  }
0xd9: {  	v18 =	vsel vm0, v17, v18;
	v17 =	vsel vm0, v23, v17;
	v29 =	vperm.xlane v28, v3  }
0xda: {  	v23 =	vsel vm0, $0x4E6E6B28, v23  }
0xdb: {  	v28 =	vmax.f32 v28, v29  }
0xdc: {  	v29 =	vperm.xlane v28, v4  }
0xdd: {  	v30 =	vmov s14;
	s14 =	smov.u32 s15  }
0xde: {  	vm0 =	veq.s32 v30, v0;
	v28 =	vmax.f32 v28, v29  }
0xdf: {  	vm1 =	veq.f32 v10, v28;
	v5 =	vsel vm0, v28, v5  }
0xe0: {  	v28 =	vnsel vm1, $0x4E6E6B28, v14  }
0xe1: {  	v29 =	vperm.xlane v28, v1;
	_ =	sdelay $0x1  }
0xe2: {  	v28 =	vmin.f32 v28, v29  }
0xe3: {  	v29 =	vperm.xlane v28, v2;
	_ =	sdelay $0x1  }
0xe4: {  	v28 =	vmin.f32 v28, v29  }
0xe5: {  	v29 =	vperm.xlane v28, v3;
	_ =	sdelay $0x1  }
0xe6: {  	v28 =	vmin.f32 v28, v29  }
0xe7: {  	v29 =	vperm.xlane v28, v4;
	_ =	sdelay $0x1  }
.Ltmp3:
0xe8: {  	v28 =	vmin.f32 v28, v29;
	(pc) =	sbr.rel @p0 .LBB2_9-.Ltmp3, $4  }
0xe9: {  	v6 =	vsel vm0, v28, v6;
	vm0 =	veq.f32 v14, v28  }
0xea: {  	vm0 =	vmand vm1, vm0  }
0xeb: {  	v10 =	vsel vm0, v24, v10;
	v24 =	vsel vm0, v26, v24;
	v25 =	vsel vm0, $0xFF800000, v25  }
0xec: {  	s15 =	sadd.s32 $0x1, s15;
	v26 =	vsel vm0, v27, v26;
	v27 =	vsel vm0, v11, v27;
	v28 =	vperm.xlane v10, v1  }
0xed: {  	_ = 	snop  }
0xee: {  	v8 =	vmax.f32 v10, v28  }
0xef: {  	v9 =	vperm.xlane v8, v2;
	_ =	sdelay $0x1  }
0xf0: {  	v8 =	vmax.f32 v8, v9  }
0xf1: {  	v9 =	vperm.xlane v8, v3;
	_ =	sdelay $0x1  }
0xf2: {  	v8 =	vmax.f32 v8, v9  }
0xf3: {  	v9 =	vperm.xlane v8, v4;
	_ =	sdelay $0x1  }
0xf4: {  	v8 =	vmax.f32 v8, v9  }
0xf5: {  	v7 =	vsel vm0, v7, v14;
	vm0 =	veq.f32 v10, v8  }
0xf6: {  	v7 =	vnsel vm0, $0x4E6E6B28, v7  }
0xf7: {  	v9 =	vperm.xlane v7, v1;
	_ =	sdelay $0x1  }
0xf8: {  	v7 =	vmin.f32 v7, v9  }
0xf9: {  	v9 =	vperm.xlane v7, v2;
	_ =	sdelay $0x1  }
0xfa: {  	v7 =	vmin.f32 v7, v9  }
0xfb: {  	v9 =	vperm.xlane v7, v3;
	_ =	sdelay $0x1  }
0xfc: {  	v7 =	vmin.f32 v7, v9  }
0xfd: {  	v9 =	vperm.xlane v7, v4  }
0xfe: {  	v10 =	vmov s14  }
0xff: {  	vm0 =	veq.s32 v10, v0;
	v7 =	vmin.f32 v7, v9  }
0x100: {  	v6 =	vsel vm0, v7, v6  }
0x101: {  	v6 =	vtrunc.f32 v6  }
0x102: {  	s14 =	simm.s32 $0x0;
	v5 =	vsel vm0, v8, v5;
	v6 =	vcvt.f32.s32 v6  }
0x103: {  	s15 =	sand.u32 $0x70, s14;
	s16 =	sand.u32 $0x1C00, s14;
	[tilespmem:$0x2080] =	vst v5  }
0x104: {  	s30 =	simm.s32 $0x10;
	s31 =	simm.s32 $0x80;
	s15 =	sor.u32 s15, s16;
	[tilespmem:$0x2480] =	vst v6  }
0x105: {  	s17 =	sand.u32 $0x70, s30;
	s16 =	sand.u32 $0x1C00, s31;
	v7 =	vld [tilespmem:s15+$0x100]  }
0x106: {  	s16 =	sor.u32 s17, s16  }
0x107: {  	v32 =	vimm.f32 $1.000000000e+09;
	v33 =	vimm.f32 $-Inf;
	v34 =	vimm.f32 $-Inf;
	v23 =	vld [tilespmem:s16+$0x100]  }
0x108: {  	v29 =	vimm.f32 $-Inf;
	v30 =	vimm.f32 $1.000000000e+09;
	v6 =	vor.u32 s14, v0  }
0x109: {  	v38 =	vimm.f32 $1.000000000e+09;
	v5 =	vimm.f32 $-Inf;
	v10 =	vcvt.s32.f32 v6  }
0x10a: {  	v31 =	vimm.f32 $1.000000000e+09;
	v6 =	vimm.f32 $1.000000000e+09;
	vm0 =	vgt.f32 v7, v5  }
0x10b: {  	v8 =	vsel vm0, v5, v7;
	v13 =	vsel vm0, v6, v10;
	v24 =	vsel vm0, v7, v5  }
0x10c: {  	v16 =	vsel vm0, v10, v6;
	vm1 =	vgt.f32 v8, v5;
	vm0 =	vgt.f32 v23, v24  }
0x10d: {  	v9 =	vsel vm1, v5, v8;
	v17 =	vsel vm1, v6, v13;
	v14 =	vsel vm1, v8, v5  }
0x10e: {  	v13 =	vsel vm1, v13, v6;
	v27 =	vsel vm0, v24, v23;
	vm2 =	vgt.f32 v9, v5  }
0x10f: {  	vm1 =	vgt.f32 v27, v14;
	v11 =	vsel vm2, v5, v9;
	v7 =	vsel vm2, v6, v17  }
0x110: {  	v15 =	vsel vm2, v9, v5;
	v9 =	vor.u32 s30, v0;
	vm3 =	vgt.f32 v11, v5  }
0x111: {  	v28 =	vsel vm1, v14, v27;
	v21 =	vcvt.s32.f32 v9;
	v12 =	vsel vm3, v5, v11  }
0x112: {  	v9 =	vsel vm2, v17, v6;
	vm2 =	vgt.f32 v28, v15;
	vm4 =	vgt.f32 v12, v5  }
0x113: {  	v18 =	vsel vm3, v6, v7;
	v11 =	vsel vm3, v11, v5;
	v20 =	vsel vm4, v5, v12  }
0x114: {  	v7 =	vsel vm3, v7, v6;
	v35 =	vsel vm2, v15, v28;
	vm5 =	vgt.f32 v20, v5  }
0x115: {  	v22 =	vsel vm0, v16, v21;
	vm3 =	vgt.f32 v35, v11;
	v17 =	vsel vm5, v5, v20  }
0x116: {  	v12 =	vsel vm4, v12, v5;
	v8 =	vsel vm4, v18, v6;
	vm6 =	vgt.f32 v17, v5  }
0x117: {  	v10 =	vsel vm4, v6, v18;
	v39 =	vsel vm3, v11, v35;
	v19 =	vsel vm6, v5, v17  }
0x118: {  	v25 =	vsel vm1, v13, v22;
	vm4 =	vgt.f32 v39, v12;
	vm8 =	vgt.f32 v19, v5  }
0x119: {  	v36 =	vsel vm5, v6, v10;
	v37 =	vsel vm4, v12, v39;
	v42 =	vsel vm8, v5, v19  }
0x11a: {  	v18 =	vsel vm6, v17, v5;
	v41 =	vsel vm6, v6, v36;
	vm7 =	vgt.f32 v42, v5  }
0x11b: {  	v17 =	vsel vm5, v10, v6;
	v40 =	vsel vm8, v6, v41;
	v43 =	vsel vm7, v5, v42  }
0x11c: {  	s17 =	simm.s32 $0x20;
	s15 =	simm.s32 $0x100;
	v26 =	vmovc v8;
	v19 =	vsel vm8, v19, v5;
	v10 =	vsel vm7, v40, v6;
	vm9 =	vgt.f32 v43, v5  }
.LBB2_11:
0x11d: {  	s18 =	sand.u32 $0x70, s17  }
0x11e: {  	s19 =	sand.u32 $0x1C00, s15;
	v32 =	vsel vm8, v41, v32;
	v33 =	vsel vm7, v42, v33;
	v34 =	vsel vm9, v43, v34;
	s20 =	smov.u32 s17;
	s16 =	sadd.s32 $0x10, s17  }
0x11f: {  	p0 =	sne.s32 s17, $0x3F0;
	v29 =	vsel vm5, v20, v29;
	v30 =	vsel vm6, v36, v30;
	v36 =	vsel vm7, v38, v40;
	v20 =	vmovc v37;
	s18 =	sor.u32 s18, s19  }
0x120: {  	v24 =	vsel vm0, v23, v24;
	v37 =	vsel vm2, v9, v25;
	v38 =	vmovc v10;
	v31 =	vsel vm9, v36, v31;
	v23 =	vld [tilespmem:s18+$0x100]  }
0x121: {  	v14 =	vsel vm1, v27, v14;
	v15 =	vsel vm2, v28, v15;
	v27 =	vsel vm3, v7, v37  }
0x122: {  	v11 =	vsel vm3, v35, v11;
	v12 =	vsel vm4, v39, v12;
	v8 =	vsel vm4, v27, v8  }
0x123: {  	v16 =	vsel vm0, v21, v16;
	v28 =	vor.u32 s20, v0;
	v7 =	vsel vm3, v37, v7  }
0x124: {  	v13 =	vsel vm1, v22, v13;
	v9 =	vsel vm2, v25, v9;
	v21 =	vcvt.s32.f32 v28  }
0x125: {  	v37 =	vsel vm4, v26, v27;
	v26 =	vmov v8;
	vm0 =	vgt.f32 v23, v24  }
0x126: {  	vm5 =	vgt.f32 v20, v29;
	v27 =	vsel vm0, v24, v23;
	v22 =	vsel vm0, v16, v21  }
0x127: {  	v35 =	vsel vm5, v29, v20;
	v36 =	vsel vm5, v17, v37;
	vm1 =	vgt.f32 v27, v14  }
0x128: {  	vm6 =	vgt.f32 v35, v18;
	v28 =	vsel vm1, v14, v27;
	v25 =	vsel vm1, v13, v22  }
0x129: {  	v40 =	vsel vm6, v18, v35;
	v18 =	vsel vm6, v35, v18;
	vm2 =	vgt.f32 v28, v15  }
.Ltmp4:
0x12a: {  	v17 =	vsel vm5, v37, v17;
	vm8 =	vgt.f32 v40, v19;
	v35 =	vsel vm2, v15, v28;
	(pc) =	sbr.rel @p0 .LBB2_11-.Ltmp4, $4  }
0x12b: {  	v41 =	vsel vm6, v30, v36;
	v42 =	vsel vm8, v19, v40;
	vm3 =	vgt.f32 v35, v11  }
0x12c: {  	v19 =	vsel vm8, v40, v19;
	vm7 =	vgt.f32 v42, v33;
	v39 =	vsel vm3, v11, v35  }
0x12d: {  	v40 =	vsel vm8, v32, v41;
	v43 =	vsel vm7, v33, v42;
	vm4 =	vgt.f32 v39, v12  }
0x12e: {  	s15 =	sadd.s32 $0x80, s15;
	s17 =	smov.u32 s16;
	v10 =	vsel vm7, v40, v10;
	vm9 =	vgt.f32 v43, v34;
	v37 =	vsel vm4, v12, v39  }
0x12f: {  	v24 =	vsel vm0, v23, v24  }
0x130: {  	v23 =	vperm.xlane v24, v1;
	_ =	sdelay $0x1  }
0x131: {  	v23 =	vmax.f32 v24, v23  }
0x132: {  	v44 =	vperm.xlane v23, v2;
	_ =	sdelay $0x1  }
0x133: {  	v23 =	vmax.f32 v23, v44  }
0x134: {  	v44 =	vperm.xlane v23, v3  }
0x135: {  	v32 =	vsel vm8, v41, v32  }
0x136: {  	v33 =	vsel vm7, v42, v33;
	v34 =	vsel vm9, v43, v34;
	v23 =	vmax.f32 v23, v44  }
0x137: {  	v29 =	vsel vm5, v20, v29;
	v20 =	vsel vm7, v38, v40;
	v61 =	vperm.xlane v23, v4  }
0x138: {  	v30 =	vsel vm6, v36, v30;
	v62 =	vsel vm2, v9, v25;
	v27 =	vsel vm1, v27, v14  }
0x139: {  	v63 =	vsel vm2, v28, v15;
	v14 =	vsel vm0, v21, v16;
	v28 =	vmax.f32 v23, v61  }
0x13a: {  	v35 =	vsel vm3, v35, v11;
	v11 =	vsel vm4, v39, v12;
	vm0 =	veq.f32 v24, v28  }
0x13b: {  	v9 =	vsel vm2, v25, v9;
	v31 =	vsel vm9, v20, v31;
	v16 =	vnsel vm0, $0x4E6E6B28, v14  }
0x13c: {  	v15 =	vsel vm3, v7, v62;
	vm5 =	vgt.f32 v37, v29;
	v20 =	vperm.xlane v16, v1  }
0x13d: {  	v12 =	vsel vm3, v62, v7;
	v7 =	vsel vm1, v22, v13;
	v13 =	vsel vm5, v29, v37  }
0x13e: {  	v8 =	vsel vm4, v15, v8;
	vm1 =	vgt.f32 v13, v18;
	v16 =	vmin.f32 v16, v20  }
0x13f: {  	v15 =	vsel vm4, v26, v15;
	v20 =	vsel vm1, v18, v13;
	v21 =	vperm.xlane v16, v2  }
0x140: {  	v22 =	vsel vm5, v17, v15;
	v15 =	vsel vm5, v15, v17;
	vm2 =	vgt.f32 v20, v19  }
0x141: {  	v13 =	vsel vm1, v13, v18;
	v23 =	vsel vm2, v19, v20;
	v18 =	vmin.f32 v16, v21  }
0x142: {  	v21 =	vsel vm1, v30, v22;
	vm3 =	vgt.f32 v23, v33;
	v25 =	vperm.xlane v18, v3  }
0x143: {  	v16 =	vsel vm2, v20, v19;
	v22 =	vsel vm1, v22, v30;
	v26 =	vsel vm2, v32, v21  }
0x144: {  	v20 =	vsel vm3, v33, v23;
	v19 =	vsel vm3, v23, v33;
	v25 =	vmin.f32 v18, v25  }
0x145: {  	v17 =	vsel vm3, v26, v10;
	vm15 =	vgt.f32 v20, v34;
	v23 =	vperm.xlane v25, v4  }
0x146: {  	v10 =	vsel vm3, v10, v26;
	v26 =	vmov s14;
	v18 =	vsel vm2, v21, v32  }
0x147: {  	v20 =	vsel vm15, v20, v34;
	vm1 =	veq.s32 v26, v0;
	v25 =	vmin.f32 v25, v23  }
0x148: {  	v21 =	vsel vm5, v37, v29;
	v5 =	vsel vm1, v28, v5;
	vm2 =	veq.f32 v14, v25  }
0x149: {  	v23 =	vsel vm15, v10, v31;
	v6 =	vsel vm1, v25, v6;
	vm0 =	vmand vm0, vm2  }
0x14a: {  	v10 =	vsel vm0, v27, v24;
	v24 =	vsel vm0, v63, v27;
	v25 =	vsel vm0, $0xFF800000, v20  }
0x14b: {  	s15 =	simm.s32 $0x2;
	s14 =	simm.s32 $0x1;
	v26 =	vsel vm0, v35, v63;
	v27 =	vsel vm0, v11, v35;
	v28 =	vperm.xlane v10, v1  }
.LBB2_13:
0x14c: {  	p0 =	sne.s32 s15, $0x9;
	v11 =	vsel vm0, v21, v11;
	v21 =	vsel vm0, v13, v21;
	v13 =	vsel vm0, v16, v13  }
0x14d: {  	v16 =	vsel vm0, v19, v16;
	v19 =	vsel vm0, v20, v19;
	v20 =	vmovc v25;
	v28 =	vmax.f32 v10, v28  }
0x14e: {  	v14 =	vsel vm0, v7, v14;
	v7 =	vsel vm0, v9, v7;
	v29 =	vperm.xlane v28, v2  }
0x14f: {  	v9 =	vsel vm0, v12, v9;
	v12 =	vsel vm0, v8, v12;
	v8 =	vsel vm0, v15, v8  }
0x150: {  	v15 =	vsel vm0, v22, v15;
	v22 =	vsel vm0, v18, v22;
	v28 =	vmax.f32 v28, v29  }
0x151: {  	v18 =	vsel vm0, v17, v18;
	v17 =	vsel vm0, v23, v17;
	v29 =	vperm.xlane v28, v3  }
0x152: {  	v23 =	vsel vm0, $0x4E6E6B28, v23  }
0x153: {  	v28 =	vmax.f32 v28, v29  }
0x154: {  	v29 =	vperm.xlane v28, v4  }
0x155: {  	v30 =	vmov s14;
	s14 =	smov.u32 s15  }
0x156: {  	vm0 =	veq.s32 v30, v0;
	v28 =	vmax.f32 v28, v29  }
0x157: {  	vm1 =	veq.f32 v10, v28;
	v5 =	vsel vm0, v28, v5  }
0x158: {  	v28 =	vnsel vm1, $0x4E6E6B28, v14  }
0x159: {  	v29 =	vperm.xlane v28, v1;
	_ =	sdelay $0x1  }
0x15a: {  	v28 =	vmin.f32 v28, v29  }
0x15b: {  	v29 =	vperm.xlane v28, v2;
	_ =	sdelay $0x1  }
0x15c: {  	v28 =	vmin.f32 v28, v29  }
0x15d: {  	v29 =	vperm.xlane v28, v3;
	_ =	sdelay $0x1  }
0x15e: {  	v28 =	vmin.f32 v28, v29  }
0x15f: {  	v29 =	vperm.xlane v28, v4;
	_ =	sdelay $0x1  }
.Ltmp5:
0x160: {  	v28 =	vmin.f32 v28, v29;
	(pc) =	sbr.rel @p0 .LBB2_13-.Ltmp5, $4  }
0x161: {  	v6 =	vsel vm0, v28, v6;
	vm0 =	veq.f32 v14, v28  }
0x162: {  	vm0 =	vmand vm1, vm0  }
0x163: {  	v10 =	vsel vm0, v24, v10;
	v24 =	vsel vm0, v26, v24;
	v25 =	vsel vm0, $0xFF800000, v25  }
0x164: {  	s15 =	sadd.s32 $0x1, s15;
	v26 =	vsel vm0, v27, v26;
	v27 =	vsel vm0, v11, v27;
	v28 =	vperm.xlane v10, v1  }
0x165: {  	_ = 	snop  }
0x166: {  	v8 =	vmax.f32 v10, v28  }
0x167: {  	v9 =	vperm.xlane v8, v2;
	_ =	sdelay $0x1  }
0x168: {  	v8 =	vmax.f32 v8, v9  }
0x169: {  	v9 =	vperm.xlane v8, v3;
	_ =	sdelay $0x1  }
0x16a: {  	v8 =	vmax.f32 v8, v9  }
0x16b: {  	v9 =	vperm.xlane v8, v4;
	_ =	sdelay $0x1  }
0x16c: {  	v8 =	vmax.f32 v8, v9  }
0x16d: {  	v7 =	vsel vm0, v7, v14;
	vm0 =	veq.f32 v10, v8  }
0x16e: {  	v7 =	vnsel vm0, $0x4E6E6B28, v7  }
0x16f: {  	v9 =	vperm.xlane v7, v1;
	_ =	sdelay $0x1  }
0x170: {  	v7 =	vmin.f32 v7, v9  }
0x171: {  	v9 =	vperm.xlane v7, v2;
	_ =	sdelay $0x1  }
0x172: {  	v7 =	vmin.f32 v7, v9  }
0x173: {  	v9 =	vperm.xlane v7, v3;
	_ =	sdelay $0x1  }
0x174: {  	v7 =	vmin.f32 v7, v9  }
0x175: {  	v9 =	vperm.xlane v7, v4  }
0x176: {  	v10 =	vmov s14  }
0x177: {  	vm0 =	veq.s32 v10, v0;
	v7 =	vmin.f32 v7, v9  }
0x178: {  	v6 =	vsel vm0, v7, v6  }
0x179: {  	v6 =	vtrunc.f32 v6  }
0x17a: {  	s14 =	simm.s32 $0x0;
	v5 =	vsel vm0, v8, v5;
	v6 =	vcvt.f32.s32 v6  }
0x17b: {  	s15 =	sand.u32 $0x70, s14;
	s16 =	sand.u32 $0x1C00, s14;
	[tilespmem:$0x2100] =	vst v5  }
0x17c: {  	s30 =	simm.s32 $0x10;
	s31 =	simm.s32 $0x80;
	s15 =	sor.u32 s15, s16;
	[tilespmem:$0x2500] =	vst v6  }
0x17d: {  	s17 =	sand.u32 $0x70, s30;
	s16 =	sand.u32 $0x1C00, s31;
	v7 =	vld [tilespmem:s15+$0x180]  }
0x17e: {  	s16 =	sor.u32 s17, s16  }
0x17f: {  	v32 =	vimm.f32 $1.000000000e+09;
	v33 =	vimm.f32 $-Inf;
	v34 =	vimm.f32 $-Inf;
	v23 =	vld [tilespmem:s16+$0x180]  }
0x180: {  	v29 =	vimm.f32 $-Inf;
	v30 =	vimm.f32 $1.000000000e+09;
	v6 =	vor.u32 s14, v0  }
0x181: {  	v38 =	vimm.f32 $1.000000000e+09;
	v5 =	vimm.f32 $-Inf;
	v10 =	vcvt.s32.f32 v6  }
0x182: {  	v31 =	vimm.f32 $1.000000000e+09;
	v6 =	vimm.f32 $1.000000000e+09;
	vm0 =	vgt.f32 v7, v5  }
0x183: {  	v8 =	vsel vm0, v5, v7;
	v13 =	vsel vm0, v6, v10;
	v24 =	vsel vm0, v7, v5  }
0x184: {  	v16 =	vsel vm0, v10, v6;
	vm1 =	vgt.f32 v8, v5;
	vm0 =	vgt.f32 v23, v24  }
0x185: {  	v9 =	vsel vm1, v5, v8;
	v17 =	vsel vm1, v6, v13;
	v14 =	vsel vm1, v8, v5  }
0x186: {  	v13 =	vsel vm1, v13, v6;
	v27 =	vsel vm0, v24, v23;
	vm2 =	vgt.f32 v9, v5  }
0x187: {  	vm1 =	vgt.f32 v27, v14;
	v11 =	vsel vm2, v5, v9;
	v7 =	vsel vm2, v6, v17  }
0x188: {  	v15 =	vsel vm2, v9, v5;
	v9 =	vor.u32 s30, v0;
	vm3 =	vgt.f32 v11, v5  }
0x189: {  	v28 =	vsel vm1, v14, v27;
	v21 =	vcvt.s32.f32 v9;
	v12 =	vsel vm3, v5, v11  }
0x18a: {  	v9 =	vsel vm2, v17, v6;
	vm2 =	vgt.f32 v28, v15;
	vm4 =	vgt.f32 v12, v5  }
0x18b: {  	v18 =	vsel vm3, v6, v7;
	v11 =	vsel vm3, v11, v5;
	v20 =	vsel vm4, v5, v12  }
0x18c: {  	v7 =	vsel vm3, v7, v6;
	v35 =	vsel vm2, v15, v28;
	vm5 =	vgt.f32 v20, v5  }
0x18d: {  	v22 =	vsel vm0, v16, v21;
	vm3 =	vgt.f32 v35, v11;
	v17 =	vsel vm5, v5, v20  }
0x18e: {  	v12 =	vsel vm4, v12, v5;
	v8 =	vsel vm4, v18, v6;
	vm6 =	vgt.f32 v17, v5  }
0x18f: {  	v10 =	vsel vm4, v6, v18;
	v39 =	vsel vm3, v11, v35;
	v19 =	vsel vm6, v5, v17  }
0x190: {  	v25 =	vsel vm1, v13, v22;
	vm4 =	vgt.f32 v39, v12;
	vm8 =	vgt.f32 v19, v5  }
0x191: {  	v36 =	vsel vm5, v6, v10;
	v37 =	vsel vm4, v12, v39;
	v42 =	vsel vm8, v5, v19  }
0x192: {  	v18 =	vsel vm6, v17, v5;
	v41 =	vsel vm6, v6, v36;
	vm7 =	vgt.f32 v42, v5  }
0x193: {  	v17 =	vsel vm5, v10, v6;
	v40 =	vsel vm8, v6, v41;
	v43 =	vsel vm7, v5, v42  }
0x194: {  	s17 =	simm.s32 $0x20;
	s15 =	simm.s32 $0x100;
	v26 =	vmovc v8;
	v19 =	vsel vm8, v19, v5;
	v10 =	vsel vm7, v40, v6;
	vm9 =	vgt.f32 v43, v5  }
.LBB2_15:
0x195: {  	s18 =	sand.u32 $0x70, s17  }
0x196: {  	s19 =	sand.u32 $0x1C00, s15;
	v32 =	vsel vm8, v41, v32;
	v33 =	vsel vm7, v42, v33;
	v34 =	vsel vm9, v43, v34;
	s20 =	smov.u32 s17;
	s16 =	sadd.s32 $0x10, s17  }
0x197: {  	p0 =	sne.s32 s17, $0x3F0;
	v29 =	vsel vm5, v20, v29;
	v30 =	vsel vm6, v36, v30;
	v36 =	vsel vm7, v38, v40;
	v20 =	vmovc v37;
	s18 =	sor.u32 s18, s19  }
0x198: {  	v24 =	vsel vm0, v23, v24;
	v37 =	vsel vm2, v9, v25;
	v38 =	vmovc v10;
	v31 =	vsel vm9, v36, v31;
	v23 =	vld [tilespmem:s18+$0x180]  }
0x199: {  	v14 =	vsel vm1, v27, v14;
	v15 =	vsel vm2, v28, v15;
	v27 =	vsel vm3, v7, v37  }
0x19a: {  	v11 =	vsel vm3, v35, v11;
	v12 =	vsel vm4, v39, v12;
	v8 =	vsel vm4, v27, v8  }
0x19b: {  	v16 =	vsel vm0, v21, v16;
	v28 =	vor.u32 s20, v0;
	v7 =	vsel vm3, v37, v7  }
0x19c: {  	v13 =	vsel vm1, v22, v13;
	v9 =	vsel vm2, v25, v9;
	v21 =	vcvt.s32.f32 v28  }
0x19d: {  	v37 =	vsel vm4, v26, v27;
	v26 =	vmov v8;
	vm0 =	vgt.f32 v23, v24  }
0x19e: {  	vm5 =	vgt.f32 v20, v29;
	v27 =	vsel vm0, v24, v23;
	v22 =	vsel vm0, v16, v21  }
0x19f: {  	v35 =	vsel vm5, v29, v20;
	v36 =	vsel vm5, v17, v37;
	vm1 =	vgt.f32 v27, v14  }
0x1a0: {  	vm6 =	vgt.f32 v35, v18;
	v28 =	vsel vm1, v14, v27;
	v25 =	vsel vm1, v13, v22  }
0x1a1: {  	v40 =	vsel vm6, v18, v35;
	v18 =	vsel vm6, v35, v18;
	vm2 =	vgt.f32 v28, v15  }
.Ltmp6:
0x1a2: {  	v17 =	vsel vm5, v37, v17;
	vm8 =	vgt.f32 v40, v19;
	v35 =	vsel vm2, v15, v28;
	(pc) =	sbr.rel @p0 .LBB2_15-.Ltmp6, $4  }
0x1a3: {  	v41 =	vsel vm6, v30, v36;
	v42 =	vsel vm8, v19, v40;
	vm3 =	vgt.f32 v35, v11  }
0x1a4: {  	v19 =	vsel vm8, v40, v19;
	vm7 =	vgt.f32 v42, v33;
	v39 =	vsel vm3, v11, v35  }
0x1a5: {  	v40 =	vsel vm8, v32, v41;
	v43 =	vsel vm7, v33, v42;
	vm4 =	vgt.f32 v39, v12  }
0x1a6: {  	s15 =	sadd.s32 $0x80, s15;
	s17 =	smov.u32 s16;
	v10 =	vsel vm7, v40, v10;
	vm9 =	vgt.f32 v43, v34;
	v37 =	vsel vm4, v12, v39  }
0x1a7: {  	v24 =	vsel vm0, v23, v24  }
0x1a8: {  	v23 =	vperm.xlane v24, v1;
	_ =	sdelay $0x1  }
0x1a9: {  	v23 =	vmax.f32 v24, v23  }
0x1aa: {  	v44 =	vperm.xlane v23, v2;
	_ =	sdelay $0x1  }
0x1ab: {  	v23 =	vmax.f32 v23, v44  }
0x1ac: {  	v44 =	vperm.xlane v23, v3  }
0x1ad: {  	v32 =	vsel vm8, v41, v32  }
0x1ae: {  	v33 =	vsel vm7, v42, v33;
	v34 =	vsel vm9, v43, v34;
	v23 =	vmax.f32 v23, v44  }
0x1af: {  	v29 =	vsel vm5, v20, v29;
	v20 =	vsel vm7, v38, v40;
	v61 =	vperm.xlane v23, v4  }
0x1b0: {  	v30 =	vsel vm6, v36, v30;
	v62 =	vsel vm2, v9, v25;
	v27 =	vsel vm1, v27, v14  }
0x1b1: {  	v63 =	vsel vm2, v28, v15;
	v14 =	vsel vm0, v21, v16;
	v28 =	vmax.f32 v23, v61  }
0x1b2: {  	v35 =	vsel vm3, v35, v11;
	v11 =	vsel vm4, v39, v12;
	vm0 =	veq.f32 v24, v28  }
0x1b3: {  	v9 =	vsel vm2, v25, v9;
	v31 =	vsel vm9, v20, v31;
	v16 =	vnsel vm0, $0x4E6E6B28, v14  }
0x1b4: {  	v15 =	vsel vm3, v7, v62;
	vm5 =	vgt.f32 v37, v29;
	v20 =	vperm.xlane v16, v1  }
0x1b5: {  	v12 =	vsel vm3, v62, v7;
	v7 =	vsel vm1, v22, v13;
	v13 =	vsel vm5, v29, v37  }
0x1b6: {  	v8 =	vsel vm4, v15, v8;
	vm1 =	vgt.f32 v13, v18;
	v16 =	vmin.f32 v16, v20  }
0x1b7: {  	v15 =	vsel vm4, v26, v15;
	v20 =	vsel vm1, v18, v13;
	v21 =	vperm.xlane v16, v2  }
0x1b8: {  	v22 =	vsel vm5, v17, v15;
	v15 =	vsel vm5, v15, v17;
	vm2 =	vgt.f32 v20, v19  }
0x1b9: {  	v13 =	vsel vm1, v13, v18;
	v23 =	vsel vm2, v19, v20;
	v18 =	vmin.f32 v16, v21  }
0x1ba: {  	v21 =	vsel vm1, v30, v22;
	vm3 =	vgt.f32 v23, v33;
	v25 =	vperm.xlane v18, v3  }
0x1bb: {  	v16 =	vsel vm2, v20, v19;
	v22 =	vsel vm1, v22, v30;
	v26 =	vsel vm2, v32, v21  }
0x1bc: {  	v20 =	vsel vm3, v33, v23;
	v19 =	vsel vm3, v23, v33;
	v25 =	vmin.f32 v18, v25  }
0x1bd: {  	v17 =	vsel vm3, v26, v10;
	vm15 =	vgt.f32 v20, v34;
	v23 =	vperm.xlane v25, v4  }
0x1be: {  	v10 =	vsel vm3, v10, v26;
	v26 =	vmov s14;
	v18 =	vsel vm2, v21, v32  }
0x1bf: {  	v20 =	vsel vm15, v20, v34;
	vm1 =	veq.s32 v26, v0;
	v25 =	vmin.f32 v25, v23  }
0x1c0: {  	v21 =	vsel vm5, v37, v29;
	v5 =	vsel vm1, v28, v5;
	vm2 =	veq.f32 v14, v25  }
0x1c1: {  	v23 =	vsel vm15, v10, v31;
	v6 =	vsel vm1, v25, v6;
	vm0 =	vmand vm0, vm2  }
0x1c2: {  	v10 =	vsel vm0, v27, v24;
	v24 =	vsel vm0, v63, v27;
	v25 =	vsel vm0, $0xFF800000, v20  }
0x1c3: {  	s15 =	simm.s32 $0x2;
	s14 =	simm.s32 $0x1;
	v26 =	vsel vm0, v35, v63;
	v27 =	vsel vm0, v11, v35;
	v28 =	vperm.xlane v10, v1  }
.LBB2_17:
0x1c4: {  	p0 =	sne.s32 s15, $0x9;
	v11 =	vsel vm0, v21, v11;
	v21 =	vsel vm0, v13, v21;
	v13 =	vsel vm0, v16, v13  }
0x1c5: {  	v16 =	vsel vm0, v19, v16;
	v19 =	vsel vm0, v20, v19;
	v20 =	vmovc v25;
	v28 =	vmax.f32 v10, v28  }
0x1c6: {  	v14 =	vsel vm0, v7, v14;
	v7 =	vsel vm0, v9, v7;
	v29 =	vperm.xlane v28, v2  }
0x1c7: {  	v9 =	vsel vm0, v12, v9;
	v12 =	vsel vm0, v8, v12;
	v8 =	vsel vm0, v15, v8  }
0x1c8: {  	v15 =	vsel vm0, v22, v15;
	v22 =	vsel vm0, v18, v22;
	v28 =	vmax.f32 v28, v29  }
0x1c9: {  	v18 =	vsel vm0, v17, v18;
	v17 =	vsel vm0, v23, v17;
	v29 =	vperm.xlane v28, v3  }
0x1ca: {  	v23 =	vsel vm0, $0x4E6E6B28, v23  }
0x1cb: {  	v28 =	vmax.f32 v28, v29  }
0x1cc: {  	v29 =	vperm.xlane v28, v4  }
0x1cd: {  	v30 =	vmov s14;
	s14 =	smov.u32 s15  }
0x1ce: {  	vm0 =	veq.s32 v30, v0;
	v28 =	vmax.f32 v28, v29  }
0x1cf: {  	vm1 =	veq.f32 v10, v28;
	v5 =	vsel vm0, v28, v5  }
0x1d0: {  	v28 =	vnsel vm1, $0x4E6E6B28, v14  }
0x1d1: {  	v29 =	vperm.xlane v28, v1;
	_ =	sdelay $0x1  }
0x1d2: {  	v28 =	vmin.f32 v28, v29  }
0x1d3: {  	v29 =	vperm.xlane v28, v2;
	_ =	sdelay $0x1  }
0x1d4: {  	v28 =	vmin.f32 v28, v29  }
0x1d5: {  	v29 =	vperm.xlane v28, v3;
	_ =	sdelay $0x1  }
0x1d6: {  	v28 =	vmin.f32 v28, v29  }
0x1d7: {  	v29 =	vperm.xlane v28, v4;
	_ =	sdelay $0x1  }
.Ltmp7:
0x1d8: {  	v28 =	vmin.f32 v28, v29;
	(pc) =	sbr.rel @p0 .LBB2_17-.Ltmp7, $4  }
0x1d9: {  	v6 =	vsel vm0, v28, v6;
	vm0 =	veq.f32 v14, v28  }
0x1da: {  	vm0 =	vmand vm1, vm0  }
0x1db: {  	v10 =	vsel vm0, v24, v10;
	v24 =	vsel vm0, v26, v24;
	v25 =	vsel vm0, $0xFF800000, v25  }
0x1dc: {  	s15 =	sadd.s32 $0x1, s15;
	v26 =	vsel vm0, v27, v26;
	v27 =	vsel vm0, v11, v27;
	v28 =	vperm.xlane v10, v1  }
0x1dd: {  	_ = 	snop  }
0x1de: {  	v8 =	vmax.f32 v10, v28  }
0x1df: {  	v9 =	vperm.xlane v8, v2;
	_ =	sdelay $0x1  }
0x1e0: {  	v8 =	vmax.f32 v8, v9  }
0x1e1: {  	v9 =	vperm.xlane v8, v3;
	_ =	sdelay $0x1  }
0x1e2: {  	v8 =	vmax.f32 v8, v9  }
0x1e3: {  	v9 =	vperm.xlane v8, v4;
	_ =	sdelay $0x1  }
0x1e4: {  	v8 =	vmax.f32 v8, v9  }
0x1e5: {  	v7 =	vsel vm0, v7, v14;
	vm0 =	veq.f32 v10, v8  }
0x1e6: {  	v7 =	vnsel vm0, $0x4E6E6B28, v7  }
0x1e7: {  	v9 =	vperm.xlane v7, v1;
	_ =	sdelay $0x1  }
0x1e8: {  	v7 =	vmin.f32 v7, v9  }
0x1e9: {  	v9 =	vperm.xlane v7, v2;
	_ =	sdelay $0x1  }
0x1ea: {  	v7 =	vmin.f32 v7, v9  }
0x1eb: {  	v9 =	vperm.xlane v7, v3;
	_ =	sdelay $0x1  }
0x1ec: {  	v7 =	vmin.f32 v7, v9  }
0x1ed: {  	v9 =	vperm.xlane v7, v4  }
0x1ee: {  	v10 =	vmov s14  }
0x1ef: {  	vm0 =	veq.s32 v10, v0;
	v7 =	vmin.f32 v7, v9  }
0x1f0: {  	v6 =	vsel vm0, v7, v6  }
0x1f1: {  	v6 =	vtrunc.f32 v6  }
0x1f2: {  	s14 =	simm.s32 $0x0;
	v5 =	vsel vm0, v8, v5;
	v6 =	vcvt.f32.s32 v6  }
0x1f3: {  	s15 =	sand.u32 $0x70, s14;
	s16 =	sand.u32 $0x1C00, s14;
	[tilespmem:$0x2180] =	vst v5  }
0x1f4: {  	s30 =	simm.s32 $0x10;
	s31 =	simm.s32 $0x80;
	s15 =	sor.u32 s15, s16;
	[tilespmem:$0x2580] =	vst v6  }
0x1f5: {  	s17 =	sand.u32 $0x70, s30;
	s16 =	sand.u32 $0x1C00, s31;
	v7 =	vld [tilespmem:s15+$0x200]  }
0x1f6: {  	s16 =	sor.u32 s17, s16  }
0x1f7: {  	v32 =	vimm.f32 $1.000000000e+09;
	v33 =	vimm.f32 $-Inf;
	v34 =	vimm.f32 $-Inf;
	v23 =	vld [tilespmem:s16+$0x200]  }
0x1f8: {  	v29 =	vimm.f32 $-Inf;
	v30 =	vimm.f32 $1.000000000e+09;
	v6 =	vor.u32 s14, v0  }
0x1f9: {  	v38 =	vimm.f32 $1.000000000e+09;
	v5 =	vimm.f32 $-Inf;
	v10 =	vcvt.s32.f32 v6  }
0x1fa: {  	v31 =	vimm.f32 $1.000000000e+09;
	v6 =	vimm.f32 $1.000000000e+09;
	vm0 =	vgt.f32 v7, v5  }
0x1fb: {  	v8 =	vsel vm0, v5, v7;
	v13 =	vsel vm0, v6, v10;
	v24 =	vsel vm0, v7, v5  }
0x1fc: {  	v16 =	vsel vm0, v10, v6;
	vm1 =	vgt.f32 v8, v5;
	vm0 =	vgt.f32 v23, v24  }
0x1fd: {  	v9 =	vsel vm1, v5, v8;
	v17 =	vsel vm1, v6, v13;
	v14 =	vsel vm1, v8, v5  }
0x1fe: {  	v13 =	vsel vm1, v13, v6;
	v27 =	vsel vm0, v24, v23;
	vm2 =	vgt.f32 v9, v5  }
0x1ff: {  	vm1 =	vgt.f32 v27, v14;
	v11 =	vsel vm2, v5, v9;
	v7 =	vsel vm2, v6, v17  }
0x200: {  	v15 =	vsel vm2, v9, v5;
	v9 =	vor.u32 s30, v0;
	vm3 =	vgt.f32 v11, v5  }
0x201: {  	v28 =	vsel vm1, v14, v27;
	v21 =	vcvt.s32.f32 v9;
	v12 =	vsel vm3, v5, v11  }
0x202: {  	v9 =	vsel vm2, v17, v6;
	vm2 =	vgt.f32 v28, v15;
	vm4 =	vgt.f32 v12, v5  }
0x203: {  	v18 =	vsel vm3, v6, v7;
	v11 =	vsel vm3, v11, v5;
	v20 =	vsel vm4, v5, v12  }
0x204: {  	v7 =	vsel vm3, v7, v6;
	v35 =	vsel vm2, v15, v28;
	vm5 =	vgt.f32 v20, v5  }
0x205: {  	v22 =	vsel vm0, v16, v21;
	vm3 =	vgt.f32 v35, v11;
	v17 =	vsel vm5, v5, v20  }
0x206: {  	v12 =	vsel vm4, v12, v5;
	v8 =	vsel vm4, v18, v6;
	vm6 =	vgt.f32 v17, v5  }
0x207: {  	v10 =	vsel vm4, v6, v18;
	v39 =	vsel vm3, v11, v35;
	v19 =	vsel vm6, v5, v17  }
0x208: {  	v25 =	vsel vm1, v13, v22;
	vm4 =	vgt.f32 v39, v12;
	vm8 =	vgt.f32 v19, v5  }
0x209: {  	v36 =	vsel vm5, v6, v10;
	v37 =	vsel vm4, v12, v39;
	v42 =	vsel vm8, v5, v19  }
0x20a: {  	v18 =	vsel vm6, v17, v5;
	v41 =	vsel vm6, v6, v36;
	vm7 =	vgt.f32 v42, v5  }
0x20b: {  	v17 =	vsel vm5, v10, v6;
	v40 =	vsel vm8, v6, v41;
	v43 =	vsel vm7, v5, v42  }
0x20c: {  	s17 =	simm.s32 $0x20;
	s15 =	simm.s32 $0x100;
	v26 =	vmovc v8;
	v19 =	vsel vm8, v19, v5;
	v10 =	vsel vm7, v40, v6;
	vm9 =	vgt.f32 v43, v5  }
.LBB2_19:
0x20d: {  	s18 =	sand.u32 $0x70, s17  }
0x20e: {  	s19 =	sand.u32 $0x1C00, s15;
	v32 =	vsel vm8, v41, v32;
	v33 =	vsel vm7, v42, v33;
	v34 =	vsel vm9, v43, v34;
	s20 =	smov.u32 s17;
	s16 =	sadd.s32 $0x10, s17  }
0x20f: {  	p0 =	sne.s32 s17, $0x3F0;
	v29 =	vsel vm5, v20, v29;
	v30 =	vsel vm6, v36, v30;
	v36 =	vsel vm7, v38, v40;
	v20 =	vmovc v37;
	s18 =	sor.u32 s18, s19  }
0x210: {  	v24 =	vsel vm0, v23, v24;
	v37 =	vsel vm2, v9, v25;
	v38 =	vmovc v10;
	v31 =	vsel vm9, v36, v31;
	v23 =	vld [tilespmem:s18+$0x200]  }
0x211: {  	v14 =	vsel vm1, v27, v14;
	v15 =	vsel vm2, v28, v15;
	v27 =	vsel vm3, v7, v37  }
0x212: {  	v11 =	vsel vm3, v35, v11;
	v12 =	vsel vm4, v39, v12;
	v8 =	vsel vm4, v27, v8  }
0x213: {  	v16 =	vsel vm0, v21, v16;
	v28 =	vor.u32 s20, v0;
	v7 =	vsel vm3, v37, v7  }
0x214: {  	v13 =	vsel vm1, v22, v13;
	v9 =	vsel vm2, v25, v9;
	v21 =	vcvt.s32.f32 v28  }
0x215: {  	v37 =	vsel vm4, v26, v27;
	v26 =	vmov v8;
	vm0 =	vgt.f32 v23, v24  }
0x216: {  	vm5 =	vgt.f32 v20, v29;
	v27 =	vsel vm0, v24, v23;
	v22 =	vsel vm0, v16, v21  }
0x217: {  	v35 =	vsel vm5, v29, v20;
	v36 =	vsel vm5, v17, v37;
	vm1 =	vgt.f32 v27, v14  }
0x218: {  	vm6 =	vgt.f32 v35, v18;
	v28 =	vsel vm1, v14, v27;
	v25 =	vsel vm1, v13, v22  }
0x219: {  	v40 =	vsel vm6, v18, v35;
	v18 =	vsel vm6, v35, v18;
	vm2 =	vgt.f32 v28, v15  }
.Ltmp8:
0x21a: {  	v17 =	vsel vm5, v37, v17;
	vm8 =	vgt.f32 v40, v19;
	v35 =	vsel vm2, v15, v28;
	(pc) =	sbr.rel @p0 .LBB2_19-.Ltmp8, $4  }
0x21b: {  	v41 =	vsel vm6, v30, v36;
	v42 =	vsel vm8, v19, v40;
	vm3 =	vgt.f32 v35, v11  }
0x21c: {  	v19 =	vsel vm8, v40, v19;
	vm7 =	vgt.f32 v42, v33;
	v39 =	vsel vm3, v11, v35  }
0x21d: {  	v40 =	vsel vm8, v32, v41;
	v43 =	vsel vm7, v33, v42;
	vm4 =	vgt.f32 v39, v12  }
0x21e: {  	s15 =	sadd.s32 $0x80, s15;
	s17 =	smov.u32 s16;
	v10 =	vsel vm7, v40, v10;
	vm9 =	vgt.f32 v43, v34;
	v37 =	vsel vm4, v12, v39  }
0x21f: {  	v24 =	vsel vm0, v23, v24  }
0x220: {  	v23 =	vperm.xlane v24, v1;
	_ =	sdelay $0x1  }
0x221: {  	v23 =	vmax.f32 v24, v23  }
0x222: {  	v44 =	vperm.xlane v23, v2;
	_ =	sdelay $0x1  }
0x223: {  	v23 =	vmax.f32 v23, v44  }
0x224: {  	v44 =	vperm.xlane v23, v3  }
0x225: {  	v32 =	vsel vm8, v41, v32  }
0x226: {  	v33 =	vsel vm7, v42, v33;
	v34 =	vsel vm9, v43, v34;
	v23 =	vmax.f32 v23, v44  }
0x227: {  	v29 =	vsel vm5, v20, v29;
	v20 =	vsel vm7, v38, v40;
	v61 =	vperm.xlane v23, v4  }
0x228: {  	v30 =	vsel vm6, v36, v30;
	v62 =	vsel vm2, v9, v25;
	v27 =	vsel vm1, v27, v14  }
0x229: {  	v63 =	vsel vm2, v28, v15;
	v14 =	vsel vm0, v21, v16;
	v28 =	vmax.f32 v23, v61  }
0x22a: {  	v35 =	vsel vm3, v35, v11;
	v11 =	vsel vm4, v39, v12;
	vm0 =	veq.f32 v24, v28  }
0x22b: {  	v9 =	vsel vm2, v25, v9;
	v31 =	vsel vm9, v20, v31;
	v16 =	vnsel vm0, $0x4E6E6B28, v14  }
0x22c: {  	v15 =	vsel vm3, v7, v62;
	vm5 =	vgt.f32 v37, v29;
	v20 =	vperm.xlane v16, v1  }
0x22d: {  	v12 =	vsel vm3, v62, v7;
	v7 =	vsel vm1, v22, v13;
	v13 =	vsel vm5, v29, v37  }
0x22e: {  	v8 =	vsel vm4, v15, v8;
	vm1 =	vgt.f32 v13, v18;
	v16 =	vmin.f32 v16, v20  }
0x22f: {  	v15 =	vsel vm4, v26, v15;
	v20 =	vsel vm1, v18, v13;
	v21 =	vperm.xlane v16, v2  }
0x230: {  	v22 =	vsel vm5, v17, v15;
	v15 =	vsel vm5, v15, v17;
	vm2 =	vgt.f32 v20, v19  }
0x231: {  	v13 =	vsel vm1, v13, v18;
	v23 =	vsel vm2, v19, v20;
	v18 =	vmin.f32 v16, v21  }
0x232: {  	v21 =	vsel vm1, v30, v22;
	vm3 =	vgt.f32 v23, v33;
	v25 =	vperm.xlane v18, v3  }
0x233: {  	v16 =	vsel vm2, v20, v19;
	v22 =	vsel vm1, v22, v30;
	v26 =	vsel vm2, v32, v21  }
0x234: {  	v20 =	vsel vm3, v33, v23;
	v19 =	vsel vm3, v23, v33;
	v25 =	vmin.f32 v18, v25  }
0x235: {  	v17 =	vsel vm3, v26, v10;
	vm15 =	vgt.f32 v20, v34;
	v23 =	vperm.xlane v25, v4  }
0x236: {  	v10 =	vsel vm3, v10, v26;
	v26 =	vmov s14;
	v18 =	vsel vm2, v21, v32  }
0x237: {  	v20 =	vsel vm15, v20, v34;
	vm1 =	veq.s32 v26, v0;
	v25 =	vmin.f32 v25, v23  }
0x238: {  	v21 =	vsel vm5, v37, v29;
	v5 =	vsel vm1, v28, v5;
	vm2 =	veq.f32 v14, v25  }
0x239: {  	v23 =	vsel vm15, v10, v31;
	v6 =	vsel vm1, v25, v6;
	vm0 =	vmand vm0, vm2  }
0x23a: {  	v10 =	vsel vm0, v27, v24;
	v24 =	vsel vm0, v63, v27;
	v25 =	vsel vm0, $0xFF800000, v20  }
0x23b: {  	s15 =	simm.s32 $0x2;
	s14 =	simm.s32 $0x1;
	v26 =	vsel vm0, v35, v63;
	v27 =	vsel vm0, v11, v35;
	v28 =	vperm.xlane v10, v1  }
.LBB2_21:
0x23c: {  	p0 =	sne.s32 s15, $0x9;
	v11 =	vsel vm0, v21, v11;
	v21 =	vsel vm0, v13, v21;
	v13 =	vsel vm0, v16, v13  }
0x23d: {  	v16 =	vsel vm0, v19, v16;
	v19 =	vsel vm0, v20, v19;
	v20 =	vmovc v25;
	v28 =	vmax.f32 v10, v28  }
0x23e: {  	v14 =	vsel vm0, v7, v14;
	v7 =	vsel vm0, v9, v7;
	v29 =	vperm.xlane v28, v2  }
0x23f: {  	v9 =	vsel vm0, v12, v9;
	v12 =	vsel vm0, v8, v12;
	v8 =	vsel vm0, v15, v8  }
0x240: {  	v15 =	vsel vm0, v22, v15;
	v22 =	vsel vm0, v18, v22;
	v28 =	vmax.f32 v28, v29  }
0x241: {  	v18 =	vsel vm0, v17, v18;
	v17 =	vsel vm0, v23, v17;
	v29 =	vperm.xlane v28, v3  }
0x242: {  	v23 =	vsel vm0, $0x4E6E6B28, v23  }
0x243: {  	v28 =	vmax.f32 v28, v29  }
0x244: {  	v29 =	vperm.xlane v28, v4  }
0x245: {  	v30 =	vmov s14;
	s14 =	smov.u32 s15  }
0x246: {  	vm0 =	veq.s32 v30, v0;
	v28 =	vmax.f32 v28, v29  }
0x247: {  	vm1 =	veq.f32 v10, v28;
	v5 =	vsel vm0, v28, v5  }
0x248: {  	v28 =	vnsel vm1, $0x4E6E6B28, v14  }
0x249: {  	v29 =	vperm.xlane v28, v1;
	_ =	sdelay $0x1  }
0x24a: {  	v28 =	vmin.f32 v28, v29  }
0x24b: {  	v29 =	vperm.xlane v28, v2;
	_ =	sdelay $0x1  }
0x24c: {  	v28 =	vmin.f32 v28, v29  }
0x24d: {  	v29 =	vperm.xlane v28, v3;
	_ =	sdelay $0x1  }
0x24e: {  	v28 =	vmin.f32 v28, v29  }
0x24f: {  	v29 =	vperm.xlane v28, v4;
	_ =	sdelay $0x1  }
.Ltmp9:
0x250: {  	v28 =	vmin.f32 v28, v29;
	(pc) =	sbr.rel @p0 .LBB2_21-.Ltmp9, $4  }
0x251: {  	v6 =	vsel vm0, v28, v6;
	vm0 =	veq.f32 v14, v28  }
0x252: {  	vm0 =	vmand vm1, vm0  }
0x253: {  	v10 =	vsel vm0, v24, v10;
	v24 =	vsel vm0, v26, v24;
	v25 =	vsel vm0, $0xFF800000, v25  }
0x254: {  	s15 =	sadd.s32 $0x1, s15;
	v26 =	vsel vm0, v27, v26;
	v27 =	vsel vm0, v11, v27;
	v28 =	vperm.xlane v10, v1  }
0x255: {  	_ = 	snop  }
0x256: {  	v8 =	vmax.f32 v10, v28  }
0x257: {  	v9 =	vperm.xlane v8, v2;
	_ =	sdelay $0x1  }
0x258: {  	v8 =	vmax.f32 v8, v9  }
0x259: {  	v9 =	vperm.xlane v8, v3;
	_ =	sdelay $0x1  }
0x25a: {  	v8 =	vmax.f32 v8, v9  }
0x25b: {  	v9 =	vperm.xlane v8, v4;
	_ =	sdelay $0x1  }
0x25c: {  	v8 =	vmax.f32 v8, v9  }
0x25d: {  	v7 =	vsel vm0, v7, v14;
	vm0 =	veq.f32 v10, v8  }
0x25e: {  	v7 =	vnsel vm0, $0x4E6E6B28, v7  }
0x25f: {  	v9 =	vperm.xlane v7, v1;
	_ =	sdelay $0x1  }
0x260: {  	v7 =	vmin.f32 v7, v9  }
0x261: {  	v9 =	vperm.xlane v7, v2;
	_ =	sdelay $0x1  }
0x262: {  	v7 =	vmin.f32 v7, v9  }
0x263: {  	v9 =	vperm.xlane v7, v3;
	_ =	sdelay $0x1  }
0x264: {  	v7 =	vmin.f32 v7, v9  }
0x265: {  	v9 =	vperm.xlane v7, v4  }
0x266: {  	v10 =	vmov s14  }
0x267: {  	vm0 =	veq.s32 v10, v0;
	v7 =	vmin.f32 v7, v9  }
0x268: {  	v6 =	vsel vm0, v7, v6  }
0x269: {  	v6 =	vtrunc.f32 v6  }
0x26a: {  	s14 =	simm.s32 $0x0;
	v5 =	vsel vm0, v8, v5;
	v6 =	vcvt.f32.s32 v6  }
0x26b: {  	s15 =	sand.u32 $0x70, s14;
	s16 =	sand.u32 $0x1C00, s14;
	[tilespmem:$0x2200] =	vst v5  }
0x26c: {  	s30 =	simm.s32 $0x10;
	s31 =	simm.s32 $0x80;
	s15 =	sor.u32 s15, s16;
	[tilespmem:$0x2600] =	vst v6  }
0x26d: {  	s17 =	sand.u32 $0x70, s30;
	s16 =	sand.u32 $0x1C00, s31;
	v7 =	vld [tilespmem:s15+$0x280]  }
0x26e: {  	s16 =	sor.u32 s17, s16  }
0x26f: {  	v32 =	vimm.f32 $1.000000000e+09;
	v33 =	vimm.f32 $-Inf;
	v34 =	vimm.f32 $-Inf;
	v23 =	vld [tilespmem:s16+$0x280]  }
0x270: {  	v29 =	vimm.f32 $-Inf;
	v30 =	vimm.f32 $1.000000000e+09;
	v6 =	vor.u32 s14, v0  }
0x271: {  	v38 =	vimm.f32 $1.000000000e+09;
	v5 =	vimm.f32 $-Inf;
	v10 =	vcvt.s32.f32 v6  }
0x272: {  	v31 =	vimm.f32 $1.000000000e+09;
	v6 =	vimm.f32 $1.000000000e+09;
	vm0 =	vgt.f32 v7, v5  }
0x273: {  	v8 =	vsel vm0, v5, v7;
	v13 =	vsel vm0, v6, v10;
	v24 =	vsel vm0, v7, v5  }
0x274: {  	v16 =	vsel vm0, v10, v6;
	vm1 =	vgt.f32 v8, v5;
	vm0 =	vgt.f32 v23, v24  }
0x275: {  	v9 =	vsel vm1, v5, v8;
	v17 =	vsel vm1, v6, v13;
	v14 =	vsel vm1, v8, v5  }
0x276: {  	v13 =	vsel vm1, v13, v6;
	v27 =	vsel vm0, v24, v23;
	vm2 =	vgt.f32 v9, v5  }
0x277: {  	vm1 =	vgt.f32 v27, v14;
	v11 =	vsel vm2, v5, v9;
	v7 =	vsel vm2, v6, v17  }
0x278: {  	v15 =	vsel vm2, v9, v5;
	v9 =	vor.u32 s30, v0;
	vm3 =	vgt.f32 v11, v5  }
0x279: {  	v28 =	vsel vm1, v14, v27;
	v21 =	vcvt.s32.f32 v9;
	v12 =	vsel vm3, v5, v11  }
0x27a: {  	v9 =	vsel vm2, v17, v6;
	vm2 =	vgt.f32 v28, v15;
	vm4 =	vgt.f32 v12, v5  }
0x27b: {  	v18 =	vsel vm3, v6, v7;
	v11 =	vsel vm3, v11, v5;
	v20 =	vsel vm4, v5, v12  }
0x27c: {  	v7 =	vsel vm3, v7, v6;
	v35 =	vsel vm2, v15, v28;
	vm5 =	vgt.f32 v20, v5  }
0x27d: {  	v22 =	vsel vm0, v16, v21;
	vm3 =	vgt.f32 v35, v11;
	v17 =	vsel vm5, v5, v20  }
0x27e: {  	v12 =	vsel vm4, v12, v5;
	v8 =	vsel vm4, v18, v6;
	vm6 =	vgt.f32 v17, v5  }
0x27f: {  	v10 =	vsel vm4, v6, v18;
	v39 =	vsel vm3, v11, v35;
	v19 =	vsel vm6, v5, v17  }
0x280: {  	v25 =	vsel vm1, v13, v22;
	vm4 =	vgt.f32 v39, v12;
	vm8 =	vgt.f32 v19, v5  }
0x281: {  	v36 =	vsel vm5, v6, v10;
	v37 =	vsel vm4, v12, v39;
	v42 =	vsel vm8, v5, v19  }
0x282: {  	v18 =	vsel vm6, v17, v5;
	v41 =	vsel vm6, v6, v36;
	vm7 =	vgt.f32 v42, v5  }
0x283: {  	v17 =	vsel vm5, v10, v6;
	v40 =	vsel vm8, v6, v41;
	v43 =	vsel vm7, v5, v42  }
0x284: {  	s17 =	simm.s32 $0x20;
	s15 =	simm.s32 $0x100;
	v26 =	vmovc v8;
	v19 =	vsel vm8, v19, v5;
	v10 =	vsel vm7, v40, v6;
	vm9 =	vgt.f32 v43, v5  }
.LBB2_23:
0x285: {  	s18 =	sand.u32 $0x70, s17  }
0x286: {  	s19 =	sand.u32 $0x1C00, s15;
	v32 =	vsel vm8, v41, v32;
	v33 =	vsel vm7, v42, v33;
	v34 =	vsel vm9, v43, v34;
	s20 =	smov.u32 s17;
	s16 =	sadd.s32 $0x10, s17  }
0x287: {  	p0 =	sne.s32 s17, $0x3F0;
	v29 =	vsel vm5, v20, v29;
	v30 =	vsel vm6, v36, v30;
	v36 =	vsel vm7, v38, v40;
	v20 =	vmovc v37;
	s18 =	sor.u32 s18, s19  }
0x288: {  	v24 =	vsel vm0, v23, v24;
	v37 =	vsel vm2, v9, v25;
	v38 =	vmovc v10;
	v31 =	vsel vm9, v36, v31;
	v23 =	vld [tilespmem:s18+$0x280]  }
0x289: {  	v14 =	vsel vm1, v27, v14;
	v15 =	vsel vm2, v28, v15;
	v27 =	vsel vm3, v7, v37  }
0x28a: {  	v11 =	vsel vm3, v35, v11;
	v12 =	vsel vm4, v39, v12;
	v8 =	vsel vm4, v27, v8  }
0x28b: {  	v16 =	vsel vm0, v21, v16;
	v28 =	vor.u32 s20, v0;
	v7 =	vsel vm3, v37, v7  }
0x28c: {  	v13 =	vsel vm1, v22, v13;
	v9 =	vsel vm2, v25, v9;
	v21 =	vcvt.s32.f32 v28  }
0x28d: {  	v37 =	vsel vm4, v26, v27;
	v26 =	vmov v8;
	vm0 =	vgt.f32 v23, v24  }
0x28e: {  	vm5 =	vgt.f32 v20, v29;
	v27 =	vsel vm0, v24, v23;
	v22 =	vsel vm0, v16, v21  }
0x28f: {  	v35 =	vsel vm5, v29, v20;
	v36 =	vsel vm5, v17, v37;
	vm1 =	vgt.f32 v27, v14  }
0x290: {  	vm6 =	vgt.f32 v35, v18;
	v28 =	vsel vm1, v14, v27;
	v25 =	vsel vm1, v13, v22  }
0x291: {  	v40 =	vsel vm6, v18, v35;
	v18 =	vsel vm6, v35, v18;
	vm2 =	vgt.f32 v28, v15  }
.Ltmp10:
0x292: {  	v17 =	vsel vm5, v37, v17;
	vm8 =	vgt.f32 v40, v19;
	v35 =	vsel vm2, v15, v28;
	(pc) =	sbr.rel @p0 .LBB2_23-.Ltmp10, $4  }
0x293: {  	v41 =	vsel vm6, v30, v36;
	v42 =	vsel vm8, v19, v40;
	vm3 =	vgt.f32 v35, v11  }
0x294: {  	v19 =	vsel vm8, v40, v19;
	vm7 =	vgt.f32 v42, v33;
	v39 =	vsel vm3, v11, v35  }
0x295: {  	v40 =	vsel vm8, v32, v41;
	v43 =	vsel vm7, v33, v42;
	vm4 =	vgt.f32 v39, v12  }
0x296: {  	s15 =	sadd.s32 $0x80, s15;
	s17 =	smov.u32 s16;
	v10 =	vsel vm7, v40, v10;
	vm9 =	vgt.f32 v43, v34;
	v37 =	vsel vm4, v12, v39  }
0x297: {  	v24 =	vsel vm0, v23, v24  }
0x298: {  	v23 =	vperm.xlane v24, v1;
	_ =	sdelay $0x1  }
0x299: {  	v23 =	vmax.f32 v24, v23  }
0x29a: {  	v44 =	vperm.xlane v23, v2;
	_ =	sdelay $0x1  }
0x29b: {  	v23 =	vmax.f32 v23, v44  }
0x29c: {  	v44 =	vperm.xlane v23, v3  }
0x29d: {  	v32 =	vsel vm8, v41, v32  }
0x29e: {  	v33 =	vsel vm7, v42, v33;
	v34 =	vsel vm9, v43, v34;
	v23 =	vmax.f32 v23, v44  }
0x29f: {  	v29 =	vsel vm5, v20, v29;
	v20 =	vsel vm7, v38, v40;
	v61 =	vperm.xlane v23, v4  }
0x2a0: {  	v30 =	vsel vm6, v36, v30;
	v62 =	vsel vm2, v9, v25;
	v27 =	vsel vm1, v27, v14  }
0x2a1: {  	v63 =	vsel vm2, v28, v15;
	v14 =	vsel vm0, v21, v16;
	v28 =	vmax.f32 v23, v61  }
0x2a2: {  	v35 =	vsel vm3, v35, v11;
	v11 =	vsel vm4, v39, v12;
	vm0 =	veq.f32 v24, v28  }
0x2a3: {  	v9 =	vsel vm2, v25, v9;
	v31 =	vsel vm9, v20, v31;
	v16 =	vnsel vm0, $0x4E6E6B28, v14  }
0x2a4: {  	v15 =	vsel vm3, v7, v62;
	vm5 =	vgt.f32 v37, v29;
	v20 =	vperm.xlane v16, v1  }
0x2a5: {  	v12 =	vsel vm3, v62, v7;
	v7 =	vsel vm1, v22, v13;
	v13 =	vsel vm5, v29, v37  }
0x2a6: {  	v8 =	vsel vm4, v15, v8;
	vm1 =	vgt.f32 v13, v18;
	v16 =	vmin.f32 v16, v20  }
0x2a7: {  	v15 =	vsel vm4, v26, v15;
	v20 =	vsel vm1, v18, v13;
	v21 =	vperm.xlane v16, v2  }
0x2a8: {  	v22 =	vsel vm5, v17, v15;
	v15 =	vsel vm5, v15, v17;
	vm2 =	vgt.f32 v20, v19  }
0x2a9: {  	v13 =	vsel vm1, v13, v18;
	v23 =	vsel vm2, v19, v20;
	v18 =	vmin.f32 v16, v21  }
0x2aa: {  	v21 =	vsel vm1, v30, v22;
	vm3 =	vgt.f32 v23, v33;
	v25 =	vperm.xlane v18, v3  }
0x2ab: {  	v16 =	vsel vm2, v20, v19;
	v22 =	vsel vm1, v22, v30;
	v26 =	vsel vm2, v32, v21  }
0x2ac: {  	v20 =	vsel vm3, v33, v23;
	v19 =	vsel vm3, v23, v33;
	v25 =	vmin.f32 v18, v25  }
0x2ad: {  	v17 =	vsel vm3, v26, v10;
	vm15 =	vgt.f32 v20, v34;
	v23 =	vperm.xlane v25, v4  }
0x2ae: {  	v10 =	vsel vm3, v10, v26;
	v26 =	vmov s14;
	v18 =	vsel vm2, v21, v32  }
0x2af: {  	v20 =	vsel vm15, v20, v34;
	vm1 =	veq.s32 v26, v0;
	v25 =	vmin.f32 v25, v23  }
0x2b0: {  	v21 =	vsel vm5, v37, v29;
	v5 =	vsel vm1, v28, v5;
	vm2 =	veq.f32 v14, v25  }
0x2b1: {  	v23 =	vsel vm15, v10, v31;
	v6 =	vsel vm1, v25, v6;
	vm0 =	vmand vm0, vm2  }
0x2b2: {  	v10 =	vsel vm0, v27, v24;
	v24 =	vsel vm0, v63, v27;
	v25 =	vsel vm0, $0xFF800000, v20  }
0x2b3: {  	s15 =	simm.s32 $0x2;
	s14 =	simm.s32 $0x1;
	v26 =	vsel vm0, v35, v63;
	v27 =	vsel vm0, v11, v35;
	v28 =	vperm.xlane v10, v1  }
.LBB2_25:
0x2b4: {  	p0 =	sne.s32 s15, $0x9;
	v11 =	vsel vm0, v21, v11;
	v21 =	vsel vm0, v13, v21;
	v13 =	vsel vm0, v16, v13  }
0x2b5: {  	v16 =	vsel vm0, v19, v16;
	v19 =	vsel vm0, v20, v19;
	v20 =	vmovc v25;
	v28 =	vmax.f32 v10, v28  }
0x2b6: {  	v14 =	vsel vm0, v7, v14;
	v7 =	vsel vm0, v9, v7;
	v29 =	vperm.xlane v28, v2  }
0x2b7: {  	v9 =	vsel vm0, v12, v9;
	v12 =	vsel vm0, v8, v12;
	v8 =	vsel vm0, v15, v8  }
0x2b8: {  	v15 =	vsel vm0, v22, v15;
	v22 =	vsel vm0, v18, v22;
	v28 =	vmax.f32 v28, v29  }
0x2b9: {  	v18 =	vsel vm0, v17, v18;
	v17 =	vsel vm0, v23, v17;
	v29 =	vperm.xlane v28, v3  }
0x2ba: {  	v23 =	vsel vm0, $0x4E6E6B28, v23  }
0x2bb: {  	v28 =	vmax.f32 v28, v29  }
0x2bc: {  	v29 =	vperm.xlane v28, v4  }
0x2bd: {  	v30 =	vmov s14;
	s14 =	smov.u32 s15  }
0x2be: {  	vm0 =	veq.s32 v30, v0;
	v28 =	vmax.f32 v28, v29  }
0x2bf: {  	vm1 =	veq.f32 v10, v28;
	v5 =	vsel vm0, v28, v5  }
0x2c0: {  	v28 =	vnsel vm1, $0x4E6E6B28, v14  }
0x2c1: {  	v29 =	vperm.xlane v28, v1;
	_ =	sdelay $0x1  }
0x2c2: {  	v28 =	vmin.f32 v28, v29  }
0x2c3: {  	v29 =	vperm.xlane v28, v2;
	_ =	sdelay $0x1  }
0x2c4: {  	v28 =	vmin.f32 v28, v29  }
0x2c5: {  	v29 =	vperm.xlane v28, v3;
	_ =	sdelay $0x1  }
0x2c6: {  	v28 =	vmin.f32 v28, v29  }
0x2c7: {  	v29 =	vperm.xlane v28, v4;
	_ =	sdelay $0x1  }
.Ltmp11:
0x2c8: {  	v28 =	vmin.f32 v28, v29;
	(pc) =	sbr.rel @p0 .LBB2_25-.Ltmp11, $4  }
0x2c9: {  	v6 =	vsel vm0, v28, v6;
	vm0 =	veq.f32 v14, v28  }
0x2ca: {  	vm0 =	vmand vm1, vm0  }
0x2cb: {  	v10 =	vsel vm0, v24, v10;
	v24 =	vsel vm0, v26, v24;
	v25 =	vsel vm0, $0xFF800000, v25  }
0x2cc: {  	s15 =	sadd.s32 $0x1, s15;
	v26 =	vsel vm0, v27, v26;
	v27 =	vsel vm0, v11, v27;
	v28 =	vperm.xlane v10, v1  }
0x2cd: {  	_ = 	snop  }
0x2ce: {  	v8 =	vmax.f32 v10, v28  }
0x2cf: {  	v9 =	vperm.xlane v8, v2;
	_ =	sdelay $0x1  }
0x2d0: {  	v8 =	vmax.f32 v8, v9  }
0x2d1: {  	v9 =	vperm.xlane v8, v3;
	_ =	sdelay $0x1  }
0x2d2: {  	v8 =	vmax.f32 v8, v9  }
0x2d3: {  	v9 =	vperm.xlane v8, v4;
	_ =	sdelay $0x1  }
0x2d4: {  	v8 =	vmax.f32 v8, v9  }
0x2d5: {  	v7 =	vsel vm0, v7, v14;
	vm0 =	veq.f32 v10, v8  }
0x2d6: {  	v7 =	vnsel vm0, $0x4E6E6B28, v7  }
0x2d7: {  	v9 =	vperm.xlane v7, v1;
	_ =	sdelay $0x1  }
0x2d8: {  	v7 =	vmin.f32 v7, v9  }
0x2d9: {  	v9 =	vperm.xlane v7, v2;
	_ =	sdelay $0x1  }
0x2da: {  	v7 =	vmin.f32 v7, v9  }
0x2db: {  	v9 =	vperm.xlane v7, v3;
	_ =	sdelay $0x1  }
0x2dc: {  	v7 =	vmin.f32 v7, v9  }
0x2dd: {  	v9 =	vperm.xlane v7, v4  }
0x2de: {  	v10 =	vmov s14  }
0x2df: {  	vm0 =	veq.s32 v10, v0;
	v7 =	vmin.f32 v7, v9  }
0x2e0: {  	v6 =	vsel vm0, v7, v6  }
0x2e1: {  	v6 =	vtrunc.f32 v6  }
0x2e2: {  	s14 =	simm.s32 $0x0;
	v5 =	vsel vm0, v8, v5;
	v6 =	vcvt.f32.s32 v6  }
0x2e3: {  	s15 =	sand.u32 $0x70, s14;
	s16 =	sand.u32 $0x1C00, s14;
	[tilespmem:$0x2280] =	vst v5  }
0x2e4: {  	s30 =	simm.s32 $0x10;
	s31 =	simm.s32 $0x80;
	s15 =	sor.u32 s15, s16;
	[tilespmem:$0x2680] =	vst v6  }
0x2e5: {  	s17 =	sand.u32 $0x70, s30;
	s16 =	sand.u32 $0x1C00, s31;
	v7 =	vld [tilespmem:s15+$0x300]  }
0x2e6: {  	s16 =	sor.u32 s17, s16  }
0x2e7: {  	v32 =	vimm.f32 $1.000000000e+09;
	v33 =	vimm.f32 $-Inf;
	v34 =	vimm.f32 $-Inf;
	v23 =	vld [tilespmem:s16+$0x300]  }
0x2e8: {  	v29 =	vimm.f32 $-Inf;
	v30 =	vimm.f32 $1.000000000e+09;
	v6 =	vor.u32 s14, v0  }
0x2e9: {  	v38 =	vimm.f32 $1.000000000e+09;
	v5 =	vimm.f32 $-Inf;
	v10 =	vcvt.s32.f32 v6  }
0x2ea: {  	v31 =	vimm.f32 $1.000000000e+09;
	v6 =	vimm.f32 $1.000000000e+09;
	vm0 =	vgt.f32 v7, v5  }
0x2eb: {  	v8 =	vsel vm0, v5, v7;
	v13 =	vsel vm0, v6, v10;
	v24 =	vsel vm0, v7, v5  }
0x2ec: {  	v16 =	vsel vm0, v10, v6;
	vm1 =	vgt.f32 v8, v5;
	vm0 =	vgt.f32 v23, v24  }
0x2ed: {  	v9 =	vsel vm1, v5, v8;
	v17 =	vsel vm1, v6, v13;
	v14 =	vsel vm1, v8, v5  }
0x2ee: {  	v13 =	vsel vm1, v13, v6;
	v27 =	vsel vm0, v24, v23;
	vm2 =	vgt.f32 v9, v5  }
0x2ef: {  	vm1 =	vgt.f32 v27, v14;
	v11 =	vsel vm2, v5, v9;
	v7 =	vsel vm2, v6, v17  }
0x2f0: {  	v15 =	vsel vm2, v9, v5;
	v9 =	vor.u32 s30, v0;
	vm3 =	vgt.f32 v11, v5  }
0x2f1: {  	v28 =	vsel vm1, v14, v27;
	v21 =	vcvt.s32.f32 v9;
	v12 =	vsel vm3, v5, v11  }
0x2f2: {  	v9 =	vsel vm2, v17, v6;
	vm2 =	vgt.f32 v28, v15;
	vm4 =	vgt.f32 v12, v5  }
0x2f3: {  	v18 =	vsel vm3, v6, v7;
	v11 =	vsel vm3, v11, v5;
	v20 =	vsel vm4, v5, v12  }
0x2f4: {  	v7 =	vsel vm3, v7, v6;
	v35 =	vsel vm2, v15, v28;
	vm5 =	vgt.f32 v20, v5  }
0x2f5: {  	v22 =	vsel vm0, v16, v21;
	vm3 =	vgt.f32 v35, v11;
	v17 =	vsel vm5, v5, v20  }
0x2f6: {  	v12 =	vsel vm4, v12, v5;
	v8 =	vsel vm4, v18, v6;
	vm6 =	vgt.f32 v17, v5  }
0x2f7: {  	v10 =	vsel vm4, v6, v18;
	v39 =	vsel vm3, v11, v35;
	v19 =	vsel vm6, v5, v17  }
0x2f8: {  	v25 =	vsel vm1, v13, v22;
	vm4 =	vgt.f32 v39, v12;
	vm8 =	vgt.f32 v19, v5  }
0x2f9: {  	v36 =	vsel vm5, v6, v10;
	v37 =	vsel vm4, v12, v39;
	v42 =	vsel vm8, v5, v19  }
0x2fa: {  	v18 =	vsel vm6, v17, v5;
	v41 =	vsel vm6, v6, v36;
	vm7 =	vgt.f32 v42, v5  }
0x2fb: {  	v17 =	vsel vm5, v10, v6;
	v40 =	vsel vm8, v6, v41;
	v43 =	vsel vm7, v5, v42  }
0x2fc: {  	s17 =	simm.s32 $0x20;
	s15 =	simm.s32 $0x100;
	v26 =	vmovc v8;
	v19 =	vsel vm8, v19, v5;
	v10 =	vsel vm7, v40, v6;
	vm9 =	vgt.f32 v43, v5  }
.LBB2_27:
0x2fd: {  	s18 =	sand.u32 $0x70, s17  }
0x2fe: {  	s19 =	sand.u32 $0x1C00, s15;
	v32 =	vsel vm8, v41, v32;
	v33 =	vsel vm7, v42, v33;
	v34 =	vsel vm9, v43, v34;
	s20 =	smov.u32 s17;
	s16 =	sadd.s32 $0x10, s17  }
0x2ff: {  	p0 =	sne.s32 s17, $0x3F0;
	v29 =	vsel vm5, v20, v29;
	v30 =	vsel vm6, v36, v30;
	v36 =	vsel vm7, v38, v40;
	v20 =	vmovc v37;
	s18 =	sor.u32 s18, s19  }
0x300: {  	v24 =	vsel vm0, v23, v24;
	v37 =	vsel vm2, v9, v25;
	v38 =	vmovc v10;
	v31 =	vsel vm9, v36, v31;
	v23 =	vld [tilespmem:s18+$0x300]  }
0x301: {  	v14 =	vsel vm1, v27, v14;
	v15 =	vsel vm2, v28, v15;
	v27 =	vsel vm3, v7, v37  }
0x302: {  	v11 =	vsel vm3, v35, v11;
	v12 =	vsel vm4, v39, v12;
	v8 =	vsel vm4, v27, v8  }
0x303: {  	v16 =	vsel vm0, v21, v16;
	v28 =	vor.u32 s20, v0;
	v7 =	vsel vm3, v37, v7  }
0x304: {  	v13 =	vsel vm1, v22, v13;
	v9 =	vsel vm2, v25, v9;
	v21 =	vcvt.s32.f32 v28  }
0x305: {  	v37 =	vsel vm4, v26, v27;
	v26 =	vmov v8;
	vm0 =	vgt.f32 v23, v24  }
0x306: {  	vm5 =	vgt.f32 v20, v29;
	v27 =	vsel vm0, v24, v23;
	v22 =	vsel vm0, v16, v21  }
0x307: {  	v35 =	vsel vm5, v29, v20;
	v36 =	vsel vm5, v17, v37;
	vm1 =	vgt.f32 v27, v14  }
0x308: {  	vm6 =	vgt.f32 v35, v18;
	v28 =	vsel vm1, v14, v27;
	v25 =	vsel vm1, v13, v22  }
0x309: {  	v40 =	vsel vm6, v18, v35;
	v18 =	vsel vm6, v35, v18;
	vm2 =	vgt.f32 v28, v15  }
.Ltmp12:
0x30a: {  	v17 =	vsel vm5, v37, v17;
	vm8 =	vgt.f32 v40, v19;
	v35 =	vsel vm2, v15, v28;
	(pc) =	sbr.rel @p0 .LBB2_27-.Ltmp12, $4  }
0x30b: {  	v41 =	vsel vm6, v30, v36;
	v42 =	vsel vm8, v19, v40;
	vm3 =	vgt.f32 v35, v11  }
0x30c: {  	v19 =	vsel vm8, v40, v19;
	vm7 =	vgt.f32 v42, v33;
	v39 =	vsel vm3, v11, v35  }
0x30d: {  	v40 =	vsel vm8, v32, v41;
	v43 =	vsel vm7, v33, v42;
	vm4 =	vgt.f32 v39, v12  }
0x30e: {  	s15 =	sadd.s32 $0x80, s15;
	s17 =	smov.u32 s16;
	v10 =	vsel vm7, v40, v10;
	vm9 =	vgt.f32 v43, v34;
	v37 =	vsel vm4, v12, v39  }
0x30f: {  	v24 =	vsel vm0, v23, v24  }
0x310: {  	v23 =	vperm.xlane v24, v1;
	_ =	sdelay $0x1  }
0x311: {  	v23 =	vmax.f32 v24, v23  }
0x312: {  	v44 =	vperm.xlane v23, v2;
	_ =	sdelay $0x1  }
0x313: {  	v23 =	vmax.f32 v23, v44  }
0x314: {  	v44 =	vperm.xlane v23, v3  }
0x315: {  	v32 =	vsel vm8, v41, v32  }
0x316: {  	v33 =	vsel vm7, v42, v33;
	v34 =	vsel vm9, v43, v34;
	v23 =	vmax.f32 v23, v44  }
0x317: {  	v29 =	vsel vm5, v20, v29;
	v20 =	vsel vm7, v38, v40;
	v61 =	vperm.xlane v23, v4  }
0x318: {  	v30 =	vsel vm6, v36, v30;
	v62 =	vsel vm2, v9, v25;
	v27 =	vsel vm1, v27, v14  }
0x319: {  	v63 =	vsel vm2, v28, v15;
	v14 =	vsel vm0, v21, v16;
	v28 =	vmax.f32 v23, v61  }
0x31a: {  	v35 =	vsel vm3, v35, v11;
	v11 =	vsel vm4, v39, v12;
	vm0 =	veq.f32 v24, v28  }
0x31b: {  	v9 =	vsel vm2, v25, v9;
	v31 =	vsel vm9, v20, v31;
	v16 =	vnsel vm0, $0x4E6E6B28, v14  }
0x31c: {  	v15 =	vsel vm3, v7, v62;
	vm5 =	vgt.f32 v37, v29;
	v20 =	vperm.xlane v16, v1  }
0x31d: {  	v12 =	vsel vm3, v62, v7;
	v7 =	vsel vm1, v22, v13;
	v13 =	vsel vm5, v29, v37  }
0x31e: {  	v8 =	vsel vm4, v15, v8;
	vm1 =	vgt.f32 v13, v18;
	v16 =	vmin.f32 v16, v20  }
0x31f: {  	v15 =	vsel vm4, v26, v15;
	v20 =	vsel vm1, v18, v13;
	v21 =	vperm.xlane v16, v2  }
0x320: {  	v22 =	vsel vm5, v17, v15;
	v15 =	vsel vm5, v15, v17;
	vm2 =	vgt.f32 v20, v19  }
0x321: {  	v13 =	vsel vm1, v13, v18;
	v23 =	vsel vm2, v19, v20;
	v18 =	vmin.f32 v16, v21  }
0x322: {  	v21 =	vsel vm1, v30, v22;
	vm3 =	vgt.f32 v23, v33;
	v25 =	vperm.xlane v18, v3  }
0x323: {  	v16 =	vsel vm2, v20, v19;
	v22 =	vsel vm1, v22, v30;
	v26 =	vsel vm2, v32, v21  }
0x324: {  	v20 =	vsel vm3, v33, v23;
	v19 =	vsel vm3, v23, v33;
	v25 =	vmin.f32 v18, v25  }
0x325: {  	v17 =	vsel vm3, v26, v10;
	vm15 =	vgt.f32 v20, v34;
	v23 =	vperm.xlane v25, v4  }
0x326: {  	v10 =	vsel vm3, v10, v26;
	v26 =	vmov s14;
	v18 =	vsel vm2, v21, v32  }
0x327: {  	v20 =	vsel vm15, v20, v34;
	vm1 =	veq.s32 v26, v0;
	v25 =	vmin.f32 v25, v23  }
0x328: {  	v21 =	vsel vm5, v37, v29;
	v5 =	vsel vm1, v28, v5;
	vm2 =	veq.f32 v14, v25  }
0x329: {  	v23 =	vsel vm15, v10, v31;
	v6 =	vsel vm1, v25, v6;
	vm0 =	vmand vm0, vm2  }
0x32a: {  	v10 =	vsel vm0, v27, v24;
	v24 =	vsel vm0, v63, v27;
	v25 =	vsel vm0, $0xFF800000, v20  }
0x32b: {  	s15 =	simm.s32 $0x2;
	s14 =	simm.s32 $0x1;
	v26 =	vsel vm0, v35, v63;
	v27 =	vsel vm0, v11, v35;
	v28 =	vperm.xlane v10, v1  }
.LBB2_29:
0x32c: {  	p0 =	sne.s32 s15, $0x9;
	v11 =	vsel vm0, v21, v11;
	v21 =	vsel vm0, v13, v21;
	v13 =	vsel vm0, v16, v13  }
0x32d: {  	v16 =	vsel vm0, v19, v16;
	v19 =	vsel vm0, v20, v19;
	v20 =	vmovc v25;
	v28 =	vmax.f32 v10, v28  }
0x32e: {  	v14 =	vsel vm0, v7, v14;
	v7 =	vsel vm0, v9, v7;
	v29 =	vperm.xlane v28, v2  }
0x32f: {  	v9 =	vsel vm0, v12, v9;
	v12 =	vsel vm0, v8, v12;
	v8 =	vsel vm0, v15, v8  }
0x330: {  	v15 =	vsel vm0, v22, v15;
	v22 =	vsel vm0, v18, v22;
	v28 =	vmax.f32 v28, v29  }
0x331: {  	v18 =	vsel vm0, v17, v18;
	v17 =	vsel vm0, v23, v17;
	v29 =	vperm.xlane v28, v3  }
0x332: {  	v23 =	vsel vm0, $0x4E6E6B28, v23  }
0x333: {  	v28 =	vmax.f32 v28, v29  }
0x334: {  	v29 =	vperm.xlane v28, v4  }
0x335: {  	v30 =	vmov s14;
	s14 =	smov.u32 s15  }
0x336: {  	vm0 =	veq.s32 v30, v0;
	v28 =	vmax.f32 v28, v29  }
0x337: {  	vm1 =	veq.f32 v10, v28;
	v5 =	vsel vm0, v28, v5  }
0x338: {  	v28 =	vnsel vm1, $0x4E6E6B28, v14  }
0x339: {  	v29 =	vperm.xlane v28, v1;
	_ =	sdelay $0x1  }
0x33a: {  	v28 =	vmin.f32 v28, v29  }
0x33b: {  	v29 =	vperm.xlane v28, v2;
	_ =	sdelay $0x1  }
0x33c: {  	v28 =	vmin.f32 v28, v29  }
0x33d: {  	v29 =	vperm.xlane v28, v3;
	_ =	sdelay $0x1  }
0x33e: {  	v28 =	vmin.f32 v28, v29  }
0x33f: {  	v29 =	vperm.xlane v28, v4;
	_ =	sdelay $0x1  }
.Ltmp13:
0x340: {  	v28 =	vmin.f32 v28, v29;
	(pc) =	sbr.rel @p0 .LBB2_29-.Ltmp13, $4  }
0x341: {  	v6 =	vsel vm0, v28, v6;
	vm0 =	veq.f32 v14, v28  }
0x342: {  	vm0 =	vmand vm1, vm0  }
0x343: {  	v10 =	vsel vm0, v24, v10;
	v24 =	vsel vm0, v26, v24;
	v25 =	vsel vm0, $0xFF800000, v25  }
0x344: {  	s15 =	sadd.s32 $0x1, s15;
	v26 =	vsel vm0, v27, v26;
	v27 =	vsel vm0, v11, v27;
	v28 =	vperm.xlane v10, v1  }
0x345: {  	_ = 	snop  }
0x346: {  	v8 =	vmax.f32 v10, v28  }
0x347: {  	v9 =	vperm.xlane v8, v2;
	_ =	sdelay $0x1  }
0x348: {  	v8 =	vmax.f32 v8, v9  }
0x349: {  	v9 =	vperm.xlane v8, v3;
	_ =	sdelay $0x1  }
0x34a: {  	v8 =	vmax.f32 v8, v9  }
0x34b: {  	v9 =	vperm.xlane v8, v4;
	_ =	sdelay $0x1  }
0x34c: {  	v8 =	vmax.f32 v8, v9  }
0x34d: {  	v7 =	vsel vm0, v7, v14;
	vm0 =	veq.f32 v10, v8  }
0x34e: {  	v7 =	vnsel vm0, $0x4E6E6B28, v7  }
0x34f: {  	v9 =	vperm.xlane v7, v1;
	_ =	sdelay $0x1  }
0x350: {  	v7 =	vmin.f32 v7, v9  }
0x351: {  	v9 =	vperm.xlane v7, v2;
	_ =	sdelay $0x1  }
0x352: {  	v7 =	vmin.f32 v7, v9  }
0x353: {  	v9 =	vperm.xlane v7, v3;
	_ =	sdelay $0x1  }
0x354: {  	v7 =	vmin.f32 v7, v9  }
0x355: {  	v9 =	vperm.xlane v7, v4  }
0x356: {  	v10 =	vmov s14  }
0x357: {  	vm0 =	veq.s32 v10, v0;
	v7 =	vmin.f32 v7, v9  }
0x358: {  	v6 =	vsel vm0, v7, v6  }
0x359: {  	v6 =	vtrunc.f32 v6  }
0x35a: {  	s14 =	simm.s32 $0x0;
	v5 =	vsel vm0, v8, v5;
	v6 =	vcvt.f32.s32 v6  }
0x35b: {  	s15 =	sor.u32 s14, s14;
	[tilespmem:$0x2300] =	vst v5  }
0x35c: {  	s31 =	simm.s32 $0x10;
	s16 =	simm.s32 $0x80;
	s15 =	sor.u32 $0x380, s15;
	[tilespmem:$0x2700] =	vst v6  }
0x35d: {  	s16 =	sor.u32 s16, s31;
	v7 =	vld [tilespmem:s15+$0x0]  }
0x35e: {  	s16 =	sor.u32 $0x380, s16  }
0x35f: {  	v32 =	vimm.f32 $1.000000000e+09;
	v33 =	vimm.f32 $-Inf;
	v34 =	vimm.f32 $-Inf;
	v23 =	vld [tilespmem:s16+$0x0]  }
0x360: {  	v29 =	vimm.f32 $-Inf;
	v30 =	vimm.f32 $1.000000000e+09;
	v6 =	vor.u32 s14, v0  }
0x361: {  	v38 =	vimm.f32 $1.000000000e+09;
	v5 =	vimm.f32 $-Inf;
	v10 =	vcvt.s32.f32 v6  }
0x362: {  	v31 =	vimm.f32 $1.000000000e+09;
	v6 =	vimm.f32 $1.000000000e+09;
	vm0 =	vgt.f32 v7, v5  }
0x363: {  	v8 =	vsel vm0, v5, v7;
	v13 =	vsel vm0, v6, v10;
	v24 =	vsel vm0, v7, v5  }
0x364: {  	v16 =	vsel vm0, v10, v6;
	vm1 =	vgt.f32 v8, v5;
	vm0 =	vgt.f32 v23, v24  }
0x365: {  	v9 =	vsel vm1, v5, v8;
	v17 =	vsel vm1, v6, v13;
	v14 =	vsel vm1, v8, v5  }
0x366: {  	v13 =	vsel vm1, v13, v6;
	v27 =	vsel vm0, v24, v23;
	vm2 =	vgt.f32 v9, v5  }
0x367: {  	vm1 =	vgt.f32 v27, v14;
	v11 =	vsel vm2, v5, v9;
	v7 =	vsel vm2, v6, v17  }
0x368: {  	v15 =	vsel vm2, v9, v5;
	v9 =	vor.u32 s31, v0;
	vm3 =	vgt.f32 v11, v5  }
0x369: {  	v28 =	vsel vm1, v14, v27;
	v21 =	vcvt.s32.f32 v9;
	v12 =	vsel vm3, v5, v11  }
0x36a: {  	v9 =	vsel vm2, v17, v6;
	vm2 =	vgt.f32 v28, v15;
	vm4 =	vgt.f32 v12, v5  }
0x36b: {  	v18 =	vsel vm3, v6, v7;
	v11 =	vsel vm3, v11, v5;
	v20 =	vsel vm4, v5, v12  }
0x36c: {  	v7 =	vsel vm3, v7, v6;
	v35 =	vsel vm2, v15, v28;
	vm5 =	vgt.f32 v20, v5  }
0x36d: {  	v22 =	vsel vm0, v16, v21;
	vm3 =	vgt.f32 v35, v11;
	v17 =	vsel vm5, v5, v20  }
0x36e: {  	v12 =	vsel vm4, v12, v5;
	v8 =	vsel vm4, v18, v6;
	vm6 =	vgt.f32 v17, v5  }
0x36f: {  	v10 =	vsel vm4, v6, v18;
	v39 =	vsel vm3, v11, v35;
	v19 =	vsel vm6, v5, v17  }
0x370: {  	v25 =	vsel vm1, v13, v22;
	vm4 =	vgt.f32 v39, v12;
	vm7 =	vgt.f32 v19, v5  }
0x371: {  	v36 =	vsel vm5, v6, v10;
	v37 =	vsel vm4, v12, v39;
	v41 =	vsel vm7, v5, v19  }
0x372: {  	v18 =	vsel vm6, v17, v5;
	v40 =	vsel vm6, v6, v36;
	vm8 =	vgt.f32 v41, v5  }
0x373: {  	v17 =	vsel vm5, v10, v6;
	v42 =	vsel vm7, v6, v40;
	v43 =	vsel vm8, v5, v41  }
0x374: {  	s15 =	simm.s32 $0x20;
	s16 =	simm.s32 $0x100;
	v26 =	vmovc v8;
	v19 =	vsel vm7, v19, v5;
	v10 =	vsel vm8, v42, v6;
	vm9 =	vgt.f32 v43, v5  }
.LBB2_31:
0x375: {  	s17 =	sor.u32 s16, s15  }
0x376: {  	p0 =	sne.s32 s15, $0x3F0;
	v32 =	vsel vm7, v40, v32;
	v33 =	vsel vm8, v41, v33;
	v34 =	vsel vm9, v43, v34;
	s18 =	smov.u32 s15;
	s15 =	sadd.s32 $0x10, s15  }
0x377: {  	v29 =	vsel vm5, v20, v29;
	v30 =	vsel vm6, v36, v30;
	v36 =	vsel vm8, v38, v42;
	v20 =	vmovc v37;
	s17 =	sor.u32 $0x380, s17  }
0x378: {  	v24 =	vsel vm0, v23, v24;
	v37 =	vsel vm2, v9, v25;
	v38 =	vmovc v10;
	v31 =	vsel vm9, v36, v31;
	v23 =	vld [tilespmem:s17+$0x0]  }
0x379: {  	v14 =	vsel vm1, v27, v14;
	v15 =	vsel vm2, v28, v15;
	v27 =	vsel vm3, v7, v37  }
0x37a: {  	v11 =	vsel vm3, v35, v11;
	v12 =	vsel vm4, v39, v12;
	v8 =	vsel vm4, v27, v8  }
0x37b: {  	v16 =	vsel vm0, v21, v16;
	v28 =	vor.u32 s18, v0;
	v7 =	vsel vm3, v37, v7  }
0x37c: {  	v13 =	vsel vm1, v22, v13;
	v9 =	vsel vm2, v25, v9;
	v21 =	vcvt.s32.f32 v28  }
0x37d: {  	v37 =	vsel vm4, v26, v27;
	v26 =	vmov v8;
	vm0 =	vgt.f32 v23, v24  }
0x37e: {  	vm5 =	vgt.f32 v20, v29;
	v27 =	vsel vm0, v24, v23;
	v22 =	vsel vm0, v16, v21  }
0x37f: {  	v35 =	vsel vm5, v29, v20;
	v36 =	vsel vm5, v17, v37;
	vm1 =	vgt.f32 v27, v14  }
0x380: {  	vm6 =	vgt.f32 v35, v18;
	v28 =	vsel vm1, v14, v27;
	v25 =	vsel vm1, v13, v22  }
0x381: {  	v42 =	vsel vm6, v18, v35;
	v18 =	vsel vm6, v35, v18;
	vm2 =	vgt.f32 v28, v15  }
.Ltmp14:
0x382: {  	v17 =	vsel vm5, v37, v17;
	vm7 =	vgt.f32 v42, v19;
	v35 =	vsel vm2, v15, v28;
	(pc) =	sbr.rel @p0 .LBB2_31-.Ltmp14, $4  }
0x383: {  	v40 =	vsel vm6, v30, v36;
	v41 =	vsel vm7, v19, v42;
	vm3 =	vgt.f32 v35, v11  }
0x384: {  	v19 =	vsel vm7, v42, v19;
	vm8 =	vgt.f32 v41, v33;
	v39 =	vsel vm3, v11, v35  }
0x385: {  	v42 =	vsel vm7, v32, v40;
	v43 =	vsel vm8, v33, v41;
	vm4 =	vgt.f32 v39, v12  }
0x386: {  	s16 =	sadd.s32 $0x80, s16;
	v10 =	vsel vm8, v42, v10;
	vm9 =	vgt.f32 v43, v34;
	v37 =	vsel vm4, v12, v39  }
0x387: {  	v24 =	vsel vm0, v23, v24  }
0x388: {  	v23 =	vperm.xlane v24, v1;
	_ =	sdelay $0x1  }
0x389: {  	v23 =	vmax.f32 v24, v23  }
0x38a: {  	v44 =	vperm.xlane v23, v2;
	_ =	sdelay $0x1  }
0x38b: {  	v23 =	vmax.f32 v23, v44  }
0x38c: {  	v44 =	vperm.xlane v23, v3  }
0x38d: {  	v32 =	vsel vm7, v40, v32  }
0x38e: {  	v33 =	vsel vm8, v41, v33;
	v34 =	vsel vm9, v43, v34;
	v23 =	vmax.f32 v23, v44  }
0x38f: {  	v29 =	vsel vm5, v20, v29;
	v20 =	vsel vm8, v38, v42;
	v61 =	vperm.xlane v23, v4  }
0x390: {  	v30 =	vsel vm6, v36, v30;
	v62 =	vsel vm2, v9, v25;
	v27 =	vsel vm1, v27, v14  }
0x391: {  	v63 =	vsel vm2, v28, v15;
	v14 =	vsel vm0, v21, v16;
	v28 =	vmax.f32 v23, v61  }
0x392: {  	v35 =	vsel vm3, v35, v11;
	v11 =	vsel vm4, v39, v12;
	vm0 =	veq.f32 v24, v28  }
0x393: {  	v9 =	vsel vm2, v25, v9;
	v31 =	vsel vm9, v20, v31;
	v16 =	vnsel vm0, $0x4E6E6B28, v14  }
0x394: {  	v15 =	vsel vm3, v7, v62;
	vm5 =	vgt.f32 v37, v29;
	v20 =	vperm.xlane v16, v1  }
0x395: {  	v12 =	vsel vm3, v62, v7;
	v7 =	vsel vm1, v22, v13;
	v13 =	vsel vm5, v29, v37  }
0x396: {  	v8 =	vsel vm4, v15, v8;
	vm1 =	vgt.f32 v13, v18;
	v16 =	vmin.f32 v16, v20  }
0x397: {  	v15 =	vsel vm4, v26, v15;
	v20 =	vsel vm1, v18, v13;
	v21 =	vperm.xlane v16, v2  }
0x398: {  	v22 =	vsel vm5, v17, v15;
	v15 =	vsel vm5, v15, v17;
	vm2 =	vgt.f32 v20, v19  }
0x399: {  	v13 =	vsel vm1, v13, v18;
	v23 =	vsel vm2, v19, v20;
	v18 =	vmin.f32 v16, v21  }
0x39a: {  	v21 =	vsel vm1, v30, v22;
	vm3 =	vgt.f32 v23, v33;
	v25 =	vperm.xlane v18, v3  }
0x39b: {  	v16 =	vsel vm2, v20, v19;
	v22 =	vsel vm1, v22, v30;
	v26 =	vsel vm2, v32, v21  }
0x39c: {  	v20 =	vsel vm3, v33, v23;
	v19 =	vsel vm3, v23, v33;
	v25 =	vmin.f32 v18, v25  }
0x39d: {  	v17 =	vsel vm3, v26, v10;
	vm15 =	vgt.f32 v20, v34;
	v23 =	vperm.xlane v25, v4  }
0x39e: {  	v10 =	vsel vm3, v10, v26;
	v26 =	vmov s14;
	v18 =	vsel vm2, v21, v32  }
0x39f: {  	v20 =	vsel vm15, v20, v34;
	vm1 =	veq.s32 v26, v0;
	v25 =	vmin.f32 v25, v23  }
0x3a0: {  	v21 =	vsel vm5, v37, v29;
	v5 =	vsel vm1, v28, v5;
	vm2 =	veq.f32 v14, v25  }
0x3a1: {  	v23 =	vsel vm15, v10, v31;
	v6 =	vsel vm1, v25, v6;
	vm0 =	vmand vm0, vm2  }
0x3a2: {  	v10 =	vsel vm0, v27, v24;
	v24 =	vsel vm0, v63, v27;
	v25 =	vsel vm0, $0xFF800000, v20  }
0x3a3: {  	s15 =	simm.s32 $0x2;
	s14 =	simm.s32 $0x1;
	v26 =	vsel vm0, v35, v63;
	v27 =	vsel vm0, v11, v35;
	v28 =	vperm.xlane v10, v1  }
.LBB2_33:
0x3a4: {  	p0 =	sne.s32 s15, $0x9;
	v11 =	vsel vm0, v21, v11;
	v21 =	vsel vm0, v13, v21;
	v13 =	vsel vm0, v16, v13  }
0x3a5: {  	v16 =	vsel vm0, v19, v16;
	v19 =	vsel vm0, v20, v19;
	v20 =	vmovc v25;
	v28 =	vmax.f32 v10, v28  }
0x3a6: {  	v14 =	vsel vm0, v7, v14;
	v7 =	vsel vm0, v9, v7;
	v29 =	vperm.xlane v28, v2  }
0x3a7: {  	v9 =	vsel vm0, v12, v9;
	v12 =	vsel vm0, v8, v12;
	v8 =	vsel vm0, v15, v8  }
0x3a8: {  	v15 =	vsel vm0, v22, v15;
	v22 =	vsel vm0, v18, v22;
	v28 =	vmax.f32 v28, v29  }
0x3a9: {  	v18 =	vsel vm0, v17, v18;
	v17 =	vsel vm0, v23, v17;
	v29 =	vperm.xlane v28, v3  }
0x3aa: {  	v23 =	vsel vm0, $0x4E6E6B28, v23  }
0x3ab: {  	v28 =	vmax.f32 v28, v29  }
0x3ac: {  	v29 =	vperm.xlane v28, v4  }
0x3ad: {  	v30 =	vmov s14;
	s14 =	smov.u32 s15  }
0x3ae: {  	vm0 =	veq.s32 v30, v0;
	v28 =	vmax.f32 v28, v29  }
0x3af: {  	vm1 =	veq.f32 v10, v28;
	v5 =	vsel vm0, v28, v5  }
0x3b0: {  	v28 =	vnsel vm1, $0x4E6E6B28, v14  }
0x3b1: {  	v29 =	vperm.xlane v28, v1;
	_ =	sdelay $0x1  }
0x3b2: {  	v28 =	vmin.f32 v28, v29  }
0x3b3: {  	v29 =	vperm.xlane v28, v2;
	_ =	sdelay $0x1  }
0x3b4: {  	v28 =	vmin.f32 v28, v29  }
0x3b5: {  	v29 =	vperm.xlane v28, v3;
	_ =	sdelay $0x1  }
0x3b6: {  	v28 =	vmin.f32 v28, v29  }
0x3b7: {  	v29 =	vperm.xlane v28, v4;
	_ =	sdelay $0x1  }
.Ltmp15:
0x3b8: {  	v28 =	vmin.f32 v28, v29;
	(pc) =	sbr.rel @p0 .LBB2_33-.Ltmp15, $4  }
0x3b9: {  	v6 =	vsel vm0, v28, v6;
	vm0 =	veq.f32 v14, v28  }
0x3ba: {  	vm0 =	vmand vm1, vm0  }
0x3bb: {  	v10 =	vsel vm0, v24, v10;
	v24 =	vsel vm0, v26, v24;
	v25 =	vsel vm0, $0xFF800000, v25  }
0x3bc: {  	s15 =	sadd.s32 $0x1, s15;
	v26 =	vsel vm0, v27, v26;
	v27 =	vsel vm0, v11, v27;
	v28 =	vperm.xlane v10, v1  }
0x3bd: {  	_ = 	snop  }
0x3be: {  	v8 =	vmax.f32 v10, v28  }
0x3bf: {  	v9 =	vperm.xlane v8, v2;
	_ =	sdelay $0x1  }
0x3c0: {  	v8 =	vmax.f32 v8, v9  }
0x3c1: {  	v9 =	vperm.xlane v8, v3;
	_ =	sdelay $0x1  }
0x3c2: {  	v8 =	vmax.f32 v8, v9  }
0x3c3: {  	v9 =	vperm.xlane v8, v4;
	_ =	sdelay $0x1  }
0x3c4: {  	v8 =	vmax.f32 v8, v9  }
0x3c5: {  	v7 =	vsel vm0, v7, v14;
	vm14 =	veq.f32 v10, v8  }
0x3c6: {  	v7 =	vnsel vm14, $0x4E6E6B28, v7  }
0x3c7: {  	v62 =	vperm.xlane v7, v1;
	_ =	sdelay $0x1  }
0x3c8: {  	v7 =	vmin.f32 v7, v62  }
0x3c9: {  	v9 =	vperm.xlane v7, v2;
	_ =	sdelay $0x1  }
0x3ca: {  	v7 =	vmin.f32 v7, v9  }
0x3cb: {  	v9 =	vperm.xlane v7, v3;
	_ =	sdelay $0x1  }
0x3cc: {  	v7 =	vmin.f32 v7, v9  }
0x3cd: {  	v9 =	vperm.xlane v7, v4  }
0x3ce: {  	v63 =	vmov s14  }
0x3cf: {  	vm15 =	veq.s32 v63, v0;
	v7 =	vmin.f32 v7, v9  }
0x3d0: {  	v6 =	vsel vm15, v7, v6  }
0x3d1: {  	v6 =	vtrunc.f32 v6  }
0x3d2: {  	v5 =	vsel vm15, v8, v5;
	v6 =	vcvt.f32.s32 v6  }
0x3d3: {  	s13 =	sshll.u32 s13, $0x7;
	[tilespmem:$0x2380] =	vst v5  }
0x3d4: {  	s31 =	sadd.s32 s3, s13;
	[tilespmem:$0x2780] =	vst v6  }
0x3d5: {  	[hbm4b:s31+s1] =	stream.linear.scatter [tilespmem:s9], [sflag:$0x1], $0x400, $0x38;
	[tilespmem:$0x2800] =	vst v63  }
0x3d6: {  	s12 =	sadd.s32 $0x1, s12;
	_ =	swait.ge [sflag:s8], $0x400  }
0x3d7: {  	p0 =	sne.s32 s12, $0x40;
	[sflag:s8] =	ssyncset.done $0x0  }
.Ltmp16:
0x3d8: {  	s13 =	sadd.s32 s5, s13;
	[sflag:s8] =	ssyncadd.s32 $0xFFFFFC00;
	(pc) =	sbr.rel @p0 .LBB2_2-.Ltmp16, $4  }
0x3d9: {  	[hbm4b:s13+s1] =	stream.linear.scatter [tilespmem:s10], [sflag:$0x1], $0x400, $0x38;
	[tilespmem:$0x2800] =	vst v63  }
0x3da: {  	_ =	swait.ge [sflag:s8], $0x400  }
0x3db: {  	[sflag:s8] =	ssyncset.done $0x0  }
0x3dc: {  	[sflag:s8] =	ssyncadd.s32 $0xFFFFFC00  }
0x3dd: {  	s11 =	sadd.s32 $0x1, s11  }
0x3de: {  	p0 =	sne.s32 s11, s7  }
.Ltmp17:
0x3df: {  	_ = 	snop;
	(pc) =	sbr.rel @p0 .LBB2_1-.Ltmp17, $1  }
0x3e0: {  	_ =	sdelay $0x3  }
0x3e1: {  	_ =	sfence.sel $0x180000  }
0x3e2: {  	[bflag:$0x0] =	sbarrier.arrive $0xFFFF  }
0x3e3: {  	p0 =	sne.s32 s4, $0x0;
	_ =	strace $0x90000047  }
0x3e4: {  	s0 =	sadd.s32 @!p0 $0x100000, s0;
	[bflag:$0x2] =	sbarrier.arrive $0xFFFF  }
0x3e5: {  	[sflag:s0] =	ssyncadd.tile.s32 @!p0 $0x1;
	_ =	shalt  }
.Lfunc_end2:
_tile_overlayer_lowered:
.L_overlay_start_2:
0x3e6: {  	(tag) =	ssettag $0x2  }
0x3e7: {  	s0 =	rddreg [dreg:$0x0];
	s2 =	stileid.u32  }
0x3e8: {  	s1 =	rddreg [dreg:$0x1];
	p0 =	sne.s32 s2, $0x0  }
0x3e9: {  	s3 =	rddreg [dreg:$0x2];
	[bflag:$0x3] =	sbarrier.arrive $0xFFFF;
	s2 =	simm.s32 @!p0 $0x1C01  }
0x3ea: {  	[timem:s3], [sflag:s2] =	dma.local @!p0 [hbm:s0], s1  }
0x3eb: {  	s0 =	simm.s32 @!p0 $0x1  }
0x3ec: {  	_ =	swait.ge @!p0 [sflag:s0], s1  }
0x3ed: {  	s1 =	ssub.s32 @!p0 $0x0, s1;
	[sflag:s0] =	ssyncset.done @!p0 $0x0  }
0x3ee: {  	[sflag:s0] =	ssyncadd.s32 @!p0 s1  }
0x3ef: {  	[bflag:$0x3] =	sbarrier.arrive $0xFFFF  }
0x3f0: {  	_ =	shalt  }

</sc_bundles>
